<compile_context>
chip_gen: v7x
topology: tpu7x:2x2x1
jax: 0.10.2.dev20260603
libtpu: 0.0.44.dev20260713+nightly
codegen_flags: <defaults>
</compile_context>

<pallas_src>
import jax
import jax.numpy as jnp
from jax import lax
from jax.experimental import pallas as pl
from jax.experimental.pallas import tpu as pltpu
from jax.experimental.pallas import tpu_sc as plsc

_MAX_DET = 100
_NCAND = 104
_BALL_BBOX = 40.0


def _stable_sigmoid(d):
    pos = 1.0 / (1.0 + jnp.exp(-d))
    e = jnp.exp(d)
    neg = e / (1.0 + e)
    return jnp.where(d >= 0, pos, neg)


def _nms_conf(x0, x1, B, H, W):
    conf = _stable_sigmoid(x1 - x0)
    neg = jnp.float32(-jnp.inf)
    padrow = jnp.full((B, 1, W), neg, jnp.float32)
    up = jnp.concatenate([conf[:, 1:], padrow], axis=1)
    dn = jnp.concatenate([padrow, conf[:, :-1]], axis=1)
    v = jnp.maximum(conf, jnp.maximum(up, dn))
    padcol = jnp.full((B, H, 1), neg, jnp.float32)
    lf = jnp.concatenate([v[:, :, 1:], padcol], axis=2)
    rt = jnp.concatenate([padcol, v[:, :, :-1]], axis=2)
    pooled = jnp.maximum(v, jnp.maximum(lf, rt))
    return jnp.where(conf == pooled, conf, 0.0)


def _dense_kernel(pfm_ref, bfm_ref, cmp_ref, cmb_ref):
    cmp_ref[...] = _nms_conf(pfm_ref[:, 0], pfm_ref[:, 1], 1, 68, 120)
    cmb_ref[...] = _nms_conf(bfm_ref[:, 0], bfm_ref[:, 1], 1, 272, 480)



def _sc_select(cmp_hbm, cmb_hbm, pbb_hbm,
               pval_o, pidx_o, pbbv_o, bval_o, bidx_o,
               p_data, p_l1, b_data, b_l1, b_l2, pbb_loc,
               pval_b, pidx_b, pbbv_b, bval_b, bidx_b, dma_sem):
    b = lax.axis_index("s")
    h = lax.axis_index("c")
    wid = h * 16 + b
    lane = lax.broadcasted_iota(jnp.int32, (16,), 0)
    zi = jnp.zeros((16,), jnp.int32)
    zf = jnp.zeros((16,), jnp.float32)
    NEG = jnp.float32(-1.0)
    negv = jnp.full((16,), NEG, jnp.float32)

    ball_dma = pltpu.async_copy(
        cmb_hbm.at[pl.ds(b * 130560 + h * 65280, 65280)], b_data, dma_sem)
    pltpu.sync_copy(cmp_hbm.at[pl.ds(b * 8160 + h * 4080, 4080)],
                    p_data.at[pl.ds(0, 4080)])
    p_data[pl.ds(4080, 16)] = negv
    for ch in range(4):
        pltpu.sync_copy(
            pbb_hbm.at[pl.ds(b * 32640 + ch * 8160 + h * 4080, 4080)],
            pbb_loc.at[pl.ds(ch * 4080, 4080)])

    def build_level(src_ref, dst_ref, n_dst_vregs):
        def outer(mi, _):
            rows = (mi * 16 + lane) * 16
            acc = negv
            for c_ in range(16):
                acc = jnp.maximum(acc, plsc.load_gather(src_ref, [rows + c_]))
            dst_ref[pl.ds(mi * 16, 16)] = acc
            return 0
        lax.fori_loop(0, n_dst_vregs, outer, 0)

    def build_top(src_ref):
        acc = negv
        for c_ in range(16):
            acc = jnp.maximum(acc, plsc.load_gather(src_ref, [lane * 16 + c_]))
        return acc

    build_level(p_data, p_l1, 16)
    p_top = build_top(p_l1)

    def ffs_eq(v, m):
        return jnp.min(jnp.where(v == m, lane, 16))

    def make_step(levels, data_ref, record):
        def step(i, top):
            m = jnp.max(top)
            g = ffs_eq(top, m)
            vregs = []
            idx = g
            for ref in levels:
                v = ref[pl.ds(idx * 16, 16)]
                vregs.append(v)
                idx = idx * 16 + ffs_eq(v, m)
            dv = data_ref[pl.ds(idx * 16, 16)]
            l = ffs_eq(dv, m)
            cell = idx * 16 + l
            record(i, m, cell)
            ndv = jnp.where(lane == l, NEG, dv)
            data_ref[pl.ds(idx * 16, 16)] = ndv
            nm = jnp.max(ndv)
            child = idx
            for ref, v in zip(reversed(levels), reversed(vregs)):
                parent = child // 16
                nv = jnp.where(lane == child - parent * 16, nm, v)
                ref[pl.ds(parent * 16, 16)] = nv
                nm = jnp.max(nv)
                child = parent
            return jnp.where(lane == child, nm, top)
        return step

    def rec_player(i, m, cell):
        slot = zi + i
        one = lane == 0
        plsc.store_scatter(pval_b, [slot], zf + m, mask=one)
        plsc.store_scatter(pidx_b, [slot], zi + (h * 4080 + cell), mask=one)
        gidx = jnp.where(lane < 4, cell + lane * 4080, 0)
        bbv = plsc.load_gather(pbb_loc, [gidx])
        plsc.store_scatter(pbbv_b, [i * 4 + lane], bbv, mask=lane < 4)

    def rec_ball(i, m, cell):
        slot = zi + i
        one = lane == 0
        plsc.store_scatter(bval_b, [slot], zf + m, mask=one)
        plsc.store_scatter(bidx_b, [slot], zi + (h * 65280 + cell), mask=one)

    ball_dma.wait()
    build_level(b_data, b_l1, 255)
    b_l1[pl.ds(4080, 16)] = negv
    build_level(b_l1, b_l2, 16)
    b_top = build_top(b_l2)

    step_p = make_step([p_l1], p_data, rec_player)
    step_b = make_step([b_l2, b_l1], b_data, rec_ball)

    def step_both(i, carry):
        tp, tb = carry
        return (step_p(i, tp), step_b(i, tb))

    lax.fori_loop(0, _NCAND, step_both, (p_top, b_top))

    pltpu.sync_copy(pval_b, pval_o.at[pl.ds(wid * _NCAND, _NCAND)])
    pltpu.sync_copy(pidx_b, pidx_o.at[pl.ds(wid * _NCAND, _NCAND)])
    pltpu.sync_copy(pbbv_b, pbbv_o.at[pl.ds(wid * 4 * _NCAND, 4 * _NCAND)])
    pltpu.sync_copy(bval_b, bval_o.at[pl.ds(wid * _NCAND, _NCAND)])
    pltpu.sync_copy(bidx_b, bidx_o.at[pl.ds(wid * _NCAND, _NCAND)])



def _rank_merge(vA, iA, vB, iB):
    la = lax.broadcasted_iota(jnp.int32, (16, _NCAND), 1)
    vA3 = vA[:, :, None]
    iA3 = iA[:, :, None]
    vB3 = vB[:, None, :]
    iB3 = iB[:, None, :]
    b_over_a = (vB3 > vA3) | ((vB3 == vA3) & (iB3 < iA3))
    rankA = la + jnp.sum(b_over_a.astype(jnp.int32), axis=2)
    a_over_b = (vA3 > vB3) | ((vA3 == vB3) & (iA3 < iB3))
    rankB = la + jnp.sum(a_over_b.astype(jnp.int32), axis=1)
    return rankA, rankB


def _scatter_slots(rankA, rankB, fA, fB):
    slot = lax.broadcasted_iota(jnp.int32, (1, 1, 128), 2)
    mA = rankA[:, :, None] == slot
    mB = rankB[:, :, None] == slot
    zero = jnp.zeros((), fA.dtype)
    return (jnp.sum(jnp.where(mA, fA[:, :, None], zero), axis=1) +
            jnp.sum(jnp.where(mB, fB[:, :, None], zero), axis=1))


def _merge_kernel(pval_ref, pidx_ref, pbbs_ref, bval_ref, bidx_ref,
                  pout_ref, bout_ref):
    zero = jnp.zeros((16, 128), jnp.float32)

    vA, vB = pval_ref[0:16], pval_ref[16:32]
    iA, iB = pidx_ref[0:16], pidx_ref[16:32]
    rankA, rankB = _rank_merge(vA, iA, vB, iB)
    val = _scatter_slots(rankA, rankB, vA, vB)
    idx = _scatter_slots(rankA, rankB, iA, iB)
    ts = []
    scales = (1920.0, 1088.0, 1920.0, 1088.0)
    for ch in range(4):
        t = _scatter_slots(rankA, rankB, pbbs_ref[0:16, ch], pbbs_ref[16:32, ch])
        ts.append(t * scales[ch])
    r = (idx // 120).astype(jnp.float32)
    c = (idx % 120).astype(jnp.float32)
    xc = c * 16.0 + 7.5
    yc = r * 16.0 + 7.5
    bx = xc + ts[0]
    by = yc + ts[1]
    rows = [bx - 0.5 * ts[2], by - 0.5 * ts[3], bx + 0.5 * ts[2],
            by + 0.5 * ts[3], val, zero, zero, zero]
    pout_ref[...] = jnp.concatenate([x[:, None, :] for x in rows], axis=1)

    vA, vB = bval_ref[0:16], bval_ref[16:32]
    iA, iB = bidx_ref[0:16], bidx_ref[16:32]
    rankA, rankB = _rank_merge(vA, iA, vB, iB)
    val = _scatter_slots(rankA, rankB, vA, vB)
    idx = _scatter_slots(rankA, rankB, iA, iB)
    r = (idx // 480).astype(jnp.float32)
    c = (idx % 480).astype(jnp.float32)
    xc = c * 4.0 + 1.5
    yc = r * 4.0 + 1.5
    half = 0.5 * _BALL_BBOX
    rows = [xc - half, yc - half, xc + half, yc + half, val,
            zero, zero, zero]
    bout_ref[...] = jnp.concatenate([x[:, None, :] for x in rows], axis=1)


@jax.jit
def kernel(player_feature_map, player_bbox, ball_feature_map):
    B = player_feature_map.shape[0]
    cmp3, cmb3 = pl.pallas_call(
        _dense_kernel,
        grid=(B,),
        in_specs=[pl.BlockSpec((1, 2, 68, 120), lambda i: (i, 0, 0, 0)),
                  pl.BlockSpec((1, 2, 272, 480), lambda i: (i, 0, 0, 0))],
        out_specs=[pl.BlockSpec((1, 68, 120), lambda i: (i, 0, 0)),
                   pl.BlockSpec((1, 272, 480), lambda i: (i, 0, 0))],
        out_shape=[jax.ShapeDtypeStruct((B, 68, 120), jnp.float32),
                   jax.ShapeDtypeStruct((B, 272, 480), jnp.float32)],
    )(player_feature_map, ball_feature_map)

    cmp_flat = cmp3.reshape(B * 8160)
    cmb_flat = cmb3.reshape(B * 130560)
    pbb_flat = player_bbox.reshape(B * 4 * 8160)

    mesh = plsc.VectorSubcoreMesh(core_axis_name="c", subcore_axis_name="s")
    sc = pl.kernel(
        _sc_select,
        out_type=[
            jax.ShapeDtypeStruct((32 * _NCAND,), jnp.float32),
            jax.ShapeDtypeStruct((32 * _NCAND,), jnp.int32),
            jax.ShapeDtypeStruct((32 * 4 * _NCAND,), jnp.float32),
            jax.ShapeDtypeStruct((32 * _NCAND,), jnp.float32),
            jax.ShapeDtypeStruct((32 * _NCAND,), jnp.int32),
        ],
        mesh=mesh,
        compiler_params=pltpu.CompilerParams(needs_layout_passes=False),
        scratch_types=[
            pltpu.VMEM((4096,), jnp.float32),
            pltpu.VMEM((256,), jnp.float32),
            pltpu.VMEM((65280,), jnp.float32),
            pltpu.VMEM((4096,), jnp.float32),
            pltpu.VMEM((256,), jnp.float32),
            pltpu.VMEM((16320,), jnp.float32),
            pltpu.VMEM((_NCAND,), jnp.float32),
            pltpu.VMEM((_NCAND,), jnp.int32),
            pltpu.VMEM((4 * _NCAND,), jnp.float32),
            pltpu.VMEM((_NCAND,), jnp.float32),
            pltpu.VMEM((_NCAND,), jnp.int32),
            pltpu.SemaphoreType.DMA,
        ],
    )
    pval, pidx, pbbv, bval, bidx = sc(cmp_flat, cmb_flat, pbb_flat)
    pval = pval.reshape(32, _NCAND)
    pidx = pidx.reshape(32, _NCAND)
    bval = bval.reshape(32, _NCAND)
    bidx = bidx.reshape(32, _NCAND)
    pbbs = jnp.transpose(pbbv.reshape(32, _NCAND, 4), (0, 2, 1))

    pout, bout = pl.pallas_call(
        _merge_kernel,
        out_shape=[jax.ShapeDtypeStruct((B, 8, 128), jnp.float32),
                   jax.ShapeDtypeStruct((B, 8, 128), jnp.float32)],
    )(pval, pidx, pbbs, bval, bidx)

    player_det = jnp.transpose(pout[:, :5, :_MAX_DET], (0, 2, 1))
    ball_det = jnp.transpose(bout[:, :5, :_MAX_DET], (0, 2, 1))
    return jnp.concatenate([player_det, ball_det], axis=1)

# --- scband reference (transcript-rebuilt; emitter-appended) ---
"""Pipeline reference for scband-foot-and-ball-79963701117680 (READ-ONLY COPY).

The authoritative reference and input builder live on the scoring server;
editing this copy changes nothing except your own understanding.
"""

import jax, jax.numpy as jnp
import numpy as np

BALL_BBOX_SIZE = 40.0
PLAYER_DS = 16
BALL_DS = 4
MAX_DET = 100


def nms2d(x, k=3):
    # NonMaximaSuppression2d: keep value where it equals the local 3x3 max, else zero
    pooled = jax.lax.reduce_window(x, -jnp.inf, jax.lax.max, (1, 1, k, k), (1, 1, 1, 1), 'SAME')
    mask = (x == pooled).astype(x.dtype)
    return x * mask


def detect_from_map(confidence_map, downscale_factor, max_detections, bbox_map=None):
    cm = nms2d(confidence_map)[:, 1]  # [B, h, w]
    B, h, w = cm.shape
    cm = cm.reshape(B, -1)
    order = jnp.argsort(-cm, axis=-1)  # descending sort indices
    values = jnp.take_along_axis(cm, order, axis=-1)
    indices = order[:, :max_detections]
    xc = (indices % w).astype(jnp.float32) * downscale_factor + (downscale_factor - 1.0) / 2.0
    yc = (indices // w).astype(jnp.float32) * downscale_factor + (downscale_factor - 1.0) / 2.0
    if bbox_map is not None:
        bm = bbox_map.reshape(B, 4, -1)
        scale = jnp.array([w * downscale_factor, h * downscale_factor, w * downscale_factor, h * downscale_factor], dtype=jnp.float32).reshape(1, 4, 1)
        bm = bm * scale
    else:
        bm = jnp.zeros((B, 4, h * w), dtype=jnp.float32)
        bm = bm.at[:, 2:4, :].set(BALL_BBOX_SIZE)
    temp = jnp.take_along_axis(bm, indices[:, None, :], axis=2)  # [B, 4, max_det]
    bx = xc + temp[:, 0]
    by = yc + temp[:, 1]
    det = jnp.stack([
        bx - 0.5 * temp[:, 2],
        by - 0.5 * temp[:, 3],
        bx + 0.5 * temp[:, 2],
        by + 0.5 * temp[:, 3],
        values[:, :max_detections],
    ], axis=-1)  # [B, max_det, 5]
    return det


def setup_inputs(seed: int = 0) -> dict:
    key = jax.random.key(seed)
    k1, k2, k3 = jax.random.split(key, 3)
    player_feature_map = jax.random.normal(k1, (16, 2, 68, 120), dtype=jnp.float32)
    player_bbox = jax.random.uniform(k2, (16, 4, 68, 120), dtype=jnp.float32)
    ball_feature_map = jax.random.normal(k3, (16, 2, 272, 480), dtype=jnp.float32)
    return {
        'player_feature_map': player_feature_map,
        'player_bbox': player_bbox,
        'ball_feature_map': ball_feature_map,
    }


def reference(player_feature_map, player_bbox, ball_feature_map):
    # detect phase: softmax over class channel, then NMS + sort + gather detection decode
    pfm = jax.nn.softmax(player_feature_map, axis=1)
    bfm = jax.nn.softmax(ball_feature_map, axis=1)
    player_det = detect_from_map(pfm, PLAYER_DS, MAX_DET, player_bbox)
    ball_det = detect_from_map(bfm, BALL_DS, MAX_DET, None)
    return jnp.concatenate([player_det, ball_det], axis=1)  # [B, 200, 5]

if __name__ == "__main__":
    import jax
    _d = setup_inputs()
    print(jax.jit(kernel)(*tuple(_d.values())))

</pallas_src>

<mosaic_0001>
#map = affine_map<(d0, d1) -> (0)>
module attributes {stable_mosaic.version = 14 : i64} {
  func.func @_sc_select(%arg0: i32, %arg1: i32, %arg2: memref<130560xf32, #tpu.memory_space<hbm>>, %arg3: memref<2088960xf32, #tpu.memory_space<hbm>>, %arg4: memref<522240xf32, #tpu.memory_space<hbm>>, %arg5: memref<3328xf32, #tpu.memory_space<hbm>>, %arg6: memref<3328xi32, #tpu.memory_space<hbm>>, %arg7: memref<13312xf32, #tpu.memory_space<hbm>>, %arg8: memref<3328xf32, #tpu.memory_space<hbm>>, %arg9: memref<3328xi32, #tpu.memory_space<hbm>>, %arg10: memref<4096xf32, #tpu.memory_space<vmem>>, %arg11: memref<256xf32, #tpu.memory_space<vmem>>, %arg12: memref<65280xf32, #tpu.memory_space<vmem>>, %arg13: memref<4096xf32, #tpu.memory_space<vmem>>, %arg14: memref<256xf32, #tpu.memory_space<vmem>>, %arg15: memref<16320xf32, #tpu.memory_space<vmem>>, %arg16: memref<104xf32, #tpu.memory_space<vmem>>, %arg17: memref<104xi32, #tpu.memory_space<vmem>>, %arg18: memref<416xf32, #tpu.memory_space<vmem>>, %arg19: memref<104xf32, #tpu.memory_space<vmem>>, %arg20: memref<104xi32, #tpu.memory_space<vmem>>, %arg21: memref<!tpu.dma_semaphore, #tpu.memory_space<semaphore_mem>>) attributes {dimension_semantics = [#tpu.dimension_semantics<core_parallel>, #tpu.dimension_semantics<subcore_parallel>], iteration_bounds = array<i64: 2, 16>, scalar_prefetch = 0 : i64, scratch_operands = 12 : i64, tpu.core_type = #tpu.core_type<sc_vector_subcore>, window_params = [{transform_indices = #map}, {transform_indices = #map}, {transform_indices = #map}, {transform_indices = #map}, {transform_indices = #map}, {transform_indices = #map}, {transform_indices = #map}, {transform_indices = #map}]} {
    %mul3A = arith.constant 16 : i32
    %mul3A_0 = arith.muli %arg0, %mul3A : i32
    %add3A = arith.addi %mul3A_0, %arg1 : i32
    %iota3A = tpu.iota {dimensions = array<i32: 0>} : vector<16xi32>
    %broadcast_in_dim3A = arith.constant 0 : i32
    %broadcast_in_dim3A_1 = vector.broadcast %broadcast_in_dim3A : i32 to vector<16xi32>
    %broadcast_in_dim3A_2 = arith.constant 0.000000e+00 : f32
    %broadcast_in_dim3A_3 = vector.broadcast %broadcast_in_dim3A_2 : f32 to vector<16xf32>
    %broadcast_in_dim3A_4 = arith.constant -1.000000e+00 : f32
    %broadcast_in_dim3A_5 = vector.broadcast %broadcast_in_dim3A_4 : f32 to vector<16xf32>
    %mul3A_6 = arith.constant 130560 : i32
    %mul3A_7 = arith.muli %arg1, %mul3A_6 : i32
    %mul3A_8 = arith.constant 65280 : i32
    %mul3A_9 = arith.muli %arg0, %mul3A_8 : i32
    %add3A_10 = arith.addi %mul3A_7, %mul3A_9 : i32
    %dma_start3A = tpu.memref_slice %arg3[%add3A_10] : memref<2088960xf32, #tpu.memory_space<hbm>> -> memref<65280xf32, #tpu.memory_space<hbm>>
    %dma_start3A_11 = tpu.memref_slice %arg3[%add3A_10] : memref<2088960xf32, #tpu.memory_space<hbm>> -> memref<65280xf32, #tpu.memory_space<hbm>>
    tpu.enqueue_dma source(%dma_start3A_11 : memref<65280xf32, #tpu.memory_space<hbm>>) target(%arg12 : memref<65280xf32, #tpu.memory_space<vmem>>) target_semaphore(%arg21 : memref<!tpu.dma_semaphore, #tpu.memory_space<semaphore_mem>>)
    %mul3A_12 = arith.constant 8160 : i32
    %mul3A_13 = arith.muli %arg1, %mul3A_12 : i32
    %mul3A_14 = arith.constant 4080 : i32
    %mul3A_15 = arith.muli %arg0, %mul3A_14 : i32
    %add3A_16 = arith.addi %mul3A_13, %mul3A_15 : i32
    "tpu.region"() ({
      %run_scoped3A = tpu.sem_alloc : memref<!tpu.dma_semaphore, #tpu.memory_space<semaphore_mem>>
      %dma_start3A_342 = arith.constant 0 : i32
      %dma_start3A_343 = tpu.memref_slice %arg10[%dma_start3A_342] : memref<4096xf32, #tpu.memory_space<vmem>> -> memref<4080xf32, #tpu.memory_space<vmem>>
      %dma_start3A_344 = tpu.memref_slice %arg2[%add3A_16] : memref<130560xf32, #tpu.memory_space<hbm>> -> memref<4080xf32, #tpu.memory_space<hbm>>
      %dma_start3A_345 = arith.constant 0 : i32
      %dma_start3A_346 = tpu.memref_slice %arg10[%dma_start3A_345] : memref<4096xf32, #tpu.memory_space<vmem>> -> memref<4080xf32, #tpu.memory_space<vmem>>
      %dma_start3A_347 = tpu.memref_slice %arg2[%add3A_16] : memref<130560xf32, #tpu.memory_space<hbm>> -> memref<4080xf32, #tpu.memory_space<hbm>>
      tpu.enqueue_dma source(%dma_start3A_347 : memref<4080xf32, #tpu.memory_space<hbm>>) target(%dma_start3A_346 : memref<4080xf32, #tpu.memory_space<vmem>>) target_semaphore(%run_scoped3A : memref<!tpu.dma_semaphore, #tpu.memory_space<semaphore_mem>>)
      %dma_wait3A_348 = arith.constant 0 : i32
      %dma_wait3A_349 = tpu.memref_slice %arg10[%dma_wait3A_348] : memref<4096xf32, #tpu.memory_space<vmem>> -> memref<4080xf32, #tpu.memory_space<vmem>>
      %dma_wait3A_350 = tpu.memref_slice %arg2[%add3A_16] : memref<130560xf32, #tpu.memory_space<hbm>> -> memref<4080xf32, #tpu.memory_space<hbm>>
      %dma_wait3A_351 = arith.constant 0 : i32
      %dma_wait3A_352 = tpu.memref_slice %arg10[%dma_wait3A_351] : memref<4096xf32, #tpu.memory_space<vmem>> -> memref<4080xf32, #tpu.memory_space<vmem>>
      %dma_wait3A_353 = tpu.memref_slice %arg2[%add3A_16] : memref<130560xf32, #tpu.memory_space<hbm>> -> memref<4080xf32, #tpu.memory_space<hbm>>
      tpu.wait_dma2 semaphore(%run_scoped3A : memref<!tpu.dma_semaphore, #tpu.memory_space<semaphore_mem>>) src(%dma_wait3A_353 : memref<4080xf32, #tpu.memory_space<hbm>>) dst(%dma_wait3A_352 : memref<4080xf32, #tpu.memory_space<vmem>>)
      tpu.yield
    }) : () -> ()
    %swap3A = arith.constant 4080 : index
    %swap3A_17 = tpu.vector_load %arg10[%swap3A] {strides = array<i32>} : memref<4096xf32, #tpu.memory_space<vmem>>, vector<16xf32>,
    tpu.vector_store %arg10[%swap3A], %broadcast_in_dim3A_5 {strides = array<i32>} : memref<4096xf32, #tpu.memory_space<vmem>>, vector<16xf32>,
    %mul3A_18 = arith.constant 32640 : i32
    %mul3A_19 = arith.muli %arg1, %mul3A_18 : i32
    %add3A_20 = arith.constant 0 : i32
    %add3A_21 = arith.addi %mul3A_19, %add3A_20 : i32
    %mul3A_22 = arith.constant 4080 : i32
    %mul3A_23 = arith.muli %arg0, %mul3A_22 : i32
    %add3A_24 = arith.addi %add3A_21, %mul3A_23 : i32
    "tpu.region"() ({
      %run_scoped3A = tpu.sem_alloc : memref<!tpu.dma_semaphore, #tpu.memory_space<semaphore_mem>>
      %dma_start3A_342 = arith.constant 0 : i32
      %dma_start3A_343 = tpu.memref_slice %arg15[%dma_start3A_342] : memref<16320xf32, #tpu.memory_space<vmem>> -> memref<4080xf32, #tpu.memory_space<vmem>>
      %dma_start3A_344 = tpu.memref_slice %arg4[%add3A_24] : memref<522240xf32, #tpu.memory_space<hbm>> -> memref<4080xf32, #tpu.memory_space<hbm>>
      %dma_start3A_345 = arith.constant 0 : i32
      %dma_start3A_346 = tpu.memref_slice %arg15[%dma_start3A_345] : memref<16320xf32, #tpu.memory_space<vmem>> -> memref<4080xf32, #tpu.memory_space<vmem>>
      %dma_start3A_347 = tpu.memref_slice %arg4[%add3A_24] : memref<522240xf32, #tpu.memory_space<hbm>> -> memref<4080xf32, #tpu.memory_space<hbm>>
      tpu.enqueue_dma source(%dma_start3A_347 : memref<4080xf32, #tpu.memory_space<hbm>>) target(%dma_start3A_346 : memref<4080xf32, #tpu.memory_space<vmem>>) target_semaphore(%run_scoped3A : memref<!tpu.dma_semaphore, #tpu.memory_space<semaphore_mem>>)
      %dma_wait3A_348 = arith.constant 0 : i32
      %dma_wait3A_349 = tpu.memref_slice %arg15[%dma_wait3A_348] : memref<16320xf32, #tpu.memory_space<vmem>> -> memref<4080xf32, #tpu.memory_space<vmem>>
      %dma_wait3A_350 = tpu.memref_slice %arg4[%add3A_24] : memref<522240xf32, #tpu.memory_space<hbm>> -> memref<4080xf32, #tpu.memory_space<hbm>>
      %dma_wait3A_351 = arith.constant 0 : i32
      %dma_wait3A_352 = tpu.memref_slice %arg15[%dma_wait3A_351] : memref<16320xf32, #tpu.memory_space<vmem>> -> memref<4080xf32, #tpu.memory_space<vmem>>
      %dma_wait3A_353 = tpu.memref_slice %arg4[%add3A_24] : memref<522240xf32, #tpu.memory_space<hbm>> -> memref<4080xf32, #tpu.memory_space<hbm>>
      tpu.wait_dma2 semaphore(%run_scoped3A : memref<!tpu.dma_semaphore, #tpu.memory_space<semaphore_mem>>) src(%dma_wait3A_353 : memref<4080xf32, #tpu.memory_space<hbm>>) dst(%dma_wait3A_352 : memref<4080xf32, #tpu.memory_space<vmem>>)
      tpu.yield
    }) : () -> ()
    %mul3A_25 = arith.constant 32640 : i32
    %mul3A_26 = arith.muli %arg1, %mul3A_25 : i32
    %add3A_27 = arith.constant 8160 : i32
    %add3A_28 = arith.addi %mul3A_26, %add3A_27 : i32
    %mul3A_29 = arith.constant 4080 : i32
    %mul3A_30 = arith.muli %arg0, %mul3A_29 : i32
    %add3A_31 = arith.addi %add3A_28, %mul3A_30 : i32
    "tpu.region"() ({
      %run_scoped3A = tpu.sem_alloc : memref<!tpu.dma_semaphore, #tpu.memory_space<semaphore_mem>>
      %dma_start3A_342 = arith.constant 4080 : i32
      %dma_start3A_343 = tpu.memref_slice %arg15[%dma_start3A_342] : memref<16320xf32, #tpu.memory_space<vmem>> -> memref<4080xf32, #tpu.memory_space<vmem>>
      %dma_start3A_344 = tpu.memref_slice %arg4[%add3A_31] : memref<522240xf32, #tpu.memory_space<hbm>> -> memref<4080xf32, #tpu.memory_space<hbm>>
      %dma_start3A_345 = arith.constant 4080 : i32
      %dma_start3A_346 = tpu.memref_slice %arg15[%dma_start3A_345] : memref<16320xf32, #tpu.memory_space<vmem>> -> memref<4080xf32, #tpu.memory_space<vmem>>
      %dma_start3A_347 = tpu.memref_slice %arg4[%add3A_31] : memref<522240xf32, #tpu.memory_space<hbm>> -> memref<4080xf32, #tpu.memory_space<hbm>>
      tpu.enqueue_dma source(%dma_start3A_347 : memref<4080xf32, #tpu.memory_space<hbm>>) target(%dma_start3A_346 : memref<4080xf32, #tpu.memory_space<vmem>>) target_semaphore(%run_scoped3A : memref<!tpu.dma_semaphore, #tpu.memory_space<semaphore_mem>>)
      %dma_wait3A_348 = arith.constant 4080 : i32
      %dma_wait3A_349 = tpu.memref_slice %arg15[%dma_wait3A_348] : memref<16320xf32, #tpu.memory_space<vmem>> -> memref<4080xf32, #tpu.memory_space<vmem>>
      %dma_wait3A_350 = tpu.memref_slice %arg4[%add3A_31] : memref<522240xf32, #tpu.memory_space<hbm>> -> memref<4080xf32, #tpu.memory_space<hbm>>
      %dma_wait3A_351 = arith.constant 4080 : i32
      %dma_wait3A_352 = tpu.memref_slice %arg15[%dma_wait3A_351] : memref<16320xf32, #tpu.memory_space<vmem>> -> memref<4080xf32, #tpu.memory_space<vmem>>
      %dma_wait3A_353 = tpu.memref_slice %arg4[%add3A_31] : memref<522240xf32, #tpu.memory_space<hbm>> -> memref<4080xf32, #tpu.memory_space<hbm>>
      tpu.wait_dma2 semaphore(%run_scoped3A : memref<!tpu.dma_semaphore, #tpu.memory_space<semaphore_mem>>) src(%dma_wait3A_353 : memref<4080xf32, #tpu.memory_space<hbm>>) dst(%dma_wait3A_352 : memref<4080xf32, #tpu.memory_space<vmem>>)
      tpu.yield
    }) : () -> ()
    %mul3A_32 = arith.constant 32640 : i32
    %mul3A_33 = arith.muli %arg1, %mul3A_32 : i32
    %add3A_34 = arith.constant 16320 : i32
    %add3A_35 = arith.addi %mul3A_33, %add3A_34 : i32
    %mul3A_36 = arith.constant 4080 : i32
    %mul3A_37 = arith.muli %arg0, %mul3A_36 : i32
    %add3A_38 = arith.addi %add3A_35, %mul3A_37 : i32
    "tpu.region"() ({
      %run_scoped3A = tpu.sem_alloc : memref<!tpu.dma_semaphore, #tpu.memory_space<semaphore_mem>>
      %dma_start3A_342 = arith.constant 8160 : i32
      %dma_start3A_343 = tpu.memref_slice %arg15[%dma_start3A_342] : memref<16320xf32, #tpu.memory_space<vmem>> -> memref<4080xf32, #tpu.memory_space<vmem>>
      %dma_start3A_344 = tpu.memref_slice %arg4[%add3A_38] : memref<522240xf32, #tpu.memory_space<hbm>> -> memref<4080xf32, #tpu.memory_space<hbm>>
      %dma_start3A_345 = arith.constant 8160 : i32
      %dma_start3A_346 = tpu.memref_slice %arg15[%dma_start3A_345] : memref<16320xf32, #tpu.memory_space<vmem>> -> memref<4080xf32, #tpu.memory_space<vmem>>
      %dma_start3A_347 = tpu.memref_slice %arg4[%add3A_38] : memref<522240xf32, #tpu.memory_space<hbm>> -> memref<4080xf32, #tpu.memory_space<hbm>>
      tpu.enqueue_dma source(%dma_start3A_347 : memref<4080xf32, #tpu.memory_space<hbm>>) target(%dma_start3A_346 : memref<4080xf32, #tpu.memory_space<vmem>>) target_semaphore(%run_scoped3A : memref<!tpu.dma_semaphore, #tpu.memory_space<semaphore_mem>>)
      %dma_wait3A_348 = arith.constant 8160 : i32
      %dma_wait3A_349 = tpu.memref_slice %arg15[%dma_wait3A_348] : memref<16320xf32, #tpu.memory_space<vmem>> -> memref<4080xf32, #tpu.memory_space<vmem>>
      %dma_wait3A_350 = tpu.memref_slice %arg4[%add3A_38] : memref<522240xf32, #tpu.memory_space<hbm>> -> memref<4080xf32, #tpu.memory_space<hbm>>
      %dma_wait3A_351 = arith.constant 8160 : i32
      %dma_wait3A_352 = tpu.memref_slice %arg15[%dma_wait3A_351] : memref<16320xf32, #tpu.memory_space<vmem>> -> memref<4080xf32, #tpu.memory_space<vmem>>
      %dma_wait3A_353 = tpu.memref_slice %arg4[%add3A_38] : memref<522240xf32, #tpu.memory_space<hbm>> -> memref<4080xf32, #tpu.memory_space<hbm>>
      tpu.wait_dma2 semaphore(%run_scoped3A : memref<!tpu.dma_semaphore, #tpu.memory_space<semaphore_mem>>) src(%dma_wait3A_353 : memref<4080xf32, #tpu.memory_space<hbm>>) dst(%dma_wait3A_352 : memref<4080xf32, #tpu.memory_space<vmem>>)
      tpu.yield
    }) : () -> ()
    %mul3A_39 = arith.constant 32640 : i32
    %mul3A_40 = arith.muli %arg1, %mul3A_39 : i32
    %add3A_41 = arith.constant 24480 : i32
    %add3A_42 = arith.addi %mul3A_40, %add3A_41 : i32
    %mul3A_43 = arith.constant 4080 : i32
    %mul3A_44 = arith.muli %arg0, %mul3A_43 : i32
    %add3A_45 = arith.addi %add3A_42, %mul3A_44 : i32
    "tpu.region"() ({
      %run_scoped3A = tpu.sem_alloc : memref<!tpu.dma_semaphore, #tpu.memory_space<semaphore_mem>>
      %dma_start3A_342 = arith.constant 12240 : i32
      %dma_start3A_343 = tpu.memref_slice %arg15[%dma_start3A_342] : memref<16320xf32, #tpu.memory_space<vmem>> -> memref<4080xf32, #tpu.memory_space<vmem>>
      %dma_start3A_344 = tpu.memref_slice %arg4[%add3A_45] : memref<522240xf32, #tpu.memory_space<hbm>> -> memref<4080xf32, #tpu.memory_space<hbm>>
      %dma_start3A_345 = arith.constant 12240 : i32
      %dma_start3A_346 = tpu.memref_slice %arg15[%dma_start3A_345] : memref<16320xf32, #tpu.memory_space<vmem>> -> memref<4080xf32, #tpu.memory_space<vmem>>
      %dma_start3A_347 = tpu.memref_slice %arg4[%add3A_45] : memref<522240xf32, #tpu.memory_space<hbm>> -> memref<4080xf32, #tpu.memory_space<hbm>>
      tpu.enqueue_dma source(%dma_start3A_347 : memref<4080xf32, #tpu.memory_space<hbm>>) target(%dma_start3A_346 : memref<4080xf32, #tpu.memory_space<vmem>>) target_semaphore(%run_scoped3A : memref<!tpu.dma_semaphore, #tpu.memory_space<semaphore_mem>>)
      %dma_wait3A_348 = arith.constant 12240 : i32
      %dma_wait3A_349 = tpu.memref_slice %arg15[%dma_wait3A_348] : memref<16320xf32, #tpu.memory_space<vmem>> -> memref<4080xf32, #tpu.memory_space<vmem>>
      %dma_wait3A_350 = tpu.memref_slice %arg4[%add3A_45] : memref<522240xf32, #tpu.memory_space<hbm>> -> memref<4080xf32, #tpu.memory_space<hbm>>
      %dma_wait3A_351 = arith.constant 12240 : i32
      %dma_wait3A_352 = tpu.memref_slice %arg15[%dma_wait3A_351] : memref<16320xf32, #tpu.memory_space<vmem>> -> memref<4080xf32, #tpu.memory_space<vmem>>
      %dma_wait3A_353 = tpu.memref_slice %arg4[%add3A_45] : memref<522240xf32, #tpu.memory_space<hbm>> -> memref<4080xf32, #tpu.memory_space<hbm>>
      tpu.wait_dma2 semaphore(%run_scoped3A : memref<!tpu.dma_semaphore, #tpu.memory_space<semaphore_mem>>) src(%dma_wait3A_353 : memref<4080xf32, #tpu.memory_space<hbm>>) dst(%dma_wait3A_352 : memref<4080xf32, #tpu.memory_space<vmem>>)
      tpu.yield
    }) : () -> ()
    %scan3A = arith.constant 0 : i32
    %scan3A_46 = arith.constant 0 : i32
    %scan3A_47 = arith.constant 16 : i32
    %scan3A_48 = arith.addi %scan3A_46, %scan3A_47 : i32
    %scan3A_49 = arith.constant 1 : i32
    %scan3A_50 = scf.for %scan3A_342 = %scan3A_46 to %scan3A_48 step %scan3A_49 iter_args(%scan3A_343 = %scan3A) -> (i32)  : i32 {
      %mul3A_344 = arith.constant 16 : i32
      %mul3A_345 = arith.muli %scan3A_342, %mul3A_344 : i32
      %add3A_346 = vector.broadcast %mul3A_345 : i32 to vector<16xi32>
      %add3A_347 = arith.addi %add3A_346, %iota3A : vector<16xi32>
      %mul3A_348 = arith.constant 16 : i32
      %mul3A_349 = vector.broadcast %mul3A_348 : i32 to vector<16xi32>
      %mul3A_350 = arith.muli %add3A_347, %mul3A_349 : vector<16xi32>
      %add3A_351 = arith.constant 0 : i32
      %add3A_352 = vector.broadcast %add3A_351 : i32 to vector<16xi32>
      %add3A_353 = arith.addi %mul3A_350, %add3A_352 : vector<16xi32>
      %gather3A_354 = tpu.vector_load_idx %arg10[%add3A_353] : memref<4096xf32, #tpu.memory_space<vmem>>[vector<16xi32>], vector<16xf32>,
      %max3A_355 = arith.maximumf %broadcast_in_dim3A_5, %gather3A_354 : vector<16xf32>
      %add3A_356 = arith.constant 1 : i32
      %add3A_357 = vector.broadcast %add3A_356 : i32 to vector<16xi32>
      %add3A_358 = arith.addi %mul3A_350, %add3A_357 : vector<16xi32>
      %gather3A_359 = tpu.vector_load_idx %arg10[%add3A_358] : memref<4096xf32, #tpu.memory_space<vmem>>[vector<16xi32>], vector<16xf32>,
      %max3A_360 = arith.maximumf %max3A_355, %gather3A_359 : vector<16xf32>
      %add3A_361 = arith.constant 2 : i32
      %add3A_362 = vector.broadcast %add3A_361 : i32 to vector<16xi32>
      %add3A_363 = arith.addi %mul3A_350, %add3A_362 : vector<16xi32>
      %gather3A_364 = tpu.vector_load_idx %arg10[%add3A_363] : memref<4096xf32, #tpu.memory_space<vmem>>[vector<16xi32>], vector<16xf32>,
      %max3A_365 = arith.maximumf %max3A_360, %gather3A_364 : vector<16xf32>
      %add3A_366 = arith.constant 3 : i32
      %add3A_367 = vector.broadcast %add3A_366 : i32 to vector<16xi32>
      %add3A_368 = arith.addi %mul3A_350, %add3A_367 : vector<16xi32>
      %gather3A_369 = tpu.vector_load_idx %arg10[%add3A_368] : memref<4096xf32, #tpu.memory_space<vmem>>[vector<16xi32>], vector<16xf32>,
      %max3A_370 = arith.maximumf %max3A_365, %gather3A_369 : vector<16xf32>
      %add3A_371 = arith.constant 4 : i32
      %add3A_372 = vector.broadcast %add3A_371 : i32 to vector<16xi32>
      %add3A_373 = arith.addi %mul3A_350, %add3A_372 : vector<16xi32>
      %gather3A_374 = tpu.vector_load_idx %arg10[%add3A_373] : memref<4096xf32, #tpu.memory_space<vmem>>[vector<16xi32>], vector<16xf32>,
      %max3A_375 = arith.maximumf %max3A_370, %gather3A_374 : vector<16xf32>
      %add3A_376 = arith.constant 5 : i32
      %add3A_377 = vector.broadcast %add3A_376 : i32 to vector<16xi32>
      %add3A_378 = arith.addi %mul3A_350, %add3A_377 : vector<16xi32>
      %gather3A_379 = tpu.vector_load_idx %arg10[%add3A_378] : memref<4096xf32, #tpu.memory_space<vmem>>[vector<16xi32>], vector<16xf32>,
      %max3A_380 = arith.maximumf %max3A_375, %gather3A_379 : vector<16xf32>
      %add3A_381 = arith.constant 6 : i32
      %add3A_382 = vector.broadcast %add3A_381 : i32 to vector<16xi32>
      %add3A_383 = arith.addi %mul3A_350, %add3A_382 : vector<16xi32>
      %gather3A_384 = tpu.vector_load_idx %arg10[%add3A_383] : memref<4096xf32, #tpu.memory_space<vmem>>[vector<16xi32>], vector<16xf32>,
      %max3A_385 = arith.maximumf %max3A_380, %gather3A_384 : vector<16xf32>
      %add3A_386 = arith.constant 7 : i32
      %add3A_387 = vector.broadcast %add3A_386 : i32 to vector<16xi32>
      %add3A_388 = arith.addi %mul3A_350, %add3A_387 : vector<16xi32>
      %gather3A_389 = tpu.vector_load_idx %arg10[%add3A_388] : memref<4096xf32, #tpu.memory_space<vmem>>[vector<16xi32>], vector<16xf32>,
      %max3A_390 = arith.maximumf %max3A_385, %gather3A_389 : vector<16xf32>
      %add3A_391 = arith.constant 8 : i32
      %add3A_392 = vector.broadcast %add3A_391 : i32 to vector<16xi32>
      %add3A_393 = arith.addi %mul3A_350, %add3A_392 : vector<16xi32>
      %gather3A_394 = tpu.vector_load_idx %arg10[%add3A_393] : memref<4096xf32, #tpu.memory_space<vmem>>[vector<16xi32>], vector<16xf32>,
      %max3A_395 = arith.maximumf %max3A_390, %gather3A_394 : vector<16xf32>
      %add3A_396 = arith.constant 9 : i32
      %add3A_397 = vector.broadcast %add3A_396 : i32 to vector<16xi32>
      %add3A_398 = arith.addi %mul3A_350, %add3A_397 : vector<16xi32>
      %gather3A_399 = tpu.vector_load_idx %arg10[%add3A_398] : memref<4096xf32, #tpu.memory_space<vmem>>[vector<16xi32>], vector<16xf32>,
      %max3A_400 = arith.maximumf %max3A_395, %gather3A_399 : vector<16xf32>
      %add3A_401 = arith.constant 10 : i32
      %add3A_402 = vector.broadcast %add3A_401 : i32 to vector<16xi32>
      %add3A_403 = arith.addi %mul3A_350, %add3A_402 : vector<16xi32>
      %gather3A_404 = tpu.vector_load_idx %arg10[%add3A_403] : memref<4096xf32, #tpu.memory_space<vmem>>[vector<16xi32>], vector<16xf32>,
      %max3A_405 = arith.maximumf %max3A_400, %gather3A_404 : vector<16xf32>
      %add3A_406 = arith.constant 11 : i32
      %add3A_407 = vector.broadcast %add3A_406 : i32 to vector<16xi32>
      %add3A_408 = arith.addi %mul3A_350, %add3A_407 : vector<16xi32>
      %gather3A_409 = tpu.vector_load_idx %arg10[%add3A_408] : memref<4096xf32, #tpu.memory_space<vmem>>[vector<16xi32>], vector<16xf32>,
      %max3A_410 = arith.maximumf %max3A_405, %gather3A_409 : vector<16xf32>
      %add3A_411 = arith.constant 12 : i32
      %add3A_412 = vector.broadcast %add3A_411 : i32 to vector<16xi32>
      %add3A_413 = arith.addi %mul3A_350, %add3A_412 : vector<16xi32>
      %gather3A_414 = tpu.vector_load_idx %arg10[%add3A_413] : memref<4096xf32, #tpu.memory_space<vmem>>[vector<16xi32>], vector<16xf32>,
      %max3A_415 = arith.maximumf %max3A_410, %gather3A_414 : vector<16xf32>
      %add3A_416 = arith.constant 13 : i32
      %add3A_417 = vector.broadcast %add3A_416 : i32 to vector<16xi32>
      %add3A_418 = arith.addi %mul3A_350, %add3A_417 : vector<16xi32>
      %gather3A_419 = tpu.vector_load_idx %arg10[%add3A_418] : memref<4096xf32, #tpu.memory_space<vmem>>[vector<16xi32>], vector<16xf32>,
      %max3A_420 = arith.maximumf %max3A_415, %gather3A_419 : vector<16xf32>
      %add3A_421 = arith.constant 14 : i32
      %add3A_422 = vector.broadcast %add3A_421 : i32 to vector<16xi32>
      %add3A_423 = arith.addi %mul3A_350, %add3A_422 : vector<16xi32>
      %gather3A_424 = tpu.vector_load_idx %arg10[%add3A_423] : memref<4096xf32, #tpu.memory_space<vmem>>[vector<16xi32>], vector<16xf32>,
      %max3A_425 = arith.maximumf %max3A_420, %gather3A_424 : vector<16xf32>
      %add3A_426 = arith.constant 15 : i32
      %add3A_427 = vector.broadcast %add3A_426 : i32 to vector<16xi32>
      %add3A_428 = arith.addi %mul3A_350, %add3A_427 : vector<16xi32>
      %gather3A_429 = tpu.vector_load_idx %arg10[%add3A_428] : memref<4096xf32, #tpu.memory_space<vmem>>[vector<16xi32>], vector<16xf32>,
      %max3A_430 = arith.maximumf %max3A_425, %gather3A_429 : vector<16xf32>
      %mul3A_431 = arith.constant 16 : i32
      %mul3A_432 = arith.muli %scan3A_342, %mul3A_431 : i32
      %swap3A_433 = arith.index_cast %mul3A_432 : i32 to index
      %swap3A_434 = tpu.vector_load %arg11[%swap3A_433] {strides = array<i32>} : memref<256xf32, #tpu.memory_space<vmem>>, vector<16xf32>,
      tpu.vector_store %arg11[%swap3A_433], %max3A_430 {strides = array<i32>} : memref<256xf32, #tpu.memory_space<vmem>>, vector<16xf32>,
      %scan3A_435 = arith.constant 0 : i32
      scf.yield %scan3A_435 : i32
    }
    %scan3A_51 = arith.constant 16 : i32
    %mul3A_52 = arith.constant 16 : i32
    %mul3A_53 = vector.broadcast %mul3A_52 : i32 to vector<16xi32>
    %mul3A_54 = arith.muli %iota3A, %mul3A_53 : vector<16xi32>
    %add3A_55 = arith.constant 0 : i32
    %add3A_56 = vector.broadcast %add3A_55 : i32 to vector<16xi32>
    %add3A_57 = arith.addi %mul3A_54, %add3A_56 : vector<16xi32>
    %gather3A = tpu.vector_load_idx %arg11[%add3A_57] : memref<256xf32, #tpu.memory_space<vmem>>[vector<16xi32>], vector<16xf32>,
    %max3A = arith.maximumf %broadcast_in_dim3A_5, %gather3A : vector<16xf32>
    %mul3A_58 = arith.constant 16 : i32
    %mul3A_59 = vector.broadcast %mul3A_58 : i32 to vector<16xi32>
    %mul3A_60 = arith.muli %iota3A, %mul3A_59 : vector<16xi32>
    %add3A_61 = arith.constant 1 : i32
    %add3A_62 = vector.broadcast %add3A_61 : i32 to vector<16xi32>
    %add3A_63 = arith.addi %mul3A_60, %add3A_62 : vector<16xi32>
    %gather3A_64 = tpu.vector_load_idx %arg11[%add3A_63] : memref<256xf32, #tpu.memory_space<vmem>>[vector<16xi32>], vector<16xf32>,
    %max3A_65 = arith.maximumf %max3A, %gather3A_64 : vector<16xf32>
    %mul3A_66 = arith.constant 16 : i32
    %mul3A_67 = vector.broadcast %mul3A_66 : i32 to vector<16xi32>
    %mul3A_68 = arith.muli %iota3A, %mul3A_67 : vector<16xi32>
    %add3A_69 = arith.constant 2 : i32
    %add3A_70 = vector.broadcast %add3A_69 : i32 to vector<16xi32>
    %add3A_71 = arith.addi %mul3A_68, %add3A_70 : vector<16xi32>
    %gather3A_72 = tpu.vector_load_idx %arg11[%add3A_71] : memref<256xf32, #tpu.memory_space<vmem>>[vector<16xi32>], vector<16xf32>,
    %max3A_73 = arith.maximumf %max3A_65, %gather3A_72 : vector<16xf32>
    %mul3A_74 = arith.constant 16 : i32
    %mul3A_75 = vector.broadcast %mul3A_74 : i32 to vector<16xi32>
    %mul3A_76 = arith.muli %iota3A, %mul3A_75 : vector<16xi32>
    %add3A_77 = arith.constant 3 : i32
    %add3A_78 = vector.broadcast %add3A_77 : i32 to vector<16xi32>
    %add3A_79 = arith.addi %mul3A_76, %add3A_78 : vector<16xi32>
    %gather3A_80 = tpu.vector_load_idx %arg11[%add3A_79] : memref<256xf32, #tpu.memory_space<vmem>>[vector<16xi32>], vector<16xf32>,
    %max3A_81 = arith.maximumf %max3A_73, %gather3A_80 : vector<16xf32>
    %mul3A_82 = arith.constant 16 : i32
    %mul3A_83 = vector.broadcast %mul3A_82 : i32 to vector<16xi32>
    %mul3A_84 = arith.muli %iota3A, %mul3A_83 : vector<16xi32>
    %add3A_85 = arith.constant 4 : i32
    %add3A_86 = vector.broadcast %add3A_85 : i32 to vector<16xi32>
    %add3A_87 = arith.addi %mul3A_84, %add3A_86 : vector<16xi32>
    %gather3A_88 = tpu.vector_load_idx %arg11[%add3A_87] : memref<256xf32, #tpu.memory_space<vmem>>[vector<16xi32>], vector<16xf32>,
    %max3A_89 = arith.maximumf %max3A_81, %gather3A_88 : vector<16xf32>
    %mul3A_90 = arith.constant 16 : i32
    %mul3A_91 = vector.broadcast %mul3A_90 : i32 to vector<16xi32>
    %mul3A_92 = arith.muli %iota3A, %mul3A_91 : vector<16xi32>
    %add3A_93 = arith.constant 5 : i32
    %add3A_94 = vector.broadcast %add3A_93 : i32 to vector<16xi32>
    %add3A_95 = arith.addi %mul3A_92, %add3A_94 : vector<16xi32>
    %gather3A_96 = tpu.vector_load_idx %arg11[%add3A_95] : memref<256xf32, #tpu.memory_space<vmem>>[vector<16xi32>], vector<16xf32>,
    %max3A_97 = arith.maximumf %max3A_89, %gather3A_96 : vector<16xf32>
    %mul3A_98 = arith.constant 16 : i32
    %mul3A_99 = vector.broadcast %mul3A_98 : i32 to vector<16xi32>
    %mul3A_100 = arith.muli %iota3A, %mul3A_99 : vector<16xi32>
    %add3A_101 = arith.constant 6 : i32
    %add3A_102 = vector.broadcast %add3A_101 : i32 to vector<16xi32>
    %add3A_103 = arith.addi %mul3A_100, %add3A_102 : vector<16xi32>
    %gather3A_104 = tpu.vector_load_idx %arg11[%add3A_103] : memref<256xf32, #tpu.memory_space<vmem>>[vector<16xi32>], vector<16xf32>,
    %max3A_105 = arith.maximumf %max3A_97, %gather3A_104 : vector<16xf32>
    %mul3A_106 = arith.constant 16 : i32
    %mul3A_107 = vector.broadcast %mul3A_106 : i32 to vector<16xi32>
    %mul3A_108 = arith.muli %iota3A, %mul3A_107 : vector<16xi32>
    %add3A_109 = arith.constant 7 : i32
    %add3A_110 = vector.broadcast %add3A_109 : i32 to vector<16xi32>
    %add3A_111 = arith.addi %mul3A_108, %add3A_110 : vector<16xi32>
    %gather3A_112 = tpu.vector_load_idx %arg11[%add3A_111] : memref<256xf32, #tpu.memory_space<vmem>>[vector<16xi32>], vector<16xf32>,
    %max3A_113 = arith.maximumf %max3A_105, %gather3A_112 : vector<16xf32>
    %mul3A_114 = arith.constant 16 : i32
    %mul3A_115 = vector.broadcast %mul3A_114 : i32 to vector<16xi32>
    %mul3A_116 = arith.muli %iota3A, %mul3A_115 : vector<16xi32>
    %add3A_117 = arith.constant 8 : i32
    %add3A_118 = vector.broadcast %add3A_117 : i32 to vector<16xi32>
    %add3A_119 = arith.addi %mul3A_116, %add3A_118 : vector<16xi32>
    %gather3A_120 = tpu.vector_load_idx %arg11[%add3A_119] : memref<256xf32, #tpu.memory_space<vmem>>[vector<16xi32>], vector<16xf32>,
    %max3A_121 = arith.maximumf %max3A_113, %gather3A_120 : vector<16xf32>
    %mul3A_122 = arith.constant 16 : i32
    %mul3A_123 = vector.broadcast %mul3A_122 : i32 to vector<16xi32>
    %mul3A_124 = arith.muli %iota3A, %mul3A_123 : vector<16xi32>
    %add3A_125 = arith.constant 9 : i32
    %add3A_126 = vector.broadcast %add3A_125 : i32 to vector<16xi32>
    %add3A_127 = arith.addi %mul3A_124, %add3A_126 : vector<16xi32>
    %gather3A_128 = tpu.vector_load_idx %arg11[%add3A_127] : memref<256xf32, #tpu.memory_space<vmem>>[vector<16xi32>], vector<16xf32>,
    %max3A_129 = arith.maximumf %max3A_121, %gather3A_128 : vector<16xf32>
    %mul3A_130 = arith.constant 16 : i32
    %mul3A_131 = vector.broadcast %mul3A_130 : i32 to vector<16xi32>
    %mul3A_132 = arith.muli %iota3A, %mul3A_131 : vector<16xi32>
    %add3A_133 = arith.constant 10 : i32
    %add3A_134 = vector.broadcast %add3A_133 : i32 to vector<16xi32>
    %add3A_135 = arith.addi %mul3A_132, %add3A_134 : vector<16xi32>
    %gather3A_136 = tpu.vector_load_idx %arg11[%add3A_135] : memref<256xf32, #tpu.memory_space<vmem>>[vector<16xi32>], vector<16xf32>,
    %max3A_137 = arith.maximumf %max3A_129, %gather3A_136 : vector<16xf32>
    %mul3A_138 = arith.constant 16 : i32
    %mul3A_139 = vector.broadcast %mul3A_138 : i32 to vector<16xi32>
    %mul3A_140 = arith.muli %iota3A, %mul3A_139 : vector<16xi32>
    %add3A_141 = arith.constant 11 : i32
    %add3A_142 = vector.broadcast %add3A_141 : i32 to vector<16xi32>
    %add3A_143 = arith.addi %mul3A_140, %add3A_142 : vector<16xi32>
    %gather3A_144 = tpu.vector_load_idx %arg11[%add3A_143] : memref<256xf32, #tpu.memory_space<vmem>>[vector<16xi32>], vector<16xf32>,
    %max3A_145 = arith.maximumf %max3A_137, %gather3A_144 : vector<16xf32>
    %mul3A_146 = arith.constant 16 : i32
    %mul3A_147 = vector.broadcast %mul3A_146 : i32 to vector<16xi32>
    %mul3A_148 = arith.muli %iota3A, %mul3A_147 : vector<16xi32>
    %add3A_149 = arith.constant 12 : i32
    %add3A_150 = vector.broadcast %add3A_149 : i32 to vector<16xi32>
    %add3A_151 = arith.addi %mul3A_148, %add3A_150 : vector<16xi32>
    %gather3A_152 = tpu.vector_load_idx %arg11[%add3A_151] : memref<256xf32, #tpu.memory_space<vmem>>[vector<16xi32>], vector<16xf32>,
    %max3A_153 = arith.maximumf %max3A_145, %gather3A_152 : vector<16xf32>
    %mul3A_154 = arith.constant 16 : i32
    %mul3A_155 = vector.broadcast %mul3A_154 : i32 to vector<16xi32>
    %mul3A_156 = arith.muli %iota3A, %mul3A_155 : vector<16xi32>
    %add3A_157 = arith.constant 13 : i32
    %add3A_158 = vector.broadcast %add3A_157 : i32 to vector<16xi32>
    %add3A_159 = arith.addi %mul3A_156, %add3A_158 : vector<16xi32>
    %gather3A_160 = tpu.vector_load_idx %arg11[%add3A_159] : memref<256xf32, #tpu.memory_space<vmem>>[vector<16xi32>], vector<16xf32>,
    %max3A_161 = arith.maximumf %max3A_153, %gather3A_160 : vector<16xf32>
    %mul3A_162 = arith.constant 16 : i32
    %mul3A_163 = vector.broadcast %mul3A_162 : i32 to vector<16xi32>
    %mul3A_164 = arith.muli %iota3A, %mul3A_163 : vector<16xi32>
    %add3A_165 = arith.constant 14 : i32
    %add3A_166 = vector.broadcast %add3A_165 : i32 to vector<16xi32>
    %add3A_167 = arith.addi %mul3A_164, %add3A_166 : vector<16xi32>
    %gather3A_168 = tpu.vector_load_idx %arg11[%add3A_167] : memref<256xf32, #tpu.memory_space<vmem>>[vector<16xi32>], vector<16xf32>,
    %max3A_169 = arith.maximumf %max3A_161, %gather3A_168 : vector<16xf32>
    %mul3A_170 = arith.constant 16 : i32
    %mul3A_171 = vector.broadcast %mul3A_170 : i32 to vector<16xi32>
    %mul3A_172 = arith.muli %iota3A, %mul3A_171 : vector<16xi32>
    %add3A_173 = arith.constant 15 : i32
    %add3A_174 = vector.broadcast %add3A_173 : i32 to vector<16xi32>
    %add3A_175 = arith.addi %mul3A_172, %add3A_174 : vector<16xi32>
    %gather3A_176 = tpu.vector_load_idx %arg11[%add3A_175] : memref<256xf32, #tpu.memory_space<vmem>>[vector<16xi32>], vector<16xf32>,
    %max3A_177 = arith.maximumf %max3A_169, %gather3A_176 : vector<16xf32>
    %dma_wait3A = tpu.memref_slice %arg3[%add3A_10] : memref<2088960xf32, #tpu.memory_space<hbm>> -> memref<65280xf32, #tpu.memory_space<hbm>>
    %dma_wait3A_178 = tpu.memref_slice %arg3[%add3A_10] : memref<2088960xf32, #tpu.memory_space<hbm>> -> memref<65280xf32, #tpu.memory_space<hbm>>
    tpu.wait_dma2 semaphore(%arg21 : memref<!tpu.dma_semaphore, #tpu.memory_space<semaphore_mem>>) src(%dma_wait3A_178 : memref<65280xf32, #tpu.memory_space<hbm>>) dst(%arg12 : memref<65280xf32, #tpu.memory_space<vmem>>)
    %scan3A_179 = arith.constant 0 : i32
    %scan3A_180 = arith.constant 0 : i32
    %scan3A_181 = arith.constant 255 : i32
    %scan3A_182 = arith.addi %scan3A_180, %scan3A_181 : i32
    %scan3A_183 = arith.constant 1 : i32
    %scan3A_184 = scf.for %scan3A_342 = %scan3A_180 to %scan3A_182 step %scan3A_183 iter_args(%scan3A_343 = %scan3A_179) -> (i32)  : i32 {
      %mul3A_344 = arith.constant 16 : i32
      %mul3A_345 = arith.muli %scan3A_342, %mul3A_344 : i32
      %add3A_346 = vector.broadcast %mul3A_345 : i32 to vector<16xi32>
      %add3A_347 = arith.addi %add3A_346, %iota3A : vector<16xi32>
      %mul3A_348 = arith.constant 16 : i32
      %mul3A_349 = vector.broadcast %mul3A_348 : i32 to vector<16xi32>
      %mul3A_350 = arith.muli %add3A_347, %mul3A_349 : vector<16xi32>
      %add3A_351 = arith.constant 0 : i32
      %add3A_352 = vector.broadcast %add3A_351 : i32 to vector<16xi32>
      %add3A_353 = arith.addi %mul3A_350, %add3A_352 : vector<16xi32>
      %gather3A_354 = tpu.vector_load_idx %arg12[%add3A_353] : memref<65280xf32, #tpu.memory_space<vmem>>[vector<16xi32>], vector<16xf32>,
      %max3A_355 = arith.maximumf %broadcast_in_dim3A_5, %gather3A_354 : vector<16xf32>
      %add3A_356 = arith.constant 1 : i32
      %add3A_357 = vector.broadcast %add3A_356 : i32 to vector<16xi32>
      %add3A_358 = arith.addi %mul3A_350, %add3A_357 : vector<16xi32>
      %gather3A_359 = tpu.vector_load_idx %arg12[%add3A_358] : memref<65280xf32, #tpu.memory_space<vmem>>[vector<16xi32>], vector<16xf32>,
      %max3A_360 = arith.maximumf %max3A_355, %gather3A_359 : vector<16xf32>
      %add3A_361 = arith.constant 2 : i32
      %add3A_362 = vector.broadcast %add3A_361 : i32 to vector<16xi32>
      %add3A_363 = arith.addi %mul3A_350, %add3A_362 : vector<16xi32>
      %gather3A_364 = tpu.vector_load_idx %arg12[%add3A_363] : memref<65280xf32, #tpu.memory_space<vmem>>[vector<16xi32>], vector<16xf32>,
      %max3A_365 = arith.maximumf %max3A_360, %gather3A_364 : vector<16xf32>
      %add3A_366 = arith.constant 3 : i32
      %add3A_367 = vector.broadcast %add3A_366 : i32 to vector<16xi32>
      %add3A_368 = arith.addi %mul3A_350, %add3A_367 : vector<16xi32>
      %gather3A_369 = tpu.vector_load_idx %arg12[%add3A_368] : memref<65280xf32, #tpu.memory_space<vmem>>[vector<16xi32>], vector<16xf32>,
      %max3A_370 = arith.maximumf %max3A_365, %gather3A_369 : vector<16xf32>
      %add3A_371 = arith.constant 4 : i32
      %add3A_372 = vector.broadcast %add3A_371 : i32 to vector<16xi32>
      %add3A_373 = arith.addi %mul3A_350, %add3A_372 : vector<16xi32>
      %gather3A_374 = tpu.vector_load_idx %arg12[%add3A_373] : memref<65280xf32, #tpu.memory_space<vmem>>[vector<16xi32>], vector<16xf32>,
      %max3A_375 = arith.maximumf %max3A_370, %gather3A_374 : vector<16xf32>
      %add3A_376 = arith.constant 5 : i32
      %add3A_377 = vector.broadcast %add3A_376 : i32 to vector<16xi32>
      %add3A_378 = arith.addi %mul3A_350, %add3A_377 : vector<16xi32>
      %gather3A_379 = tpu.vector_load_idx %arg12[%add3A_378] : memref<65280xf32, #tpu.memory_space<vmem>>[vector<16xi32>], vector<16xf32>,
      %max3A_380 = arith.maximumf %max3A_375, %gather3A_379 : vector<16xf32>
      %add3A_381 = arith.constant 6 : i32
      %add3A_382 = vector.broadcast %add3A_381 : i32 to vector<16xi32>
      %add3A_383 = arith.addi %mul3A_350, %add3A_382 : vector<16xi32>
      %gather3A_384 = tpu.vector_load_idx %arg12[%add3A_383] : memref<65280xf32, #tpu.memory_space<vmem>>[vector<16xi32>], vector<16xf32>,
      %max3A_385 = arith.maximumf %max3A_380, %gather3A_384 : vector<16xf32>
      %add3A_386 = arith.constant 7 : i32
      %add3A_387 = vector.broadcast %add3A_386 : i32 to vector<16xi32>
      %add3A_388 = arith.addi %mul3A_350, %add3A_387 : vector<16xi32>
      %gather3A_389 = tpu.vector_load_idx %arg12[%add3A_388] : memref<65280xf32, #tpu.memory_space<vmem>>[vector<16xi32>], vector<16xf32>,
      %max3A_390 = arith.maximumf %max3A_385, %gather3A_389 : vector<16xf32>
      %add3A_391 = arith.constant 8 : i32
      %add3A_392 = vector.broadcast %add3A_391 : i32 to vector<16xi32>
      %add3A_393 = arith.addi %mul3A_350, %add3A_392 : vector<16xi32>
      %gather3A_394 = tpu.vector_load_idx %arg12[%add3A_393] : memref<65280xf32, #tpu.memory_space<vmem>>[vector<16xi32>], vector<16xf32>,
      %max3A_395 = arith.maximumf %max3A_390, %gather3A_394 : vector<16xf32>
      %add3A_396 = arith.constant 9 : i32
      %add3A_397 = vector.broadcast %add3A_396 : i32 to vector<16xi32>
      %add3A_398 = arith.addi %mul3A_350, %add3A_397 : vector<16xi32>
      %gather3A_399 = tpu.vector_load_idx %arg12[%add3A_398] : memref<65280xf32, #tpu.memory_space<vmem>>[vector<16xi32>], vector<16xf32>,
      %max3A_400 = arith.maximumf %max3A_395, %gather3A_399 : vector<16xf32>
      %add3A_401 = arith.constant 10 : i32
      %add3A_402 = vector.broadcast %add3A_401 : i32 to vector<16xi32>
      %add3A_403 = arith.addi %mul3A_350, %add3A_402 : vector<16xi32>
      %gather3A_404 = tpu.vector_load_idx %arg12[%add3A_403] : memref<65280xf32, #tpu.memory_space<vmem>>[vector<16xi32>], vector<16xf32>,
      %max3A_405 = arith.maximumf %max3A_400, %gather3A_404 : vector<16xf32>
      %add3A_406 = arith.constant 11 : i32
      %add3A_407 = vector.broadcast %add3A_406 : i32 to vector<16xi32>
      %add3A_408 = arith.addi %mul3A_350, %add3A_407 : vector<16xi32>
      %gather3A_409 = tpu.vector_load_idx %arg12[%add3A_408] : memref<65280xf32, #tpu.memory_space<vmem>>[vector<16xi32>], vector<16xf32>,
      %max3A_410 = arith.maximumf %max3A_405, %gather3A_409 : vector<16xf32>
      %add3A_411 = arith.constant 12 : i32
      %add3A_412 = vector.broadcast %add3A_411 : i32 to vector<16xi32>
      %add3A_413 = arith.addi %mul3A_350, %add3A_412 : vector<16xi32>
      %gather3A_414 = tpu.vector_load_idx %arg12[%add3A_413] : memref<65280xf32, #tpu.memory_space<vmem>>[vector<16xi32>], vector<16xf32>,
      %max3A_415 = arith.maximumf %max3A_410, %gather3A_414 : vector<16xf32>
      %add3A_416 = arith.constant 13 : i32
      %add3A_417 = vector.broadcast %add3A_416 : i32 to vector<16xi32>
      %add3A_418 = arith.addi %mul3A_350, %add3A_417 : vector<16xi32>
      %gather3A_419 = tpu.vector_load_idx %arg12[%add3A_418] : memref<65280xf32, #tpu.memory_space<vmem>>[vector<16xi32>], vector<16xf32>,
      %max3A_420 = arith.maximumf %max3A_415, %gather3A_419 : vector<16xf32>
      %add3A_421 = arith.constant 14 : i32
      %add3A_422 = vector.broadcast %add3A_421 : i32 to vector<16xi32>
      %add3A_423 = arith.addi %mul3A_350, %add3A_422 : vector<16xi32>
      %gather3A_424 = tpu.vector_load_idx %arg12[%add3A_423] : memref<65280xf32, #tpu.memory_space<vmem>>[vector<16xi32>], vector<16xf32>,
      %max3A_425 = arith.maximumf %max3A_420, %gather3A_424 : vector<16xf32>
      %add3A_426 = arith.constant 15 : i32
      %add3A_427 = vector.broadcast %add3A_426 : i32 to vector<16xi32>
      %add3A_428 = arith.addi %mul3A_350, %add3A_427 : vector<16xi32>
      %gather3A_429 = tpu.vector_load_idx %arg12[%add3A_428] : memref<65280xf32, #tpu.memory_space<vmem>>[vector<16xi32>], vector<16xf32>,
      %max3A_430 = arith.maximumf %max3A_425, %gather3A_429 : vector<16xf32>
      %mul3A_431 = arith.constant 16 : i32
      %mul3A_432 = arith.muli %scan3A_342, %mul3A_431 : i32
      %swap3A_433 = arith.index_cast %mul3A_432 : i32 to index
      %swap3A_434 = tpu.vector_load %arg13[%swap3A_433] {strides = array<i32>} : memref<4096xf32, #tpu.memory_space<vmem>>, vector<16xf32>,
      tpu.vector_store %arg13[%swap3A_433], %max3A_430 {strides = array<i32>} : memref<4096xf32, #tpu.memory_space<vmem>>, vector<16xf32>,
      %scan3A_435 = arith.constant 0 : i32
      scf.yield %scan3A_435 : i32
    }
    %scan3A_185 = arith.constant 255 : i32
    %swap3A_186 = arith.constant 4080 : index
    %swap3A_187 = tpu.vector_load %arg13[%swap3A_186] {strides = array<i32>} : memref<4096xf32, #tpu.memory_space<vmem>>, vector<16xf32>,
    tpu.vector_store %arg13[%swap3A_186], %broadcast_in_dim3A_5 {strides = array<i32>} : memref<4096xf32, #tpu.memory_space<vmem>>, vector<16xf32>,
    %scan3A_188 = arith.constant 0 : i32
    %scan3A_189 = arith.constant 0 : i32
    %scan3A_190 = arith.constant 16 : i32
    %scan3A_191 = arith.addi %scan3A_189, %scan3A_190 : i32
    %scan3A_192 = arith.constant 1 : i32
    %scan3A_193 = scf.for %scan3A_342 = %scan3A_189 to %scan3A_191 step %scan3A_192 iter_args(%scan3A_343 = %scan3A_188) -> (i32)  : i32 {
      %mul3A_344 = arith.constant 16 : i32
      %mul3A_345 = arith.muli %scan3A_342, %mul3A_344 : i32
      %add3A_346 = vector.broadcast %mul3A_345 : i32 to vector<16xi32>
      %add3A_347 = arith.addi %add3A_346, %iota3A : vector<16xi32>
      %mul3A_348 = arith.constant 16 : i32
      %mul3A_349 = vector.broadcast %mul3A_348 : i32 to vector<16xi32>
      %mul3A_350 = arith.muli %add3A_347, %mul3A_349 : vector<16xi32>
      %add3A_351 = arith.constant 0 : i32
      %add3A_352 = vector.broadcast %add3A_351 : i32 to vector<16xi32>
      %add3A_353 = arith.addi %mul3A_350, %add3A_352 : vector<16xi32>
      %gather3A_354 = tpu.vector_load_idx %arg13[%add3A_353] : memref<4096xf32, #tpu.memory_space<vmem>>[vector<16xi32>], vector<16xf32>,
      %max3A_355 = arith.maximumf %broadcast_in_dim3A_5, %gather3A_354 : vector<16xf32>
      %add3A_356 = arith.constant 1 : i32
      %add3A_357 = vector.broadcast %add3A_356 : i32 to vector<16xi32>
      %add3A_358 = arith.addi %mul3A_350, %add3A_357 : vector<16xi32>
      %gather3A_359 = tpu.vector_load_idx %arg13[%add3A_358] : memref<4096xf32, #tpu.memory_space<vmem>>[vector<16xi32>], vector<16xf32>,
      %max3A_360 = arith.maximumf %max3A_355, %gather3A_359 : vector<16xf32>
      %add3A_361 = arith.constant 2 : i32
      %add3A_362 = vector.broadcast %add3A_361 : i32 to vector<16xi32>
      %add3A_363 = arith.addi %mul3A_350, %add3A_362 : vector<16xi32>
      %gather3A_364 = tpu.vector_load_idx %arg13[%add3A_363] : memref<4096xf32, #tpu.memory_space<vmem>>[vector<16xi32>], vector<16xf32>,
      %max3A_365 = arith.maximumf %max3A_360, %gather3A_364 : vector<16xf32>
      %add3A_366 = arith.constant 3 : i32
      %add3A_367 = vector.broadcast %add3A_366 : i32 to vector<16xi32>
      %add3A_368 = arith.addi %mul3A_350, %add3A_367 : vector<16xi32>
      %gather3A_369 = tpu.vector_load_idx %arg13[%add3A_368] : memref<4096xf32, #tpu.memory_space<vmem>>[vector<16xi32>], vector<16xf32>,
      %max3A_370 = arith.maximumf %max3A_365, %gather3A_369 : vector<16xf32>
      %add3A_371 = arith.constant 4 : i32
      %add3A_372 = vector.broadcast %add3A_371 : i32 to vector<16xi32>
      %add3A_373 = arith.addi %mul3A_350, %add3A_372 : vector<16xi32>
      %gather3A_374 = tpu.vector_load_idx %arg13[%add3A_373] : memref<4096xf32, #tpu.memory_space<vmem>>[vector<16xi32>], vector<16xf32>,
      %max3A_375 = arith.maximumf %max3A_370, %gather3A_374 : vector<16xf32>
      %add3A_376 = arith.constant 5 : i32
      %add3A_377 = vector.broadcast %add3A_376 : i32 to vector<16xi32>
      %add3A_378 = arith.addi %mul3A_350, %add3A_377 : vector<16xi32>
      %gather3A_379 = tpu.vector_load_idx %arg13[%add3A_378] : memref<4096xf32, #tpu.memory_space<vmem>>[vector<16xi32>], vector<16xf32>,
      %max3A_380 = arith.maximumf %max3A_375, %gather3A_379 : vector<16xf32>
      %add3A_381 = arith.constant 6 : i32
      %add3A_382 = vector.broadcast %add3A_381 : i32 to vector<16xi32>
      %add3A_383 = arith.addi %mul3A_350, %add3A_382 : vector<16xi32>
      %gather3A_384 = tpu.vector_load_idx %arg13[%add3A_383] : memref<4096xf32, #tpu.memory_space<vmem>>[vector<16xi32>], vector<16xf32>,
      %max3A_385 = arith.maximumf %max3A_380, %gather3A_384 : vector<16xf32>
      %add3A_386 = arith.constant 7 : i32
      %add3A_387 = vector.broadcast %add3A_386 : i32 to vector<16xi32>
      %add3A_388 = arith.addi %mul3A_350, %add3A_387 : vector<16xi32>
      %gather3A_389 = tpu.vector_load_idx %arg13[%add3A_388] : memref<4096xf32, #tpu.memory_space<vmem>>[vector<16xi32>], vector<16xf32>,
      %max3A_390 = arith.maximumf %max3A_385, %gather3A_389 : vector<16xf32>
      %add3A_391 = arith.constant 8 : i32
      %add3A_392 = vector.broadcast %add3A_391 : i32 to vector<16xi32>
      %add3A_393 = arith.addi %mul3A_350, %add3A_392 : vector<16xi32>
      %gather3A_394 = tpu.vector_load_idx %arg13[%add3A_393] : memref<4096xf32, #tpu.memory_space<vmem>>[vector<16xi32>], vector<16xf32>,
      %max3A_395 = arith.maximumf %max3A_390, %gather3A_394 : vector<16xf32>
      %add3A_396 = arith.constant 9 : i32
      %add3A_397 = vector.broadcast %add3A_396 : i32 to vector<16xi32>
      %add3A_398 = arith.addi %mul3A_350, %add3A_397 : vector<16xi32>
      %gather3A_399 = tpu.vector_load_idx %arg13[%add3A_398] : memref<4096xf32, #tpu.memory_space<vmem>>[vector<16xi32>], vector<16xf32>,
      %max3A_400 = arith.maximumf %max3A_395, %gather3A_399 : vector<16xf32>
      %add3A_401 = arith.constant 10 : i32
      %add3A_402 = vector.broadcast %add3A_401 : i32 to vector<16xi32>
      %add3A_403 = arith.addi %mul3A_350, %add3A_402 : vector<16xi32>
      %gather3A_404 = tpu.vector_load_idx %arg13[%add3A_403] : memref<4096xf32, #tpu.memory_space<vmem>>[vector<16xi32>], vector<16xf32>,
      %max3A_405 = arith.maximumf %max3A_400, %gather3A_404 : vector<16xf32>
      %add3A_406 = arith.constant 11 : i32
      %add3A_407 = vector.broadcast %add3A_406 : i32 to vector<16xi32>
      %add3A_408 = arith.addi %mul3A_350, %add3A_407 : vector<16xi32>
      %gather3A_409 = tpu.vector_load_idx %arg13[%add3A_408] : memref<4096xf32, #tpu.memory_space<vmem>>[vector<16xi32>], vector<16xf32>,
      %max3A_410 = arith.maximumf %max3A_405, %gather3A_409 : vector<16xf32>
      %add3A_411 = arith.constant 12 : i32
      %add3A_412 = vector.broadcast %add3A_411 : i32 to vector<16xi32>
      %add3A_413 = arith.addi %mul3A_350, %add3A_412 : vector<16xi32>
      %gather3A_414 = tpu.vector_load_idx %arg13[%add3A_413] : memref<4096xf32, #tpu.memory_space<vmem>>[vector<16xi32>], vector<16xf32>,
      %max3A_415 = arith.maximumf %max3A_410, %gather3A_414 : vector<16xf32>
      %add3A_416 = arith.constant 13 : i32
      %add3A_417 = vector.broadcast %add3A_416 : i32 to vector<16xi32>
      %add3A_418 = arith.addi %mul3A_350, %add3A_417 : vector<16xi32>
      %gather3A_419 = tpu.vector_load_idx %arg13[%add3A_418] : memref<4096xf32, #tpu.memory_space<vmem>>[vector<16xi32>], vector<16xf32>,
      %max3A_420 = arith.maximumf %max3A_415, %gather3A_419 : vector<16xf32>
      %add3A_421 = arith.constant 14 : i32
      %add3A_422 = vector.broadcast %add3A_421 : i32 to vector<16xi32>
      %add3A_423 = arith.addi %mul3A_350, %add3A_422 : vector<16xi32>
      %gather3A_424 = tpu.vector_load_idx %arg13[%add3A_423] : memref<4096xf32, #tpu.memory_space<vmem>>[vector<16xi32>], vector<16xf32>,
      %max3A_425 = arith.maximumf %max3A_420, %gather3A_424 : vector<16xf32>
      %add3A_426 = arith.constant 15 : i32
      %add3A_427 = vector.broadcast %add3A_426 : i32 to vector<16xi32>
      %add3A_428 = arith.addi %mul3A_350, %add3A_427 : vector<16xi32>
      %gather3A_429 = tpu.vector_load_idx %arg13[%add3A_428] : memref<4096xf32, #tpu.memory_space<vmem>>[vector<16xi32>], vector<16xf32>,
      %max3A_430 = arith.maximumf %max3A_425, %gather3A_429 : vector<16xf32>
      %mul3A_431 = arith.constant 16 : i32
      %mul3A_432 = arith.muli %scan3A_342, %mul3A_431 : i32
      %swap3A_433 = arith.index_cast %mul3A_432 : i32 to index
      %swap3A_434 = tpu.vector_load %arg14[%swap3A_433] {strides = array<i32>} : memref<256xf32, #tpu.memory_space<vmem>>, vector<16xf32>,
      tpu.vector_store %arg14[%swap3A_433], %max3A_430 {strides = array<i32>} : memref<256xf32, #tpu.memory_space<vmem>>, vector<16xf32>,
      %scan3A_435 = arith.constant 0 : i32
      scf.yield %scan3A_435 : i32
    }
    %scan3A_194 = arith.constant 16 : i32
    %mul3A_195 = arith.constant 16 : i32
    %mul3A_196 = vector.broadcast %mul3A_195 : i32 to vector<16xi32>
    %mul3A_197 = arith.muli %iota3A, %mul3A_196 : vector<16xi32>
    %add3A_198 = arith.constant 0 : i32
    %add3A_199 = vector.broadcast %add3A_198 : i32 to vector<16xi32>
    %add3A_200 = arith.addi %mul3A_197, %add3A_199 : vector<16xi32>
    %gather3A_201 = tpu.vector_load_idx %arg14[%add3A_200] : memref<256xf32, #tpu.memory_space<vmem>>[vector<16xi32>], vector<16xf32>,
    %max3A_202 = arith.maximumf %broadcast_in_dim3A_5, %gather3A_201 : vector<16xf32>
    %mul3A_203 = arith.constant 16 : i32
    %mul3A_204 = vector.broadcast %mul3A_203 : i32 to vector<16xi32>
    %mul3A_205 = arith.muli %iota3A, %mul3A_204 : vector<16xi32>
    %add3A_206 = arith.constant 1 : i32
    %add3A_207 = vector.broadcast %add3A_206 : i32 to vector<16xi32>
    %add3A_208 = arith.addi %mul3A_205, %add3A_207 : vector<16xi32>
    %gather3A_209 = tpu.vector_load_idx %arg14[%add3A_208] : memref<256xf32, #tpu.memory_space<vmem>>[vector<16xi32>], vector<16xf32>,
    %max3A_210 = arith.maximumf %max3A_202, %gather3A_209 : vector<16xf32>
    %mul3A_211 = arith.constant 16 : i32
    %mul3A_212 = vector.broadcast %mul3A_211 : i32 to vector<16xi32>
    %mul3A_213 = arith.muli %iota3A, %mul3A_212 : vector<16xi32>
    %add3A_214 = arith.constant 2 : i32
    %add3A_215 = vector.broadcast %add3A_214 : i32 to vector<16xi32>
    %add3A_216 = arith.addi %mul3A_213, %add3A_215 : vector<16xi32>
    %gather3A_217 = tpu.vector_load_idx %arg14[%add3A_216] : memref<256xf32, #tpu.memory_space<vmem>>[vector<16xi32>], vector<16xf32>,
    %max3A_218 = arith.maximumf %max3A_210, %gather3A_217 : vector<16xf32>
    %mul3A_219 = arith.constant 16 : i32
    %mul3A_220 = vector.broadcast %mul3A_219 : i32 to vector<16xi32>
    %mul3A_221 = arith.muli %iota3A, %mul3A_220 : vector<16xi32>
    %add3A_222 = arith.constant 3 : i32
    %add3A_223 = vector.broadcast %add3A_222 : i32 to vector<16xi32>
    %add3A_224 = arith.addi %mul3A_221, %add3A_223 : vector<16xi32>
    %gather3A_225 = tpu.vector_load_idx %arg14[%add3A_224] : memref<256xf32, #tpu.memory_space<vmem>>[vector<16xi32>], vector<16xf32>,
    %max3A_226 = arith.maximumf %max3A_218, %gather3A_225 : vector<16xf32>
    %mul3A_227 = arith.constant 16 : i32
    %mul3A_228 = vector.broadcast %mul3A_227 : i32 to vector<16xi32>
    %mul3A_229 = arith.muli %iota3A, %mul3A_228 : vector<16xi32>
    %add3A_230 = arith.constant 4 : i32
    %add3A_231 = vector.broadcast %add3A_230 : i32 to vector<16xi32>
    %add3A_232 = arith.addi %mul3A_229, %add3A_231 : vector<16xi32>
    %gather3A_233 = tpu.vector_load_idx %arg14[%add3A_232] : memref<256xf32, #tpu.memory_space<vmem>>[vector<16xi32>], vector<16xf32>,
    %max3A_234 = arith.maximumf %max3A_226, %gather3A_233 : vector<16xf32>
    %mul3A_235 = arith.constant 16 : i32
    %mul3A_236 = vector.broadcast %mul3A_235 : i32 to vector<16xi32>
    %mul3A_237 = arith.muli %iota3A, %mul3A_236 : vector<16xi32>
    %add3A_238 = arith.constant 5 : i32
    %add3A_239 = vector.broadcast %add3A_238 : i32 to vector<16xi32>
    %add3A_240 = arith.addi %mul3A_237, %add3A_239 : vector<16xi32>
    %gather3A_241 = tpu.vector_load_idx %arg14[%add3A_240] : memref<256xf32, #tpu.memory_space<vmem>>[vector<16xi32>], vector<16xf32>,
    %max3A_242 = arith.maximumf %max3A_234, %gather3A_241 : vector<16xf32>
    %mul3A_243 = arith.constant 16 : i32
    %mul3A_244 = vector.broadcast %mul3A_243 : i32 to vector<16xi32>
    %mul3A_245 = arith.muli %iota3A, %mul3A_244 : vector<16xi32>
    %add3A_246 = arith.constant 6 : i32
    %add3A_247 = vector.broadcast %add3A_246 : i32 to vector<16xi32>
    %add3A_248 = arith.addi %mul3A_245, %add3A_247 : vector<16xi32>
    %gather3A_249 = tpu.vector_load_idx %arg14[%add3A_248] : memref<256xf32, #tpu.memory_space<vmem>>[vector<16xi32>], vector<16xf32>,
    %max3A_250 = arith.maximumf %max3A_242, %gather3A_249 : vector<16xf32>
    %mul3A_251 = arith.constant 16 : i32
    %mul3A_252 = vector.broadcast %mul3A_251 : i32 to vector<16xi32>
    %mul3A_253 = arith.muli %iota3A, %mul3A_252 : vector<16xi32>
    %add3A_254 = arith.constant 7 : i32
    %add3A_255 = vector.broadcast %add3A_254 : i32 to vector<16xi32>
    %add3A_256 = arith.addi %mul3A_253, %add3A_255 : vector<16xi32>
    %gather3A_257 = tpu.vector_load_idx %arg14[%add3A_256] : memref<256xf32, #tpu.memory_space<vmem>>[vector<16xi32>], vector<16xf32>,
    %max3A_258 = arith.maximumf %max3A_250, %gather3A_257 : vector<16xf32>
    %mul3A_259 = arith.constant 16 : i32
    %mul3A_260 = vector.broadcast %mul3A_259 : i32 to vector<16xi32>
    %mul3A_261 = arith.muli %iota3A, %mul3A_260 : vector<16xi32>
    %add3A_262 = arith.constant 8 : i32
    %add3A_263 = vector.broadcast %add3A_262 : i32 to vector<16xi32>
    %add3A_264 = arith.addi %mul3A_261, %add3A_263 : vector<16xi32>
    %gather3A_265 = tpu.vector_load_idx %arg14[%add3A_264] : memref<256xf32, #tpu.memory_space<vmem>>[vector<16xi32>], vector<16xf32>,
    %max3A_266 = arith.maximumf %max3A_258, %gather3A_265 : vector<16xf32>
    %mul3A_267 = arith.constant 16 : i32
    %mul3A_268 = vector.broadcast %mul3A_267 : i32 to vector<16xi32>
    %mul3A_269 = arith.muli %iota3A, %mul3A_268 : vector<16xi32>
    %add3A_270 = arith.constant 9 : i32
    %add3A_271 = vector.broadcast %add3A_270 : i32 to vector<16xi32>
    %add3A_272 = arith.addi %mul3A_269, %add3A_271 : vector<16xi32>
    %gather3A_273 = tpu.vector_load_idx %arg14[%add3A_272] : memref<256xf32, #tpu.memory_space<vmem>>[vector<16xi32>], vector<16xf32>,
    %max3A_274 = arith.maximumf %max3A_266, %gather3A_273 : vector<16xf32>
    %mul3A_275 = arith.constant 16 : i32
    %mul3A_276 = vector.broadcast %mul3A_275 : i32 to vector<16xi32>
    %mul3A_277 = arith.muli %iota3A, %mul3A_276 : vector<16xi32>
    %add3A_278 = arith.constant 10 : i32
    %add3A_279 = vector.broadcast %add3A_278 : i32 to vector<16xi32>
    %add3A_280 = arith.addi %mul3A_277, %add3A_279 : vector<16xi32>
    %gather3A_281 = tpu.vector_load_idx %arg14[%add3A_280] : memref<256xf32, #tpu.memory_space<vmem>>[vector<16xi32>], vector<16xf32>,
    %max3A_282 = arith.maximumf %max3A_274, %gather3A_281 : vector<16xf32>
    %mul3A_283 = arith.constant 16 : i32
    %mul3A_284 = vector.broadcast %mul3A_283 : i32 to vector<16xi32>
    %mul3A_285 = arith.muli %iota3A, %mul3A_284 : vector<16xi32>
    %add3A_286 = arith.constant 11 : i32
    %add3A_287 = vector.broadcast %add3A_286 : i32 to vector<16xi32>
    %add3A_288 = arith.addi %mul3A_285, %add3A_287 : vector<16xi32>
    %gather3A_289 = tpu.vector_load_idx %arg14[%add3A_288] : memref<256xf32, #tpu.memory_space<vmem>>[vector<16xi32>], vector<16xf32>,
    %max3A_290 = arith.maximumf %max3A_282, %gather3A_289 : vector<16xf32>
    %mul3A_291 = arith.constant 16 : i32
    %mul3A_292 = vector.broadcast %mul3A_291 : i32 to vector<16xi32>
    %mul3A_293 = arith.muli %iota3A, %mul3A_292 : vector<16xi32>
    %add3A_294 = arith.constant 12 : i32
    %add3A_295 = vector.broadcast %add3A_294 : i32 to vector<16xi32>
    %add3A_296 = arith.addi %mul3A_293, %add3A_295 : vector<16xi32>
    %gather3A_297 = tpu.vector_load_idx %arg14[%add3A_296] : memref<256xf32, #tpu.memory_space<vmem>>[vector<16xi32>], vector<16xf32>,
    %max3A_298 = arith.maximumf %max3A_290, %gather3A_297 : vector<16xf32>
    %mul3A_299 = arith.constant 16 : i32
    %mul3A_300 = vector.broadcast %mul3A_299 : i32 to vector<16xi32>
    %mul3A_301 = arith.muli %iota3A, %mul3A_300 : vector<16xi32>
    %add3A_302 = arith.constant 13 : i32
    %add3A_303 = vector.broadcast %add3A_302 : i32 to vector<16xi32>
    %add3A_304 = arith.addi %mul3A_301, %add3A_303 : vector<16xi32>
    %gather3A_305 = tpu.vector_load_idx %arg14[%add3A_304] : memref<256xf32, #tpu.memory_space<vmem>>[vector<16xi32>], vector<16xf32>,
    %max3A_306 = arith.maximumf %max3A_298, %gather3A_305 : vector<16xf32>
    %mul3A_307 = arith.constant 16 : i32
    %mul3A_308 = vector.broadcast %mul3A_307 : i32 to vector<16xi32>
    %mul3A_309 = arith.muli %iota3A, %mul3A_308 : vector<16xi32>
    %add3A_310 = arith.constant 14 : i32
    %add3A_311 = vector.broadcast %add3A_310 : i32 to vector<16xi32>
    %add3A_312 = arith.addi %mul3A_309, %add3A_311 : vector<16xi32>
    %gather3A_313 = tpu.vector_load_idx %arg14[%add3A_312] : memref<256xf32, #tpu.memory_space<vmem>>[vector<16xi32>], vector<16xf32>,
    %max3A_314 = arith.maximumf %max3A_306, %gather3A_313 : vector<16xf32>
    %mul3A_315 = arith.constant 16 : i32
    %mul3A_316 = vector.broadcast %mul3A_315 : i32 to vector<16xi32>
    %mul3A_317 = arith.muli %iota3A, %mul3A_316 : vector<16xi32>
    %add3A_318 = arith.constant 15 : i32
    %add3A_319 = vector.broadcast %add3A_318 : i32 to vector<16xi32>
    %add3A_320 = arith.addi %mul3A_317, %add3A_319 : vector<16xi32>
    %gather3A_321 = tpu.vector_load_idx %arg14[%add3A_320] : memref<256xf32, #tpu.memory_space<vmem>>[vector<16xi32>], vector<16xf32>,
    %max3A_322 = arith.maximumf %max3A_314, %gather3A_321 : vector<16xf32>
    %scan3A_323 = arith.constant -1.000000e+00 : f32
    %scan3A_324 = arith.constant 0 : i32
    %scan3A_325 = arith.constant 104 : i32
    %scan3A_326 = arith.addi %scan3A_324, %scan3A_325 : i32
    %scan3A_327 = arith.constant 1 : i32
    %scan3A_328:2 = scf.for %scan3A_342 = %scan3A_324 to %scan3A_326 step %scan3A_327 iter_args(%scan3A_343 = %max3A_177, %scan3A_344 = %max3A_322) -> (vector<16xf32>, vector<16xf32>)  : i32 {
      %reduce_max3A = arith.constant true
      %reduce_max3A_345 = vector.broadcast %reduce_max3A : i1 to vector<16xi1>
      %reduce_max3A_346 = tpu.scan <max>, %scan3A_343 masked %reduce_max3A_345 : vector<16xf32>, vector<16xi1> -> vector<16xf32>
      %reduce_max3A_347 = vector.extract %reduce_max3A_346[15] : f32 from vector<16xf32>
      %eq3A = vector.broadcast %reduce_max3A_347 : f32 to vector<16xf32>
      %eq3A_348 = arith.cmpf oeq, %scan3A_343, %eq3A : vector<16xf32>
      %jit3A = arith.constant 16 : i32
      %broadcast_in_dim3A_349 = vector.broadcast %jit3A : i32 to vector<16xi32>
      %select_n3A = arith.select %eq3A_348, %iota3A, %broadcast_in_dim3A_349 : vector<16xi1>, vector<16xi32>
      %reduce_min3A = arith.constant true
      %reduce_min3A_350 = vector.broadcast %reduce_min3A : i1 to vector<16xi1>
      %reduce_min3A_351 = arith.constant -2147483648 : i32
      %reduce_min3A_352 = vector.broadcast %reduce_min3A_351 : i32 to vector<16xi32>
      %reduce_min3A_353 = arith.xori %select_n3A, %reduce_min3A_352 : vector<16xi32>
      %reduce_min3A_354 = tpu.scan <min>, %reduce_min3A_353 masked %reduce_min3A_350 : vector<16xi32>, vector<16xi1> -> vector<16xi32>
      %reduce_min3A_355 = arith.xori %reduce_min3A_354, %reduce_min3A_352 : vector<16xi32>
      %reduce_min3A_356 = vector.extract %reduce_min3A_355[15] : i32 from vector<16xi32>
      %mul3A_357 = arith.constant 16 : i32
      %mul3A_358 = arith.muli %reduce_min3A_356, %mul3A_357 : i32
      %get3A = arith.index_cast %mul3A_358 : i32 to index
      %get3A_359 = tpu.vector_load %arg11[%get3A] {strides = array<i32>} : memref<256xf32, #tpu.memory_space<vmem>>, vector<16xf32>,
      %mul3A_360 = arith.constant 16 : i32
      %mul3A_361 = arith.muli %reduce_min3A_356, %mul3A_360 : i32
      %eq3A_362 = vector.broadcast %reduce_max3A_347 : f32 to vector<16xf32>
      %eq3A_363 = arith.cmpf oeq, %get3A_359, %eq3A_362 : vector<16xf32>
      %jit3A_364 = arith.constant 16 : i32
      %broadcast_in_dim3A_365 = vector.broadcast %jit3A_364 : i32 to vector<16xi32>
      %select_n3A_366 = arith.select %eq3A_363, %iota3A, %broadcast_in_dim3A_365 : vector<16xi1>, vector<16xi32>
      %reduce_min3A_367 = arith.constant true
      %reduce_min3A_368 = vector.broadcast %reduce_min3A_367 : i1 to vector<16xi1>
      %reduce_min3A_369 = arith.constant -2147483648 : i32
      %reduce_min3A_370 = vector.broadcast %reduce_min3A_369 : i32 to vector<16xi32>
      %reduce_min3A_371 = arith.xori %select_n3A_366, %reduce_min3A_370 : vector<16xi32>
      %reduce_min3A_372 = tpu.scan <min>, %reduce_min3A_371 masked %reduce_min3A_368 : vector<16xi32>, vector<16xi1> -> vector<16xi32>
      %reduce_min3A_373 = arith.xori %reduce_min3A_372, %reduce_min3A_370 : vector<16xi32>
      %reduce_min3A_374 = vector.extract %reduce_min3A_373[15] : i32 from vector<16xi32>
      %add3A_375 = arith.addi %mul3A_361, %reduce_min3A_374 : i32
      %mul3A_376 = arith.constant 16 : i32
      %mul3A_377 = arith.muli %add3A_375, %mul3A_376 : i32
      %get3A_378 = arith.index_cast %mul3A_377 : i32 to index
      %get3A_379 = tpu.vector_load %arg10[%get3A_378] {strides = array<i32>} : memref<4096xf32, #tpu.memory_space<vmem>>, vector<16xf32>,
      %eq3A_380 = vector.broadcast %reduce_max3A_347 : f32 to vector<16xf32>
      %eq3A_381 = arith.cmpf oeq, %get3A_379, %eq3A_380 : vector<16xf32>
      %jit3A_382 = arith.constant 16 : i32
      %broadcast_in_dim3A_383 = vector.broadcast %jit3A_382 : i32 to vector<16xi32>
      %select_n3A_384 = arith.select %eq3A_381, %iota3A, %broadcast_in_dim3A_383 : vector<16xi1>, vector<16xi32>
      %reduce_min3A_385 = arith.constant true
      %reduce_min3A_386 = vector.broadcast %reduce_min3A_385 : i1 to vector<16xi1>
      %reduce_min3A_387 = arith.constant -2147483648 : i32
      %reduce_min3A_388 = vector.broadcast %reduce_min3A_387 : i32 to vector<16xi32>
      %reduce_min3A_389 = arith.xori %select_n3A_384, %reduce_min3A_388 : vector<16xi32>
      %reduce_min3A_390 = tpu.scan <min>, %reduce_min3A_389 masked %reduce_min3A_386 : vector<16xi32>, vector<16xi1> -> vector<16xi32>
      %reduce_min3A_391 = arith.xori %reduce_min3A_390, %reduce_min3A_388 : vector<16xi32>
      %reduce_min3A_392 = vector.extract %reduce_min3A_391[15] : i32 from vector<16xi32>
      %mul3A_393 = arith.constant 16 : i32
      %mul3A_394 = arith.muli %add3A_375, %mul3A_393 : i32
      %add3A_395 = arith.addi %mul3A_394, %reduce_min3A_392 : i32
      %add3A_396 = vector.broadcast %scan3A_342 : i32 to vector<16xi32>
      %add3A_397 = arith.addi %broadcast_in_dim3A_1, %add3A_396 : vector<16xi32>
      %eq3A_398 = arith.constant 0 : i32
      %eq3A_399 = vector.broadcast %eq3A_398 : i32 to vector<16xi32>
      %eq3A_400 = arith.cmpi eq, %iota3A, %eq3A_399 : vector<16xi32>
      %add3A_401 = vector.broadcast %reduce_max3A_347 : f32 to vector<16xf32>
      %add3A_402 = arith.addf %broadcast_in_dim3A_3, %add3A_401 : vector<16xf32>
      tpu.vector_store_idx %arg16[%add3A_397], %add3A_402 masked %eq3A_400 : memref<104xf32, #tpu.memory_space<vmem>>[vector<16xi32>], vector<16xf32>, vector<16xi1>
      %mul3A_403 = arith.constant 4080 : i32
      %mul3A_404 = arith.muli %arg0, %mul3A_403 : i32
      %add3A_405 = arith.addi %mul3A_404, %add3A_395 : i32
      %add3A_406 = vector.broadcast %add3A_405 : i32 to vector<16xi32>
      %add3A_407 = arith.addi %broadcast_in_dim3A_1, %add3A_406 : vector<16xi32>
      tpu.vector_store_idx %arg17[%add3A_397], %add3A_407 masked %eq3A_400 : memref<104xi32, #tpu.memory_space<vmem>>[vector<16xi32>], vector<16xi32>, vector<16xi1>
      %lt3A = arith.constant 4 : i32
      %lt3A_408 = vector.broadcast %lt3A : i32 to vector<16xi32>
      %lt3A_409 = arith.cmpi slt, %iota3A, %lt3A_408 : vector<16xi32>
      %mul3A_410 = arith.constant 4080 : i32
      %mul3A_411 = vector.broadcast %mul3A_410 : i32 to vector<16xi32>
      %mul3A_412 = arith.muli %iota3A, %mul3A_411 : vector<16xi32>
      %add3A_413 = vector.broadcast %add3A_395 : i32 to vector<16xi32>
      %add3A_414 = arith.addi %add3A_413, %mul3A_412 : vector<16xi32>
      %jit3A_415 = arith.constant 0 : i32
      %broadcast_in_dim3A_416 = vector.broadcast %jit3A_415 : i32 to vector<16xi32>
      %select_n3A_417 = arith.select %lt3A_409, %add3A_414, %broadcast_in_dim3A_416 : vector<16xi1>, vector<16xi32>
      %gather3A_418 = tpu.vector_load_idx %arg15[%select_n3A_417] : memref<16320xf32, #tpu.memory_space<vmem>>[vector<16xi32>], vector<16xf32>,
      %mul3A_419 = arith.constant 4 : i32
      %mul3A_420 = arith.muli %scan3A_342, %mul3A_419 : i32
      %add3A_421 = vector.broadcast %mul3A_420 : i32 to vector<16xi32>
      %add3A_422 = arith.addi %add3A_421, %iota3A : vector<16xi32>
      %lt3A_423 = arith.constant 4 : i32
      %lt3A_424 = vector.broadcast %lt3A_423 : i32 to vector<16xi32>
      %lt3A_425 = arith.cmpi slt, %iota3A, %lt3A_424 : vector<16xi32>
      tpu.vector_store_idx %arg18[%add3A_422], %gather3A_418 masked %lt3A_425 : memref<416xf32, #tpu.memory_space<vmem>>[vector<16xi32>], vector<16xf32>, vector<16xi1>
      %eq3A_426 = vector.broadcast %reduce_min3A_392 : i32 to vector<16xi32>
      %eq3A_427 = arith.cmpi eq, %iota3A, %eq3A_426 : vector<16xi32>
      %broadcast_in_dim3A_428 = vector.broadcast %scan3A_323 : f32 to vector<16xf32>
      %select_n3A_429 = arith.select %eq3A_427, %broadcast_in_dim3A_428, %get3A_379 : vector<16xi1>, vector<16xf32>
      %mul3A_430 = arith.constant 16 : i32
      %mul3A_431 = arith.muli %add3A_375, %mul3A_430 : i32
      %swap3A_432 = arith.index_cast %mul3A_431 : i32 to index
      %swap3A_433 = tpu.vector_load %arg10[%swap3A_432] {strides = array<i32>} : memref<4096xf32, #tpu.memory_space<vmem>>, vector<16xf32>,
      tpu.vector_store %arg10[%swap3A_432], %select_n3A_429 {strides = array<i32>} : memref<4096xf32, #tpu.memory_space<vmem>>, vector<16xf32>,
      %reduce_max3A_434 = arith.constant true
      %reduce_max3A_435 = vector.broadcast %reduce_max3A_434 : i1 to vector<16xi1>
      %reduce_max3A_436 = tpu.scan <max>, %select_n3A_429 masked %reduce_max3A_435 : vector<16xf32>, vector<16xi1> -> vector<16xf32>
      %reduce_max3A_437 = vector.extract %reduce_max3A_436[15] : f32 from vector<16xf32>
      %jit3A_438 = arith.constant 16 : i32
      %div3A = arith.divsi %add3A_375, %jit3A_438 : i32
      %sign3A = arith.constant 0 : i32
      %sign3A_439 = arith.cmpi sgt, %add3A_375, %sign3A : i32
      %sign3A_440 = arith.extui %sign3A_439 : i1 to i32
      %sign3A_441 = arith.constant 0 : i32
      %sign3A_442 = arith.cmpi slt, %add3A_375, %sign3A_441 : i32
      %sign3A_443 = arith.extui %sign3A_442 : i1 to i32
      %sign3A_444 = arith.subi %sign3A_440, %sign3A_443 : i32
      %sign3A_445 = arith.constant 0 : i32
      %sign3A_446 = arith.cmpi sgt, %jit3A_438, %sign3A_445 : i32
      %sign3A_447 = arith.extui %sign3A_446 : i1 to i32
      %sign3A_448 = arith.constant 0 : i32
      %sign3A_449 = arith.cmpi slt, %jit3A_438, %sign3A_448 : i32
      %sign3A_450 = arith.extui %sign3A_449 : i1 to i32
      %sign3A_451 = arith.subi %sign3A_447, %sign3A_450 : i32
      %ne3A = arith.cmpi ne, %sign3A_444, %sign3A_451 : i32
      %rem3A = arith.remsi %add3A_375, %jit3A_438 : i32
      %ne3A_452 = arith.constant 0 : i32
      %ne3A_453 = arith.cmpi ne, %rem3A, %ne3A_452 : i32
      %and3A = arith.andi %ne3A, %ne3A_453 : i1
      %sub3A = arith.constant 1 : i32
      %sub3A_454 = arith.subi %div3A, %sub3A : i32
      %select_n3A_455 = arith.select %and3A, %sub3A_454, %div3A : i32
      %mul3A_456 = arith.constant 16 : i32
      %mul3A_457 = arith.muli %select_n3A_455, %mul3A_456 : i32
      %sub3A_458 = arith.subi %add3A_375, %mul3A_457 : i32
      %eq3A_459 = vector.broadcast %sub3A_458 : i32 to vector<16xi32>
      %eq3A_460 = arith.cmpi eq, %iota3A, %eq3A_459 : vector<16xi32>
      %broadcast_in_dim3A_461 = vector.broadcast %reduce_max3A_437 : f32 to vector<16xf32>
      %select_n3A_462 = arith.select %eq3A_460, %broadcast_in_dim3A_461, %get3A_359 : vector<16xi1>, vector<16xf32>
      %mul3A_463 = arith.constant 16 : i32
      %mul3A_464 = arith.muli %select_n3A_455, %mul3A_463 : i32
      %swap3A_465 = arith.index_cast %mul3A_464 : i32 to index
      %swap3A_466 = tpu.vector_load %arg11[%swap3A_465] {strides = array<i32>} : memref<256xf32, #tpu.memory_space<vmem>>, vector<16xf32>,
      tpu.vector_store %arg11[%swap3A_465], %select_n3A_462 {strides = array<i32>} : memref<256xf32, #tpu.memory_space<vmem>>, vector<16xf32>,
      %reduce_max3A_467 = arith.constant true
      %reduce_max3A_468 = vector.broadcast %reduce_max3A_467 : i1 to vector<16xi1>
      %reduce_max3A_469 = tpu.scan <max>, %select_n3A_462 masked %reduce_max3A_468 : vector<16xf32>, vector<16xi1> -> vector<16xf32>
      %reduce_max3A_470 = vector.extract %reduce_max3A_469[15] : f32 from vector<16xf32>
      %eq3A_471 = vector.broadcast %select_n3A_455 : i32 to vector<16xi32>
      %eq3A_472 = arith.cmpi eq, %iota3A, %eq3A_471 : vector<16xi32>
      %broadcast_in_dim3A_473 = vector.broadcast %reduce_max3A_470 : f32 to vector<16xf32>
      %select_n3A_474 = arith.select %eq3A_472, %broadcast_in_dim3A_473, %scan3A_343 : vector<16xi1>, vector<16xf32>
      %reduce_max3A_475 = arith.constant true
      %reduce_max3A_476 = vector.broadcast %reduce_max3A_475 : i1 to vector<16xi1>
      %reduce_max3A_477 = tpu.scan <max>, %scan3A_344 masked %reduce_max3A_476 : vector<16xf32>, vector<16xi1> -> vector<16xf32>
      %reduce_max3A_478 = vector.extract %reduce_max3A_477[15] : f32 from vector<16xf32>
      %eq3A_479 = vector.broadcast %reduce_max3A_478 : f32 to vector<16xf32>
      %eq3A_480 = arith.cmpf oeq, %scan3A_344, %eq3A_479 : vector<16xf32>
      %jit3A_481 = arith.constant 16 : i32
      %broadcast_in_dim3A_482 = vector.broadcast %jit3A_481 : i32 to vector<16xi32>
      %select_n3A_483 = arith.select %eq3A_480, %iota3A, %broadcast_in_dim3A_482 : vector<16xi1>, vector<16xi32>
      %reduce_min3A_484 = arith.constant true
      %reduce_min3A_485 = vector.broadcast %reduce_min3A_484 : i1 to vector<16xi1>
      %reduce_min3A_486 = arith.constant -2147483648 : i32
      %reduce_min3A_487 = vector.broadcast %reduce_min3A_486 : i32 to vector<16xi32>
      %reduce_min3A_488 = arith.xori %select_n3A_483, %reduce_min3A_487 : vector<16xi32>
      %reduce_min3A_489 = tpu.scan <min>, %reduce_min3A_488 masked %reduce_min3A_485 : vector<16xi32>, vector<16xi1> -> vector<16xi32>
      %reduce_min3A_490 = arith.xori %reduce_min3A_489, %reduce_min3A_487 : vector<16xi32>
      %reduce_min3A_491 = vector.extract %reduce_min3A_490[15] : i32 from vector<16xi32>
      %mul3A_492 = arith.constant 16 : i32
      %mul3A_493 = arith.muli %reduce_min3A_491, %mul3A_492 : i32
      %get3A_494 = arith.index_cast %mul3A_493 : i32 to index
      %get3A_495 = tpu.vector_load %arg14[%get3A_494] {strides = array<i32>} : memref<256xf32, #tpu.memory_space<vmem>>, vector<16xf32>,
      %mul3A_496 = arith.constant 16 : i32
      %mul3A_497 = arith.muli %reduce_min3A_491, %mul3A_496 : i32
      %eq3A_498 = vector.broadcast %reduce_max3A_478 : f32 to vector<16xf32>
      %eq3A_499 = arith.cmpf oeq, %get3A_495, %eq3A_498 : vector<16xf32>
      %jit3A_500 = arith.constant 16 : i32
      %broadcast_in_dim3A_501 = vector.broadcast %jit3A_500 : i32 to vector<16xi32>
      %select_n3A_502 = arith.select %eq3A_499, %iota3A, %broadcast_in_dim3A_501 : vector<16xi1>, vector<16xi32>
      %reduce_min3A_503 = arith.constant true
      %reduce_min3A_504 = vector.broadcast %reduce_min3A_503 : i1 to vector<16xi1>
      %reduce_min3A_505 = arith.constant -2147483648 : i32
      %reduce_min3A_506 = vector.broadcast %reduce_min3A_505 : i32 to vector<16xi32>
      %reduce_min3A_507 = arith.xori %select_n3A_502, %reduce_min3A_506 : vector<16xi32>
      %reduce_min3A_508 = tpu.scan <min>, %reduce_min3A_507 masked %reduce_min3A_504 : vector<16xi32>, vector<16xi1> -> vector<16xi32>
      %reduce_min3A_509 = arith.xori %reduce_min3A_508, %reduce_min3A_506 : vector<16xi32>
      %reduce_min3A_510 = vector.extract %reduce_min3A_509[15] : i32 from vector<16xi32>
      %add3A_511 = arith.addi %mul3A_497, %reduce_min3A_510 : i32
      %mul3A_512 = arith.constant 16 : i32
      %mul3A_513 = arith.muli %add3A_511, %mul3A_512 : i32
      %get3A_514 = arith.index_cast %mul3A_513 : i32 to index
      %get3A_515 = tpu.vector_load %arg13[%get3A_514] {strides = array<i32>} : memref<4096xf32, #tpu.memory_space<vmem>>, vector<16xf32>,
      %mul3A_516 = arith.constant 16 : i32
      %mul3A_517 = arith.muli %add3A_511, %mul3A_516 : i32
      %eq3A_518 = vector.broadcast %reduce_max3A_478 : f32 to vector<16xf32>
      %eq3A_519 = arith.cmpf oeq, %get3A_515, %eq3A_518 : vector<16xf32>
      %jit3A_520 = arith.constant 16 : i32
      %broadcast_in_dim3A_521 = vector.broadcast %jit3A_520 : i32 to vector<16xi32>
      %select_n3A_522 = arith.select %eq3A_519, %iota3A, %broadcast_in_dim3A_521 : vector<16xi1>, vector<16xi32>
      %reduce_min3A_523 = arith.constant true
      %reduce_min3A_524 = vector.broadcast %reduce_min3A_523 : i1 to vector<16xi1>
      %reduce_min3A_525 = arith.constant -2147483648 : i32
      %reduce_min3A_526 = vector.broadcast %reduce_min3A_525 : i32 to vector<16xi32>
      %reduce_min3A_527 = arith.xori %select_n3A_522, %reduce_min3A_526 : vector<16xi32>
      %reduce_min3A_528 = tpu.scan <min>, %reduce_min3A_527 masked %reduce_min3A_524 : vector<16xi32>, vector<16xi1> -> vector<16xi32>
      %reduce_min3A_529 = arith.xori %reduce_min3A_528, %reduce_min3A_526 : vector<16xi32>
      %reduce_min3A_530 = vector.extract %reduce_min3A_529[15] : i32 from vector<16xi32>
      %add3A_531 = arith.addi %mul3A_517, %reduce_min3A_530 : i32
      %mul3A_532 = arith.constant 16 : i32
      %mul3A_533 = arith.muli %add3A_531, %mul3A_532 : i32
      %get3A_534 = arith.index_cast %mul3A_533 : i32 to index
      %get3A_535 = tpu.vector_load %arg12[%get3A_534] {strides = array<i32>} : memref<65280xf32, #tpu.memory_space<vmem>>, vector<16xf32>,
      %eq3A_536 = vector.broadcast %reduce_max3A_478 : f32 to vector<16xf32>
      %eq3A_537 = arith.cmpf oeq, %get3A_535, %eq3A_536 : vector<16xf32>
      %jit3A_538 = arith.constant 16 : i32
      %broadcast_in_dim3A_539 = vector.broadcast %jit3A_538 : i32 to vector<16xi32>
      %select_n3A_540 = arith.select %eq3A_537, %iota3A, %broadcast_in_dim3A_539 : vector<16xi1>, vector<16xi32>
      %reduce_min3A_541 = arith.constant true
      %reduce_min3A_542 = vector.broadcast %reduce_min3A_541 : i1 to vector<16xi1>
      %reduce_min3A_543 = arith.constant -2147483648 : i32
      %reduce_min3A_544 = vector.broadcast %reduce_min3A_543 : i32 to vector<16xi32>
      %reduce_min3A_545 = arith.xori %select_n3A_540, %reduce_min3A_544 : vector<16xi32>
      %reduce_min3A_546 = tpu.scan <min>, %reduce_min3A_545 masked %reduce_min3A_542 : vector<16xi32>, vector<16xi1> -> vector<16xi32>
      %reduce_min3A_547 = arith.xori %reduce_min3A_546, %reduce_min3A_544 : vector<16xi32>
      %reduce_min3A_548 = vector.extract %reduce_min3A_547[15] : i32 from vector<16xi32>
      %mul3A_549 = arith.constant 16 : i32
      %mul3A_550 = arith.muli %add3A_531, %mul3A_549 : i32
      %add3A_551 = arith.addi %mul3A_550, %reduce_min3A_548 : i32
      %add3A_552 = vector.broadcast %scan3A_342 : i32 to vector<16xi32>
      %add3A_553 = arith.addi %broadcast_in_dim3A_1, %add3A_552 : vector<16xi32>
      %eq3A_554 = arith.constant 0 : i32
      %eq3A_555 = vector.broadcast %eq3A_554 : i32 to vector<16xi32>
      %eq3A_556 = arith.cmpi eq, %iota3A, %eq3A_555 : vector<16xi32>
      %add3A_557 = vector.broadcast %reduce_max3A_478 : f32 to vector<16xf32>
      %add3A_558 = arith.addf %broadcast_in_dim3A_3, %add3A_557 : vector<16xf32>
      tpu.vector_store_idx %arg19[%add3A_553], %add3A_558 masked %eq3A_556 : memref<104xf32, #tpu.memory_space<vmem>>[vector<16xi32>], vector<16xf32>, vector<16xi1>
      %mul3A_559 = arith.constant 65280 : i32
      %mul3A_560 = arith.muli %arg0, %mul3A_559 : i32
      %add3A_561 = arith.addi %mul3A_560, %add3A_551 : i32
      %add3A_562 = vector.broadcast %add3A_561 : i32 to vector<16xi32>
      %add3A_563 = arith.addi %broadcast_in_dim3A_1, %add3A_562 : vector<16xi32>
      tpu.vector_store_idx %arg20[%add3A_553], %add3A_563 masked %eq3A_556 : memref<104xi32, #tpu.memory_space<vmem>>[vector<16xi32>], vector<16xi32>, vector<16xi1>
      %eq3A_564 = vector.broadcast %reduce_min3A_548 : i32 to vector<16xi32>
      %eq3A_565 = arith.cmpi eq, %iota3A, %eq3A_564 : vector<16xi32>
      %broadcast_in_dim3A_566 = vector.broadcast %scan3A_323 : f32 to vector<16xf32>
      %select_n3A_567 = arith.select %eq3A_565, %broadcast_in_dim3A_566, %get3A_535 : vector<16xi1>, vector<16xf32>
      %mul3A_568 = arith.constant 16 : i32
      %mul3A_569 = arith.muli %add3A_531, %mul3A_568 : i32
      %swap3A_570 = arith.index_cast %mul3A_569 : i32 to index
      %swap3A_571 = tpu.vector_load %arg12[%swap3A_570] {strides = array<i32>} : memref<65280xf32, #tpu.memory_space<vmem>>, vector<16xf32>,
      tpu.vector_store %arg12[%swap3A_570], %select_n3A_567 {strides = array<i32>} : memref<65280xf32, #tpu.memory_space<vmem>>, vector<16xf32>,
      %reduce_max3A_572 = arith.constant true
      %reduce_max3A_573 = vector.broadcast %reduce_max3A_572 : i1 to vector<16xi1>
      %reduce_max3A_574 = tpu.scan <max>, %select_n3A_567 masked %reduce_max3A_573 : vector<16xf32>, vector<16xi1> -> vector<16xf32>
      %reduce_max3A_575 = vector.extract %reduce_max3A_574[15] : f32 from vector<16xf32>
      %jit3A_576 = arith.constant 16 : i32
      %div3A_577 = arith.divsi %add3A_531, %jit3A_576 : i32
      %sign3A_578 = arith.constant 0 : i32
      %sign3A_579 = arith.cmpi sgt, %add3A_531, %sign3A_578 : i32
      %sign3A_580 = arith.extui %sign3A_579 : i1 to i32
      %sign3A_581 = arith.constant 0 : i32
      %sign3A_582 = arith.cmpi slt, %add3A_531, %sign3A_581 : i32
      %sign3A_583 = arith.extui %sign3A_582 : i1 to i32
      %sign3A_584 = arith.subi %sign3A_580, %sign3A_583 : i32
      %sign3A_585 = arith.constant 0 : i32
      %sign3A_586 = arith.cmpi sgt, %jit3A_576, %sign3A_585 : i32
      %sign3A_587 = arith.extui %sign3A_586 : i1 to i32
      %sign3A_588 = arith.constant 0 : i32
      %sign3A_589 = arith.cmpi slt, %jit3A_576, %sign3A_588 : i32
      %sign3A_590 = arith.extui %sign3A_589 : i1 to i32
      %sign3A_591 = arith.subi %sign3A_587, %sign3A_590 : i32
      %ne3A_592 = arith.cmpi ne, %sign3A_584, %sign3A_591 : i32
      %rem3A_593 = arith.remsi %add3A_531, %jit3A_576 : i32
      %ne3A_594 = arith.constant 0 : i32
      %ne3A_595 = arith.cmpi ne, %rem3A_593, %ne3A_594 : i32
      %and3A_596 = arith.andi %ne3A_592, %ne3A_595 : i1
      %sub3A_597 = arith.constant 1 : i32
      %sub3A_598 = arith.subi %div3A_577, %sub3A_597 : i32
      %select_n3A_599 = arith.select %and3A_596, %sub3A_598, %div3A_577 : i32
      %mul3A_600 = arith.constant 16 : i32
      %mul3A_601 = arith.muli %select_n3A_599, %mul3A_600 : i32
      %sub3A_602 = arith.subi %add3A_531, %mul3A_601 : i32
      %eq3A_603 = vector.broadcast %sub3A_602 : i32 to vector<16xi32>
      %eq3A_604 = arith.cmpi eq, %iota3A, %eq3A_603 : vector<16xi32>
      %broadcast_in_dim3A_605 = vector.broadcast %reduce_max3A_575 : f32 to vector<16xf32>
      %select_n3A_606 = arith.select %eq3A_604, %broadcast_in_dim3A_605, %get3A_515 : vector<16xi1>, vector<16xf32>
      %mul3A_607 = arith.constant 16 : i32
      %mul3A_608 = arith.muli %select_n3A_599, %mul3A_607 : i32
      %swap3A_609 = arith.index_cast %mul3A_608 : i32 to index
      %swap3A_610 = tpu.vector_load %arg13[%swap3A_609] {strides = array<i32>} : memref<4096xf32, #tpu.memory_space<vmem>>, vector<16xf32>,
      tpu.vector_store %arg13[%swap3A_609], %select_n3A_606 {strides = array<i32>} : memref<4096xf32, #tpu.memory_space<vmem>>, vector<16xf32>,
      %reduce_max3A_611 = arith.constant true
      %reduce_max3A_612 = vector.broadcast %reduce_max3A_611 : i1 to vector<16xi1>
      %reduce_max3A_613 = tpu.scan <max>, %select_n3A_606 masked %reduce_max3A_612 : vector<16xf32>, vector<16xi1> -> vector<16xf32>
      %reduce_max3A_614 = vector.extract %reduce_max3A_613[15] : f32 from vector<16xf32>
      %jit3A_615 = arith.constant 16 : i32
      %div3A_616 = arith.divsi %select_n3A_599, %jit3A_615 : i32
      %sign3A_617 = arith.constant 0 : i32
      %sign3A_618 = arith.cmpi sgt, %select_n3A_599, %sign3A_617 : i32
      %sign3A_619 = arith.extui %sign3A_618 : i1 to i32
      %sign3A_620 = arith.constant 0 : i32
      %sign3A_621 = arith.cmpi slt, %select_n3A_599, %sign3A_620 : i32
      %sign3A_622 = arith.extui %sign3A_621 : i1 to i32
      %sign3A_623 = arith.subi %sign3A_619, %sign3A_622 : i32
      %sign3A_624 = arith.constant 0 : i32
      %sign3A_625 = arith.cmpi sgt, %jit3A_615, %sign3A_624 : i32
      %sign3A_626 = arith.extui %sign3A_625 : i1 to i32
      %sign3A_627 = arith.constant 0 : i32
      %sign3A_628 = arith.cmpi slt, %jit3A_615, %sign3A_627 : i32
      %sign3A_629 = arith.extui %sign3A_628 : i1 to i32
      %sign3A_630 = arith.subi %sign3A_626, %sign3A_629 : i32
      %ne3A_631 = arith.cmpi ne, %sign3A_623, %sign3A_630 : i32
      %rem3A_632 = arith.remsi %select_n3A_599, %jit3A_615 : i32
      %ne3A_633 = arith.constant 0 : i32
      %ne3A_634 = arith.cmpi ne, %rem3A_632, %ne3A_633 : i32
      %and3A_635 = arith.andi %ne3A_631, %ne3A_634 : i1
      %sub3A_636 = arith.constant 1 : i32
      %sub3A_637 = arith.subi %div3A_616, %sub3A_636 : i32
      %select_n3A_638 = arith.select %and3A_635, %sub3A_637, %div3A_616 : i32
      %mul3A_639 = arith.constant 16 : i32
      %mul3A_640 = arith.muli %select_n3A_638, %mul3A_639 : i32
      %sub3A_641 = arith.subi %select_n3A_599, %mul3A_640 : i32
      %eq3A_642 = vector.broadcast %sub3A_641 : i32 to vector<16xi32>
      %eq3A_643 = arith.cmpi eq, %iota3A, %eq3A_642 : vector<16xi32>
      %broadcast_in_dim3A_644 = vector.broadcast %reduce_max3A_614 : f32 to vector<16xf32>
      %select_n3A_645 = arith.select %eq3A_643, %broadcast_in_dim3A_644, %get3A_495 : vector<16xi1>, vector<16xf32>
      %mul3A_646 = arith.constant 16 : i32
      %mul3A_647 = arith.muli %select_n3A_638, %mul3A_646 : i32
      %swap3A_648 = arith.index_cast %mul3A_647 : i32 to index
      %swap3A_649 = tpu.vector_load %arg14[%swap3A_648] {strides = array<i32>} : memref<256xf32, #tpu.memory_space<vmem>>, vector<16xf32>,
      tpu.vector_store %arg14[%swap3A_648], %select_n3A_645 {strides = array<i32>} : memref<256xf32, #tpu.memory_space<vmem>>, vector<16xf32>,
      %reduce_max3A_650 = arith.constant true
      %reduce_max3A_651 = vector.broadcast %reduce_max3A_650 : i1 to vector<16xi1>
      %reduce_max3A_652 = tpu.scan <max>, %select_n3A_645 masked %reduce_max3A_651 : vector<16xf32>, vector<16xi1> -> vector<16xf32>
      %reduce_max3A_653 = vector.extract %reduce_max3A_652[15] : f32 from vector<16xf32>
      %eq3A_654 = vector.broadcast %select_n3A_638 : i32 to vector<16xi32>
      %eq3A_655 = arith.cmpi eq, %iota3A, %eq3A_654 : vector<16xi32>
      %broadcast_in_dim3A_656 = vector.broadcast %reduce_max3A_653 : f32 to vector<16xf32>
      %select_n3A_657 = arith.select %eq3A_655, %broadcast_in_dim3A_656, %scan3A_344 : vector<16xi1>, vector<16xf32>
      scf.yield %select_n3A_474, %select_n3A_657 : vector<16xf32>, vector<16xf32>
    }
    %scan3A_329 = arith.constant 104 : i32
    %mul3A_330 = arith.constant 104 : i32
    %mul3A_331 = arith.muli %add3A, %mul3A_330 : i32
    "tpu.region"() ({
      %run_scoped3A = tpu.sem_alloc : memref<!tpu.dma_semaphore, #tpu.memory_space<semaphore_mem>>
      %dma_start3A_342 = tpu.memref_slice %arg5[%mul3A_331] : memref<3328xf32, #tpu.memory_space<hbm>> -> memref<104xf32, #tpu.memory_space<hbm>>
      %dma_start3A_343 = tpu.memref_slice %arg5[%mul3A_331] : memref<3328xf32, #tpu.memory_space<hbm>> -> memref<104xf32, #tpu.memory_space<hbm>>
      tpu.enqueue_dma source(%arg16 : memref<104xf32, #tpu.memory_space<vmem>>) target(%dma_start3A_343 : memref<104xf32, #tpu.memory_space<hbm>>) target_semaphore(%run_scoped3A : memref<!tpu.dma_semaphore, #tpu.memory_space<semaphore_mem>>)
      %dma_wait3A_344 = tpu.memref_slice %arg5[%mul3A_331] : memref<3328xf32, #tpu.memory_space<hbm>> -> memref<104xf32, #tpu.memory_space<hbm>>
      %dma_wait3A_345 = tpu.memref_slice %arg5[%mul3A_331] : memref<3328xf32, #tpu.memory_space<hbm>> -> memref<104xf32, #tpu.memory_space<hbm>>
      tpu.wait_dma2 semaphore(%run_scoped3A : memref<!tpu.dma_semaphore, #tpu.memory_space<semaphore_mem>>) src(%arg16 : memref<104xf32, #tpu.memory_space<vmem>>) dst(%dma_wait3A_345 : memref<104xf32, #tpu.memory_space<hbm>>)
      tpu.yield
    }) : () -> ()
    %mul3A_332 = arith.constant 104 : i32
    %mul3A_333 = arith.muli %add3A, %mul3A_332 : i32
    "tpu.region"() ({
      %run_scoped3A = tpu.sem_alloc : memref<!tpu.dma_semaphore, #tpu.memory_space<semaphore_mem>>
      %dma_start3A_342 = tpu.memref_slice %arg6[%mul3A_333] : memref<3328xi32, #tpu.memory_space<hbm>> -> memref<104xi32, #tpu.memory_space<hbm>>
      %dma_start3A_343 = tpu.memref_slice %arg6[%mul3A_333] : memref<3328xi32, #tpu.memory_space<hbm>> -> memref<104xi32, #tpu.memory_space<hbm>>
      tpu.enqueue_dma source(%arg17 : memref<104xi32, #tpu.memory_space<vmem>>) target(%dma_start3A_343 : memref<104xi32, #tpu.memory_space<hbm>>) target_semaphore(%run_scoped3A : memref<!tpu.dma_semaphore, #tpu.memory_space<semaphore_mem>>)
      %dma_wait3A_344 = tpu.memref_slice %arg6[%mul3A_333] : memref<3328xi32, #tpu.memory_space<hbm>> -> memref<104xi32, #tpu.memory_space<hbm>>
      %dma_wait3A_345 = tpu.memref_slice %arg6[%mul3A_333] : memref<3328xi32, #tpu.memory_space<hbm>> -> memref<104xi32, #tpu.memory_space<hbm>>
      tpu.wait_dma2 semaphore(%run_scoped3A : memref<!tpu.dma_semaphore, #tpu.memory_space<semaphore_mem>>) src(%arg17 : memref<104xi32, #tpu.memory_space<vmem>>) dst(%dma_wait3A_345 : memref<104xi32, #tpu.memory_space<hbm>>)
      tpu.yield
    }) : () -> ()
    %mul3A_334 = arith.constant 4 : i32
    %mul3A_335 = arith.muli %add3A, %mul3A_334 : i32
    %mul3A_336 = arith.constant 104 : i32
    %mul3A_337 = arith.muli %mul3A_335, %mul3A_336 : i32
    "tpu.region"() ({
      %run_scoped3A = tpu.sem_alloc : memref<!tpu.dma_semaphore, #tpu.memory_space<semaphore_mem>>
      %dma_start3A_342 = tpu.memref_slice %arg7[%mul3A_337] : memref<13312xf32, #tpu.memory_space<hbm>> -> memref<416xf32, #tpu.memory_space<hbm>>
      %dma_start3A_343 = tpu.memref_slice %arg7[%mul3A_337] : memref<13312xf32, #tpu.memory_space<hbm>> -> memref<416xf32, #tpu.memory_space<hbm>>
      tpu.enqueue_dma source(%arg18 : memref<416xf32, #tpu.memory_space<vmem>>) target(%dma_start3A_343 : memref<416xf32, #tpu.memory_space<hbm>>) target_semaphore(%run_scoped3A : memref<!tpu.dma_semaphore, #tpu.memory_space<semaphore_mem>>)
      %dma_wait3A_344 = tpu.memref_slice %arg7[%mul3A_337] : memref<13312xf32, #tpu.memory_space<hbm>> -> memref<416xf32, #tpu.memory_space<hbm>>
      %dma_wait3A_345 = tpu.memref_slice %arg7[%mul3A_337] : memref<13312xf32, #tpu.memory_space<hbm>> -> memref<416xf32, #tpu.memory_space<hbm>>
      tpu.wait_dma2 semaphore(%run_scoped3A : memref<!tpu.dma_semaphore, #tpu.memory_space<semaphore_mem>>) src(%arg18 : memref<416xf32, #tpu.memory_space<vmem>>) dst(%dma_wait3A_345 : memref<416xf32, #tpu.memory_space<hbm>>)
      tpu.yield
    }) : () -> ()
    %mul3A_338 = arith.constant 104 : i32
    %mul3A_339 = arith.muli %add3A, %mul3A_338 : i32
    "tpu.region"() ({
      %run_scoped3A = tpu.sem_alloc : memref<!tpu.dma_semaphore, #tpu.memory_space<semaphore_mem>>
      %dma_start3A_342 = tpu.memref_slice %arg8[%mul3A_339] : memref<3328xf32, #tpu.memory_space<hbm>> -> memref<104xf32, #tpu.memory_space<hbm>>
      %dma_start3A_343 = tpu.memref_slice %arg8[%mul3A_339] : memref<3328xf32, #tpu.memory_space<hbm>> -> memref<104xf32, #tpu.memory_space<hbm>>
      tpu.enqueue_dma source(%arg19 : memref<104xf32, #tpu.memory_space<vmem>>) target(%dma_start3A_343 : memref<104xf32, #tpu.memory_space<hbm>>) target_semaphore(%run_scoped3A : memref<!tpu.dma_semaphore, #tpu.memory_space<semaphore_mem>>)
      %dma_wait3A_344 = tpu.memref_slice %arg8[%mul3A_339] : memref<3328xf32, #tpu.memory_space<hbm>> -> memref<104xf32, #tpu.memory_space<hbm>>
      %dma_wait3A_345 = tpu.memref_slice %arg8[%mul3A_339] : memref<3328xf32, #tpu.memory_space<hbm>> -> memref<104xf32, #tpu.memory_space<hbm>>
      tpu.wait_dma2 semaphore(%run_scoped3A : memref<!tpu.dma_semaphore, #tpu.memory_space<semaphore_mem>>) src(%arg19 : memref<104xf32, #tpu.memory_space<vmem>>) dst(%dma_wait3A_345 : memref<104xf32, #tpu.memory_space<hbm>>)
      tpu.yield
    }) : () -> ()
    %mul3A_340 = arith.constant 104 : i32
    %mul3A_341 = arith.muli %add3A, %mul3A_340 : i32
    "tpu.region"() ({
      %run_scoped3A = tpu.sem_alloc : memref<!tpu.dma_semaphore, #tpu.memory_space<semaphore_mem>>
      %dma_start3A_342 = tpu.memref_slice %arg9[%mul3A_341] : memref<3328xi32, #tpu.memory_space<hbm>> -> memref<104xi32, #tpu.memory_space<hbm>>
      %dma_start3A_343 = tpu.memref_slice %arg9[%mul3A_341] : memref<3328xi32, #tpu.memory_space<hbm>> -> memref<104xi32, #tpu.memory_space<hbm>>
      tpu.enqueue_dma source(%arg20 : memref<104xi32, #tpu.memory_space<vmem>>) target(%dma_start3A_343 : memref<104xi32, #tpu.memory_space<hbm>>) target_semaphore(%run_scoped3A : memref<!tpu.dma_semaphore, #tpu.memory_space<semaphore_mem>>)
      %dma_wait3A_344 = tpu.memref_slice %arg9[%mul3A_341] : memref<3328xi32, #tpu.memory_space<hbm>> -> memref<104xi32, #tpu.memory_space<hbm>>
      %dma_wait3A_345 = tpu.memref_slice %arg9[%mul3A_341] : memref<3328xi32, #tpu.memory_space<hbm>> -> memref<104xi32, #tpu.memory_space<hbm>>
      tpu.wait_dma2 semaphore(%run_scoped3A : memref<!tpu.dma_semaphore, #tpu.memory_space<semaphore_mem>>) src(%arg20 : memref<104xi32, #tpu.memory_space<vmem>>) dst(%dma_wait3A_345 : memref<104xi32, #tpu.memory_space<hbm>>)
      tpu.yield
    }) : () -> ()
    return
  }
}

module attributes {stable_mosaic.version = 14 : i64} {
  func.func @_dense_kernel(%arg0: i32, %arg1: memref<1x2x68x120xf32, #tpu.memory_space<vmem>>, %arg2: memref<1x2x272x480xf32, #tpu.memory_space<vmem>>, %arg3: memref<1x68x120xf32, #tpu.memory_space<vmem>>, %arg4: memref<1x272x480xf32, #tpu.memory_space<vmem>>) attributes {dimension_semantics = [#tpu.dimension_semantics<arbitrary>], iteration_bounds = array<i64: 16>, scalar_prefetch = 0 : i64, scratch_operands = 0 : i64, tpu.core_type = #tpu.core_type<tc>, window_params = [{transform_indices = @transform_0, window_bounds = array<i64: 1, 2, 68, 120>}, {transform_indices = @transform_1, window_bounds = array<i64: 1, 2, 272, 480>}, {transform_indices = @transform_2, window_bounds = array<i64: 1, 68, 120>}, {transform_indices = @transform_3, window_bounds = array<i64: 1, 272, 480>}]} {
    %get3A = arith.constant 0 : index
    %get3A_0 = arith.constant 0 : index
    %get3A_1 = arith.constant 0 : index
    %get3A_2 = arith.constant 0 : index
    %get3A_3 = vector.load %arg1[%get3A, %get3A_0, %get3A_1, %get3A_2] : memref<1x2x68x120xf32, #tpu.memory_space<vmem>>, vector<1x1x68x120xf32>
    %get3A_4 = vector.shape_cast %get3A_3 : vector<1x1x68x120xf32> to vector<1x68x120xf32>
    %get3A_5 = arith.constant 0 : index
    %get3A_6 = arith.constant 1 : index
    %get3A_7 = arith.constant 0 : index
    %get3A_8 = arith.constant 0 : index
    %get3A_9 = vector.load %arg1[%get3A_5, %get3A_6, %get3A_7, %get3A_8] : memref<1x2x68x120xf32, #tpu.memory_space<vmem>>, vector<1x1x68x120xf32>
    %get3A_10 = vector.shape_cast %get3A_9 : vector<1x1x68x120xf32> to vector<1x68x120xf32>
    %sub3A = arith.subf %get3A_10, %get3A_4 : vector<1x68x120xf32>
    %neg3A = arith.constant 0.000000e+00 : f32
    %neg3A_11 = vector.broadcast %neg3A : f32 to vector<1x68x120xf32>
    %neg3A_12 = arith.subf %neg3A_11, %sub3A : vector<1x68x120xf32>
    %exp3A = math.exp %neg3A_12 : vector<1x68x120xf32>
    %add3A = arith.constant 1.000000e+00 : f32
    %add3A_13 = vector.broadcast %add3A : f32 to vector<1x68x120xf32>
    %add3A_14 = arith.addf %add3A_13, %exp3A : vector<1x68x120xf32>
    %div3A = arith.constant 1.000000e+00 : f32
    %div3A_15 = vector.broadcast %div3A : f32 to vector<1x68x120xf32>
    %div3A_16 = arith.divf %div3A_15, %add3A_14 : vector<1x68x120xf32>
    %exp3A_17 = math.exp %sub3A : vector<1x68x120xf32>
    %add3A_18 = arith.constant 1.000000e+00 : f32
    %add3A_19 = vector.broadcast %add3A_18 : f32 to vector<1x68x120xf32>
    %add3A_20 = arith.addf %add3A_19, %exp3A_17 : vector<1x68x120xf32>
    %div3A_21 = arith.divf %exp3A_17, %add3A_20 : vector<1x68x120xf32>
    %ge3A = arith.constant 0.000000e+00 : f32
    %ge3A_22 = vector.broadcast %ge3A : f32 to vector<1x68x120xf32>
    %ge3A_23 = arith.cmpf oge, %sub3A, %ge3A_22 : vector<1x68x120xf32>
    %select_n3A = arith.select %ge3A_23, %div3A_16, %div3A_21 : vector<1x68x120xi1>, vector<1x68x120xf32>
    %broadcast_in_dim3A = arith.constant 0xFF800000 : f32
    %broadcast_in_dim3A_24 = vector.broadcast %broadcast_in_dim3A : f32 to vector<1x1x120xf32>
    %slice3A = vector.extract_strided_slice %select_n3A {offsets = [0, 1, 0], sizes = [1, 67, 120], strides = [1, 1, 1]} : vector<1x68x120xf32> to vector<1x67x120xf32>
    %concatenate3A = tpu.concatenate %slice3A, %broadcast_in_dim3A_24 in 1 : vector<1x67x120xf32>, vector<1x1x120xf32> -> vector<1x68x120xf32>
    %slice3A_25 = vector.extract_strided_slice %select_n3A {offsets = [0, 0, 0], sizes = [1, 67, 120], strides = [1, 1, 1]} : vector<1x68x120xf32> to vector<1x67x120xf32>
    %concatenate3A_26 = tpu.concatenate %broadcast_in_dim3A_24, %slice3A_25 in 1 : vector<1x1x120xf32>, vector<1x67x120xf32> -> vector<1x68x120xf32>
    %max3A = arith.maximumf %concatenate3A, %concatenate3A_26 : vector<1x68x120xf32>
    %max3A_27 = arith.maximumf %select_n3A, %max3A : vector<1x68x120xf32>
    %broadcast_in_dim3A_28 = arith.constant 0xFF800000 : f32
    %broadcast_in_dim3A_29 = vector.broadcast %broadcast_in_dim3A_28 : f32 to vector<1x68x1xf32>
    %slice3A_30 = vector.extract_strided_slice %max3A_27 {offsets = [0, 0, 1], sizes = [1, 68, 119], strides = [1, 1, 1]} : vector<1x68x120xf32> to vector<1x68x119xf32>
    %concatenate3A_31 = tpu.concatenate %slice3A_30, %broadcast_in_dim3A_29 in 2 : vector<1x68x119xf32>, vector<1x68x1xf32> -> vector<1x68x120xf32>
    %slice3A_32 = vector.extract_strided_slice %max3A_27 {offsets = [0, 0, 0], sizes = [1, 68, 119], strides = [1, 1, 1]} : vector<1x68x120xf32> to vector<1x68x119xf32>
    %concatenate3A_33 = tpu.concatenate %broadcast_in_dim3A_29, %slice3A_32 in 2 : vector<1x68x1xf32>, vector<1x68x119xf32> -> vector<1x68x120xf32>
    %max3A_34 = arith.maximumf %concatenate3A_31, %concatenate3A_33 : vector<1x68x120xf32>
    %max3A_35 = arith.maximumf %max3A_27, %max3A_34 : vector<1x68x120xf32>
    %eq3A = arith.cmpf oeq, %select_n3A, %max3A_35 : vector<1x68x120xf32>
    %jit3A = arith.constant 0.000000e+00 : f32
    %broadcast_in_dim3A_36 = vector.broadcast %jit3A : f32 to vector<1x68x120xf32>
    %select_n3A_37 = arith.select %eq3A, %select_n3A, %broadcast_in_dim3A_36 : vector<1x68x120xi1>, vector<1x68x120xf32>
    %swap3A = arith.constant 0 : index
    %swap3A_38 = arith.constant 0 : index
    %swap3A_39 = arith.constant 0 : index
    %swap3A_40 = vector.load %arg3[%swap3A, %swap3A_38, %swap3A_39] : memref<1x68x120xf32, #tpu.memory_space<vmem>>, vector<1x68x120xf32>
    tpu.vector_store %arg3[%swap3A, %swap3A_38, %swap3A_39], %select_n3A_37 {strides = array<i32>} : memref<1x68x120xf32, #tpu.memory_space<vmem>>, vector<1x68x120xf32>,
    %get3A_41 = arith.constant 0 : index
    %get3A_42 = arith.constant 0 : index
    %get3A_43 = arith.constant 0 : index
    %get3A_44 = arith.constant 0 : index
    %get3A_45 = vector.load %arg2[%get3A_41, %get3A_42, %get3A_43, %get3A_44] : memref<1x2x272x480xf32, #tpu.memory_space<vmem>>, vector<1x1x272x480xf32>
    %get3A_46 = vector.shape_cast %get3A_45 : vector<1x1x272x480xf32> to vector<1x272x480xf32>
    %get3A_47 = arith.constant 0 : index
    %get3A_48 = arith.constant 1 : index
    %get3A_49 = arith.constant 0 : index
    %get3A_50 = arith.constant 0 : index
    %get3A_51 = vector.load %arg2[%get3A_47, %get3A_48, %get3A_49, %get3A_50] : memref<1x2x272x480xf32, #tpu.memory_space<vmem>>, vector<1x1x272x480xf32>
    %get3A_52 = vector.shape_cast %get3A_51 : vector<1x1x272x480xf32> to vector<1x272x480xf32>
    %sub3A_53 = arith.subf %get3A_52, %get3A_46 : vector<1x272x480xf32>
    %neg3A_54 = arith.constant 0.000000e+00 : f32
    %neg3A_55 = vector.broadcast %neg3A_54 : f32 to vector<1x272x480xf32>
    %neg3A_56 = arith.subf %neg3A_55, %sub3A_53 : vector<1x272x480xf32>
    %exp3A_57 = math.exp %neg3A_56 : vector<1x272x480xf32>
    %add3A_58 = arith.constant 1.000000e+00 : f32
    %add3A_59 = vector.broadcast %add3A_58 : f32 to vector<1x272x480xf32>
    %add3A_60 = arith.addf %add3A_59, %exp3A_57 : vector<1x272x480xf32>
    %div3A_61 = arith.constant 1.000000e+00 : f32
    %div3A_62 = vector.broadcast %div3A_61 : f32 to vector<1x272x480xf32>
    %div3A_63 = arith.divf %div3A_62, %add3A_60 : vector<1x272x480xf32>
    %exp3A_64 = math.exp %sub3A_53 : vector<1x272x480xf32>
    %add3A_65 = arith.constant 1.000000e+00 : f32
    %add3A_66 = vector.broadcast %add3A_65 : f32 to vector<1x272x480xf32>
    %add3A_67 = arith.addf %add3A_66, %exp3A_64 : vector<1x272x480xf32>
    %div3A_68 = arith.divf %exp3A_64, %add3A_67 : vector<1x272x480xf32>
    %ge3A_69 = arith.constant 0.000000e+00 : f32
    %ge3A_70 = vector.broadcast %ge3A_69 : f32 to vector<1x272x480xf32>
    %ge3A_71 = arith.cmpf oge, %sub3A_53, %ge3A_70 : vector<1x272x480xf32>
    %select_n3A_72 = arith.select %ge3A_71, %div3A_63, %div3A_68 : vector<1x272x480xi1>, vector<1x272x480xf32>
    %broadcast_in_dim3A_73 = arith.constant 0xFF800000 : f32
    %broadcast_in_dim3A_74 = vector.broadcast %broadcast_in_dim3A_73 : f32 to vector<1x1x480xf32>
    %slice3A_75 = vector.extract_strided_slice %select_n3A_72 {offsets = [0, 1, 0], sizes = [1, 271, 480], strides = [1, 1, 1]} : vector<1x272x480xf32> to vector<1x271x480xf32>
    %concatenate3A_76 = tpu.concatenate %slice3A_75, %broadcast_in_dim3A_74 in 1 : vector<1x271x480xf32>, vector<1x1x480xf32> -> vector<1x272x480xf32>
    %slice3A_77 = vector.extract_strided_slice %select_n3A_72 {offsets = [0, 0, 0], sizes = [1, 271, 480], strides = [1, 1, 1]} : vector<1x272x480xf32> to vector<1x271x480xf32>
    %concatenate3A_78 = tpu.concatenate %broadcast_in_dim3A_74, %slice3A_77 in 1 : vector<1x1x480xf32>, vector<1x271x480xf32> -> vector<1x272x480xf32>
    %max3A_79 = arith.maximumf %concatenate3A_76, %concatenate3A_78 : vector<1x272x480xf32>
    %max3A_80 = arith.maximumf %select_n3A_72, %max3A_79 : vector<1x272x480xf32>
    %broadcast_in_dim3A_81 = arith.constant 0xFF800000 : f32
    %broadcast_in_dim3A_82 = vector.broadcast %broadcast_in_dim3A_81 : f32 to vector<1x272x1xf32>
    %slice3A_83 = vector.extract_strided_slice %max3A_80 {offsets = [0, 0, 1], sizes = [1, 272, 479], strides = [1, 1, 1]} : vector<1x272x480xf32> to vector<1x272x479xf32>
    %concatenate3A_84 = tpu.concatenate %slice3A_83, %broadcast_in_dim3A_82 in 2 : vector<1x272x479xf32>, vector<1x272x1xf32> -> vector<1x272x480xf32>
    %slice3A_85 = vector.extract_strided_slice %max3A_80 {offsets = [0, 0, 0], sizes = [1, 272, 479], strides = [1, 1, 1]} : vector<1x272x480xf32> to vector<1x272x479xf32>
    %concatenate3A_86 = tpu.concatenate %broadcast_in_dim3A_82, %slice3A_85 in 2 : vector<1x272x1xf32>, vector<1x272x479xf32> -> vector<1x272x480xf32>
    %max3A_87 = arith.maximumf %concatenate3A_84, %concatenate3A_86 : vector<1x272x480xf32>
    %max3A_88 = arith.maximumf %max3A_80, %max3A_87 : vector<1x272x480xf32>
    %eq3A_89 = arith.cmpf oeq, %select_n3A_72, %max3A_88 : vector<1x272x480xf32>
    %jit3A_90 = arith.constant 0.000000e+00 : f32
    %broadcast_in_dim3A_91 = vector.broadcast %jit3A_90 : f32 to vector<1x272x480xf32>
    %select_n3A_92 = arith.select %eq3A_89, %select_n3A_72, %broadcast_in_dim3A_91 : vector<1x272x480xi1>, vector<1x272x480xf32>
    %swap3A_93 = arith.constant 0 : index
    %swap3A_94 = arith.constant 0 : index
    %swap3A_95 = arith.constant 0 : index
    %swap3A_96 = vector.load %arg4[%swap3A_93, %swap3A_94, %swap3A_95] : memref<1x272x480xf32, #tpu.memory_space<vmem>>, vector<1x272x480xf32>
    tpu.vector_store %arg4[%swap3A_93, %swap3A_94, %swap3A_95], %select_n3A_92 {strides = array<i32>} : memref<1x272x480xf32, #tpu.memory_space<vmem>>, vector<1x272x480xf32>,
    return
  }
  func.func @transform_0(%arg0: i32) -> (i32, i32, i32, i32) {
    %c0_i32 = arith.constant 0 : i32
    %c0_i32_0 = arith.constant 0 : i32
    %c0_i32_1 = arith.constant 0 : i32
    %c0_i32_2 = arith.constant 0 : i32
    return %arg0, %c0_i32, %c0_i32_0, %c0_i32_1 : i32, i32, i32, i32
  }
  func.func @transform_1(%arg0: i32) -> (i32, i32, i32, i32) {
    %c0_i32 = arith.constant 0 : i32
    %c0_i32_0 = arith.constant 0 : i32
    %c0_i32_1 = arith.constant 0 : i32
    %c0_i32_2 = arith.constant 0 : i32
    return %arg0, %c0_i32, %c0_i32_0, %c0_i32_1 : i32, i32, i32, i32
  }
  func.func @transform_2(%arg0: i32) -> (i32, i32, i32) {
    %c0_i32 = arith.constant 0 : i32
    %c0_i32_0 = arith.constant 0 : i32
    %c0_i32_1 = arith.constant 0 : i32
    return %arg0, %c0_i32, %c0_i32_0 : i32, i32, i32
  }
  func.func @transform_3(%arg0: i32) -> (i32, i32, i32) {
    %c0_i32 = arith.constant 0 : i32
    %c0_i32_0 = arith.constant 0 : i32
    %c0_i32_1 = arith.constant 0 : i32
    return %arg0, %c0_i32, %c0_i32_0 : i32, i32, i32
  }
}

module attributes {stable_mosaic.version = 14 : i64} {
  func.func @_merge_kernel(%arg0: memref<32x104xf32, #tpu.memory_space<vmem>>, %arg1: memref<32x104xi32, #tpu.memory_space<vmem>>, %arg2: memref<32x4x104xf32, #tpu.memory_space<vmem>>, %arg3: memref<32x104xf32, #tpu.memory_space<vmem>>, %arg4: memref<32x104xi32, #tpu.memory_space<vmem>>, %arg5: memref<16x8x128xf32, #tpu.memory_space<vmem>>, %arg6: memref<16x8x128xf32, #tpu.memory_space<vmem>>) attributes {dimension_semantics = [], scalar_prefetch = 0 : i64, scratch_operands = 0 : i64, tpu.core_type = #tpu.core_type<tc>} {
    %broadcast_in_dim3A = arith.constant 0.000000e+00 : f32
    %broadcast_in_dim3A_0 = vector.broadcast %broadcast_in_dim3A : f32 to vector<16x128xf32>
    %get3A = arith.constant 0 : index
    %get3A_1 = arith.constant 0 : index
    %get3A_2 = vector.load %arg0[%get3A, %get3A_1] : memref<32x104xf32, #tpu.memory_space<vmem>>, vector<16x104xf32>
    %get3A_3 = arith.constant 16 : index
    %get3A_4 = arith.constant 0 : index
    %get3A_5 = vector.load %arg0[%get3A_3, %get3A_4] : memref<32x104xf32, #tpu.memory_space<vmem>>, vector<16x104xf32>
    %get3A_6 = arith.constant 0 : index
    %get3A_7 = arith.constant 0 : index
    %get3A_8 = vector.load %arg1[%get3A_6, %get3A_7] : memref<32x104xi32, #tpu.memory_space<vmem>>, vector<16x104xi32>
    %get3A_9 = arith.constant 16 : index
    %get3A_10 = arith.constant 0 : index
    %get3A_11 = vector.load %arg1[%get3A_9, %get3A_10] : memref<32x104xi32, #tpu.memory_space<vmem>>, vector<16x104xi32>
    %iota3A = tpu.iota {dimensions = array<i32: 1>} : vector<16x104xi32>
    %broadcast_in_dim3A_12 = vector.shape_cast %get3A_2 : vector<16x104xf32> to vector<16x104x1xf32>
    %broadcast_in_dim3A_13 = vector.shape_cast %get3A_8 : vector<16x104xi32> to vector<16x104x1xi32>
    %broadcast_in_dim3A_14 = vector.shape_cast %get3A_5 : vector<16x104xf32> to vector<16x1x104xf32>
    %broadcast_in_dim3A_15 = vector.shape_cast %get3A_11 : vector<16x104xi32> to vector<16x1x104xi32>
    %gt3A = vector.broadcast %broadcast_in_dim3A_14 : vector<16x1x104xf32> to vector<16x104x104xf32>
    %gt3A_16 = vector.broadcast %broadcast_in_dim3A_12 : vector<16x104x1xf32> to vector<16x104x104xf32>
    %gt3A_17 = arith.cmpf ogt, %gt3A, %gt3A_16 : vector<16x104x104xf32>
    %eq3A = vector.broadcast %broadcast_in_dim3A_14 : vector<16x1x104xf32> to vector<16x104x104xf32>
    %eq3A_18 = vector.broadcast %broadcast_in_dim3A_12 : vector<16x104x1xf32> to vector<16x104x104xf32>
    %eq3A_19 = arith.cmpf oeq, %eq3A, %eq3A_18 : vector<16x104x104xf32>
    %lt3A = vector.broadcast %broadcast_in_dim3A_15 : vector<16x1x104xi32> to vector<16x104x104xi32>
    %lt3A_20 = vector.broadcast %broadcast_in_dim3A_13 : vector<16x104x1xi32> to vector<16x104x104xi32>
    %lt3A_21 = arith.cmpi slt, %lt3A, %lt3A_20 : vector<16x104x104xi32>
    %and3A = arith.andi %eq3A_19, %lt3A_21 : vector<16x104x104xi1>
    %or3A = arith.ori %gt3A_17, %and3A : vector<16x104x104xi1>
    %convert_element_type3A = arith.extui %or3A : vector<16x104x104xi1> to vector<16x104x104xi32>
    %reduce_sum3A = arith.constant dense<0> : vector<16x104xi32>
    %reduce_sum3A_22 = vector.multi_reduction <add>, %convert_element_type3A, %reduce_sum3A [2] : vector<16x104x104xi32> to vector<16x104xi32>
    %add3A = arith.addi %iota3A, %reduce_sum3A_22 : vector<16x104xi32>
    %gt3A_23 = vector.broadcast %broadcast_in_dim3A_12 : vector<16x104x1xf32> to vector<16x104x104xf32>
    %gt3A_24 = vector.broadcast %broadcast_in_dim3A_14 : vector<16x1x104xf32> to vector<16x104x104xf32>
    %gt3A_25 = arith.cmpf ogt, %gt3A_23, %gt3A_24 : vector<16x104x104xf32>
    %eq3A_26 = vector.broadcast %broadcast_in_dim3A_12 : vector<16x104x1xf32> to vector<16x104x104xf32>
    %eq3A_27 = vector.broadcast %broadcast_in_dim3A_14 : vector<16x1x104xf32> to vector<16x104x104xf32>
    %eq3A_28 = arith.cmpf oeq, %eq3A_26, %eq3A_27 : vector<16x104x104xf32>
    %lt3A_29 = vector.broadcast %broadcast_in_dim3A_13 : vector<16x104x1xi32> to vector<16x104x104xi32>
    %lt3A_30 = vector.broadcast %broadcast_in_dim3A_15 : vector<16x1x104xi32> to vector<16x104x104xi32>
    %lt3A_31 = arith.cmpi slt, %lt3A_29, %lt3A_30 : vector<16x104x104xi32>
    %and3A_32 = arith.andi %eq3A_28, %lt3A_31 : vector<16x104x104xi1>
    %or3A_33 = arith.ori %gt3A_25, %and3A_32 : vector<16x104x104xi1>
    %convert_element_type3A_34 = arith.extui %or3A_33 : vector<16x104x104xi1> to vector<16x104x104xi32>
    %reduce_sum3A_35 = arith.constant dense<0> : vector<16x104xi32>
    %reduce_sum3A_36 = vector.multi_reduction <add>, %convert_element_type3A_34, %reduce_sum3A_35 [1] : vector<16x104x104xi32> to vector<16x104xi32>
    %add3A_37 = arith.addi %iota3A, %reduce_sum3A_36 : vector<16x104xi32>
    %iota3A_38 = tpu.iota {dimensions = array<i32: 2>} : vector<1x1x128xi32>
    %broadcast_in_dim3A_39 = vector.shape_cast %add3A : vector<16x104xi32> to vector<16x104x1xi32>
    %eq3A_40 = vector.broadcast %broadcast_in_dim3A_39 : vector<16x104x1xi32> to vector<16x104x128xi32>
    %eq3A_41 = vector.broadcast %iota3A_38 : vector<1x1x128xi32> to vector<16x104x128xi32>
    %eq3A_42 = arith.cmpi eq, %eq3A_40, %eq3A_41 : vector<16x104x128xi32>
    %broadcast_in_dim3A_43 = vector.shape_cast %add3A_37 : vector<16x104xi32> to vector<16x104x1xi32>
    %eq3A_44 = vector.broadcast %broadcast_in_dim3A_43 : vector<16x104x1xi32> to vector<16x104x128xi32>
    %eq3A_45 = vector.broadcast %iota3A_38 : vector<1x1x128xi32> to vector<16x104x128xi32>
    %eq3A_46 = arith.cmpi eq, %eq3A_44, %eq3A_45 : vector<16x104x128xi32>
    %broadcast_in_dim3A_47 = vector.shape_cast %get3A_2 : vector<16x104xf32> to vector<16x104x1xf32>
    %jit3A = arith.constant 0.000000e+00 : f32
    %broadcast_in_dim3A_48 = vector.shape_cast %broadcast_in_dim3A_47 : vector<16x104x1xf32> to vector<16x104x1xf32>
    %broadcast_in_dim3A_49 = vector.broadcast %broadcast_in_dim3A_48 : vector<16x104x1xf32> to vector<16x104x128xf32>
    %broadcast_in_dim3A_50 = vector.broadcast %jit3A : f32 to vector<16x104x128xf32>
    %select_n3A = arith.select %eq3A_42, %broadcast_in_dim3A_49, %broadcast_in_dim3A_50 : vector<16x104x128xi1>, vector<16x104x128xf32>
    %reduce_sum3A_51 = arith.constant dense<0.000000e+00> : vector<16x128xf32>
    %reduce_sum3A_52 = vector.multi_reduction <add>, %select_n3A, %reduce_sum3A_51 [1] : vector<16x104x128xf32> to vector<16x128xf32>
    %broadcast_in_dim3A_53 = vector.shape_cast %get3A_5 : vector<16x104xf32> to vector<16x104x1xf32>
    %jit3A_54 = arith.constant 0.000000e+00 : f32
    %broadcast_in_dim3A_55 = vector.shape_cast %broadcast_in_dim3A_53 : vector<16x104x1xf32> to vector<16x104x1xf32>
    %broadcast_in_dim3A_56 = vector.broadcast %broadcast_in_dim3A_55 : vector<16x104x1xf32> to vector<16x104x128xf32>
    %broadcast_in_dim3A_57 = vector.broadcast %jit3A_54 : f32 to vector<16x104x128xf32>
    %select_n3A_58 = arith.select %eq3A_46, %broadcast_in_dim3A_56, %broadcast_in_dim3A_57 : vector<16x104x128xi1>, vector<16x104x128xf32>
    %reduce_sum3A_59 = arith.constant dense<0.000000e+00> : vector<16x128xf32>
    %reduce_sum3A_60 = vector.multi_reduction <add>, %select_n3A_58, %reduce_sum3A_59 [1] : vector<16x104x128xf32> to vector<16x128xf32>
    %add3A_61 = arith.addf %reduce_sum3A_52, %reduce_sum3A_60 : vector<16x128xf32>
    %iota3A_62 = tpu.iota {dimensions = array<i32: 2>} : vector<1x1x128xi32>
    %broadcast_in_dim3A_63 = vector.shape_cast %add3A : vector<16x104xi32> to vector<16x104x1xi32>
    %eq3A_64 = vector.broadcast %broadcast_in_dim3A_63 : vector<16x104x1xi32> to vector<16x104x128xi32>
    %eq3A_65 = vector.broadcast %iota3A_62 : vector<1x1x128xi32> to vector<16x104x128xi32>
    %eq3A_66 = arith.cmpi eq, %eq3A_64, %eq3A_65 : vector<16x104x128xi32>
    %broadcast_in_dim3A_67 = vector.shape_cast %add3A_37 : vector<16x104xi32> to vector<16x104x1xi32>
    %eq3A_68 = vector.broadcast %broadcast_in_dim3A_67 : vector<16x104x1xi32> to vector<16x104x128xi32>
    %eq3A_69 = vector.broadcast %iota3A_62 : vector<1x1x128xi32> to vector<16x104x128xi32>
    %eq3A_70 = arith.cmpi eq, %eq3A_68, %eq3A_69 : vector<16x104x128xi32>
    %broadcast_in_dim3A_71 = vector.shape_cast %get3A_8 : vector<16x104xi32> to vector<16x104x1xi32>
    %jit3A_72 = arith.constant 0 : i32
    %broadcast_in_dim3A_73 = vector.shape_cast %broadcast_in_dim3A_71 : vector<16x104x1xi32> to vector<16x104x1xi32>
    %broadcast_in_dim3A_74 = vector.broadcast %broadcast_in_dim3A_73 : vector<16x104x1xi32> to vector<16x104x128xi32>
    %broadcast_in_dim3A_75 = vector.broadcast %jit3A_72 : i32 to vector<16x104x128xi32>
    %select_n3A_76 = arith.select %eq3A_66, %broadcast_in_dim3A_74, %broadcast_in_dim3A_75 : vector<16x104x128xi1>, vector<16x104x128xi32>
    %reduce_sum3A_77 = arith.constant dense<0> : vector<16x128xi32>
    %reduce_sum3A_78 = vector.multi_reduction <add>, %select_n3A_76, %reduce_sum3A_77 [1] : vector<16x104x128xi32> to vector<16x128xi32>
    %broadcast_in_dim3A_79 = vector.shape_cast %get3A_11 : vector<16x104xi32> to vector<16x104x1xi32>
    %jit3A_80 = arith.constant 0 : i32
    %broadcast_in_dim3A_81 = vector.shape_cast %broadcast_in_dim3A_79 : vector<16x104x1xi32> to vector<16x104x1xi32>
    %broadcast_in_dim3A_82 = vector.broadcast %broadcast_in_dim3A_81 : vector<16x104x1xi32> to vector<16x104x128xi32>
    %broadcast_in_dim3A_83 = vector.broadcast %jit3A_80 : i32 to vector<16x104x128xi32>
    %select_n3A_84 = arith.select %eq3A_70, %broadcast_in_dim3A_82, %broadcast_in_dim3A_83 : vector<16x104x128xi1>, vector<16x104x128xi32>
    %reduce_sum3A_85 = arith.constant dense<0> : vector<16x128xi32>
    %reduce_sum3A_86 = vector.multi_reduction <add>, %select_n3A_84, %reduce_sum3A_85 [1] : vector<16x104x128xi32> to vector<16x128xi32>
    %add3A_87 = arith.addi %reduce_sum3A_78, %reduce_sum3A_86 : vector<16x128xi32>
    %get3A_88 = arith.constant 0 : index
    %get3A_89 = arith.constant 0 : index
    %get3A_90 = arith.constant 0 : index
    %get3A_91 = vector.load %arg2[%get3A_88, %get3A_89, %get3A_90] : memref<32x4x104xf32, #tpu.memory_space<vmem>>, vector<16x1x104xf32>
    %get3A_92 = vector.shape_cast %get3A_91 : vector<16x1x104xf32> to vector<16x104xf32>
    %get3A_93 = arith.constant 16 : index
    %get3A_94 = arith.constant 0 : index
    %get3A_95 = arith.constant 0 : index
    %get3A_96 = vector.load %arg2[%get3A_93, %get3A_94, %get3A_95] : memref<32x4x104xf32, #tpu.memory_space<vmem>>, vector<16x1x104xf32>
    %get3A_97 = vector.shape_cast %get3A_96 : vector<16x1x104xf32> to vector<16x104xf32>
    %iota3A_98 = tpu.iota {dimensions = array<i32: 2>} : vector<1x1x128xi32>
    %broadcast_in_dim3A_99 = vector.shape_cast %add3A : vector<16x104xi32> to vector<16x104x1xi32>
    %eq3A_100 = vector.broadcast %broadcast_in_dim3A_99 : vector<16x104x1xi32> to vector<16x104x128xi32>
    %eq3A_101 = vector.broadcast %iota3A_98 : vector<1x1x128xi32> to vector<16x104x128xi32>
    %eq3A_102 = arith.cmpi eq, %eq3A_100, %eq3A_101 : vector<16x104x128xi32>
    %broadcast_in_dim3A_103 = vector.shape_cast %add3A_37 : vector<16x104xi32> to vector<16x104x1xi32>
    %eq3A_104 = vector.broadcast %broadcast_in_dim3A_103 : vector<16x104x1xi32> to vector<16x104x128xi32>
    %eq3A_105 = vector.broadcast %iota3A_98 : vector<1x1x128xi32> to vector<16x104x128xi32>
    %eq3A_106 = arith.cmpi eq, %eq3A_104, %eq3A_105 : vector<16x104x128xi32>
    %broadcast_in_dim3A_107 = vector.shape_cast %get3A_92 : vector<16x104xf32> to vector<16x104x1xf32>
    %jit3A_108 = arith.constant 0.000000e+00 : f32
    %broadcast_in_dim3A_109 = vector.shape_cast %broadcast_in_dim3A_107 : vector<16x104x1xf32> to vector<16x104x1xf32>
    %broadcast_in_dim3A_110 = vector.broadcast %broadcast_in_dim3A_109 : vector<16x104x1xf32> to vector<16x104x128xf32>
    %broadcast_in_dim3A_111 = vector.broadcast %jit3A_108 : f32 to vector<16x104x128xf32>
    %select_n3A_112 = arith.select %eq3A_102, %broadcast_in_dim3A_110, %broadcast_in_dim3A_111 : vector<16x104x128xi1>, vector<16x104x128xf32>
    %reduce_sum3A_113 = arith.constant dense<0.000000e+00> : vector<16x128xf32>
    %reduce_sum3A_114 = vector.multi_reduction <add>, %select_n3A_112, %reduce_sum3A_113 [1] : vector<16x104x128xf32> to vector<16x128xf32>
    %broadcast_in_dim3A_115 = vector.shape_cast %get3A_97 : vector<16x104xf32> to vector<16x104x1xf32>
    %jit3A_116 = arith.constant 0.000000e+00 : f32
    %broadcast_in_dim3A_117 = vector.shape_cast %broadcast_in_dim3A_115 : vector<16x104x1xf32> to vector<16x104x1xf32>
    %broadcast_in_dim3A_118 = vector.broadcast %broadcast_in_dim3A_117 : vector<16x104x1xf32> to vector<16x104x128xf32>
    %broadcast_in_dim3A_119 = vector.broadcast %jit3A_116 : f32 to vector<16x104x128xf32>
    %select_n3A_120 = arith.select %eq3A_106, %broadcast_in_dim3A_118, %broadcast_in_dim3A_119 : vector<16x104x128xi1>, vector<16x104x128xf32>
    %reduce_sum3A_121 = arith.constant dense<0.000000e+00> : vector<16x128xf32>
    %reduce_sum3A_122 = vector.multi_reduction <add>, %select_n3A_120, %reduce_sum3A_121 [1] : vector<16x104x128xf32> to vector<16x128xf32>
    %add3A_123 = arith.addf %reduce_sum3A_114, %reduce_sum3A_122 : vector<16x128xf32>
    %mul3A = arith.constant 1.920000e+03 : f32
    %mul3A_124 = vector.broadcast %mul3A : f32 to vector<16x128xf32>
    %mul3A_125 = arith.mulf %add3A_123, %mul3A_124 : vector<16x128xf32>
    %get3A_126 = arith.constant 0 : index
    %get3A_127 = arith.constant 1 : index
    %get3A_128 = arith.constant 0 : index
    %get3A_129 = vector.load %arg2[%get3A_126, %get3A_127, %get3A_128] : memref<32x4x104xf32, #tpu.memory_space<vmem>>, vector<16x1x104xf32>
    %get3A_130 = vector.shape_cast %get3A_129 : vector<16x1x104xf32> to vector<16x104xf32>
    %get3A_131 = arith.constant 16 : index
    %get3A_132 = arith.constant 1 : index
    %get3A_133 = arith.constant 0 : index
    %get3A_134 = vector.load %arg2[%get3A_131, %get3A_132, %get3A_133] : memref<32x4x104xf32, #tpu.memory_space<vmem>>, vector<16x1x104xf32>
    %get3A_135 = vector.shape_cast %get3A_134 : vector<16x1x104xf32> to vector<16x104xf32>
    %iota3A_136 = tpu.iota {dimensions = array<i32: 2>} : vector<1x1x128xi32>
    %broadcast_in_dim3A_137 = vector.shape_cast %add3A : vector<16x104xi32> to vector<16x104x1xi32>
    %eq3A_138 = vector.broadcast %broadcast_in_dim3A_137 : vector<16x104x1xi32> to vector<16x104x128xi32>
    %eq3A_139 = vector.broadcast %iota3A_136 : vector<1x1x128xi32> to vector<16x104x128xi32>
    %eq3A_140 = arith.cmpi eq, %eq3A_138, %eq3A_139 : vector<16x104x128xi32>
    %broadcast_in_dim3A_141 = vector.shape_cast %add3A_37 : vector<16x104xi32> to vector<16x104x1xi32>
    %eq3A_142 = vector.broadcast %broadcast_in_dim3A_141 : vector<16x104x1xi32> to vector<16x104x128xi32>
    %eq3A_143 = vector.broadcast %iota3A_136 : vector<1x1x128xi32> to vector<16x104x128xi32>
    %eq3A_144 = arith.cmpi eq, %eq3A_142, %eq3A_143 : vector<16x104x128xi32>
    %broadcast_in_dim3A_145 = vector.shape_cast %get3A_130 : vector<16x104xf32> to vector<16x104x1xf32>
    %jit3A_146 = arith.constant 0.000000e+00 : f32
    %broadcast_in_dim3A_147 = vector.shape_cast %broadcast_in_dim3A_145 : vector<16x104x1xf32> to vector<16x104x1xf32>
    %broadcast_in_dim3A_148 = vector.broadcast %broadcast_in_dim3A_147 : vector<16x104x1xf32> to vector<16x104x128xf32>
    %broadcast_in_dim3A_149 = vector.broadcast %jit3A_146 : f32 to vector<16x104x128xf32>
    %select_n3A_150 = arith.select %eq3A_140, %broadcast_in_dim3A_148, %broadcast_in_dim3A_149 : vector<16x104x128xi1>, vector<16x104x128xf32>
    %reduce_sum3A_151 = arith.constant dense<0.000000e+00> : vector<16x128xf32>
    %reduce_sum3A_152 = vector.multi_reduction <add>, %select_n3A_150, %reduce_sum3A_151 [1] : vector<16x104x128xf32> to vector<16x128xf32>
    %broadcast_in_dim3A_153 = vector.shape_cast %get3A_135 : vector<16x104xf32> to vector<16x104x1xf32>
    %jit3A_154 = arith.constant 0.000000e+00 : f32
    %broadcast_in_dim3A_155 = vector.shape_cast %broadcast_in_dim3A_153 : vector<16x104x1xf32> to vector<16x104x1xf32>
    %broadcast_in_dim3A_156 = vector.broadcast %broadcast_in_dim3A_155 : vector<16x104x1xf32> to vector<16x104x128xf32>
    %broadcast_in_dim3A_157 = vector.broadcast %jit3A_154 : f32 to vector<16x104x128xf32>
    %select_n3A_158 = arith.select %eq3A_144, %broadcast_in_dim3A_156, %broadcast_in_dim3A_157 : vector<16x104x128xi1>, vector<16x104x128xf32>
    %reduce_sum3A_159 = arith.constant dense<0.000000e+00> : vector<16x128xf32>
    %reduce_sum3A_160 = vector.multi_reduction <add>, %select_n3A_158, %reduce_sum3A_159 [1] : vector<16x104x128xf32> to vector<16x128xf32>
    %add3A_161 = arith.addf %reduce_sum3A_152, %reduce_sum3A_160 : vector<16x128xf32>
    %mul3A_162 = arith.constant 1.088000e+03 : f32
    %mul3A_163 = vector.broadcast %mul3A_162 : f32 to vector<16x128xf32>
    %mul3A_164 = arith.mulf %add3A_161, %mul3A_163 : vector<16x128xf32>
    %get3A_165 = arith.constant 0 : index
    %get3A_166 = arith.constant 2 : index
    %get3A_167 = arith.constant 0 : index
    %get3A_168 = vector.load %arg2[%get3A_165, %get3A_166, %get3A_167] : memref<32x4x104xf32, #tpu.memory_space<vmem>>, vector<16x1x104xf32>
    %get3A_169 = vector.shape_cast %get3A_168 : vector<16x1x104xf32> to vector<16x104xf32>
    %get3A_170 = arith.constant 16 : index
    %get3A_171 = arith.constant 2 : index
    %get3A_172 = arith.constant 0 : index
    %get3A_173 = vector.load %arg2[%get3A_170, %get3A_171, %get3A_172] : memref<32x4x104xf32, #tpu.memory_space<vmem>>, vector<16x1x104xf32>
    %get3A_174 = vector.shape_cast %get3A_173 : vector<16x1x104xf32> to vector<16x104xf32>
    %iota3A_175 = tpu.iota {dimensions = array<i32: 2>} : vector<1x1x128xi32>
    %broadcast_in_dim3A_176 = vector.shape_cast %add3A : vector<16x104xi32> to vector<16x104x1xi32>
    %eq3A_177 = vector.broadcast %broadcast_in_dim3A_176 : vector<16x104x1xi32> to vector<16x104x128xi32>
    %eq3A_178 = vector.broadcast %iota3A_175 : vector<1x1x128xi32> to vector<16x104x128xi32>
    %eq3A_179 = arith.cmpi eq, %eq3A_177, %eq3A_178 : vector<16x104x128xi32>
    %broadcast_in_dim3A_180 = vector.shape_cast %add3A_37 : vector<16x104xi32> to vector<16x104x1xi32>
    %eq3A_181 = vector.broadcast %broadcast_in_dim3A_180 : vector<16x104x1xi32> to vector<16x104x128xi32>
    %eq3A_182 = vector.broadcast %iota3A_175 : vector<1x1x128xi32> to vector<16x104x128xi32>
    %eq3A_183 = arith.cmpi eq, %eq3A_181, %eq3A_182 : vector<16x104x128xi32>
    %broadcast_in_dim3A_184 = vector.shape_cast %get3A_169 : vector<16x104xf32> to vector<16x104x1xf32>
    %jit3A_185 = arith.constant 0.000000e+00 : f32
    %broadcast_in_dim3A_186 = vector.shape_cast %broadcast_in_dim3A_184 : vector<16x104x1xf32> to vector<16x104x1xf32>
    %broadcast_in_dim3A_187 = vector.broadcast %broadcast_in_dim3A_186 : vector<16x104x1xf32> to vector<16x104x128xf32>
    %broadcast_in_dim3A_188 = vector.broadcast %jit3A_185 : f32 to vector<16x104x128xf32>
    %select_n3A_189 = arith.select %eq3A_179, %broadcast_in_dim3A_187, %broadcast_in_dim3A_188 : vector<16x104x128xi1>, vector<16x104x128xf32>
    %reduce_sum3A_190 = arith.constant dense<0.000000e+00> : vector<16x128xf32>
    %reduce_sum3A_191 = vector.multi_reduction <add>, %select_n3A_189, %reduce_sum3A_190 [1] : vector<16x104x128xf32> to vector<16x128xf32>
    %broadcast_in_dim3A_192 = vector.shape_cast %get3A_174 : vector<16x104xf32> to vector<16x104x1xf32>
    %jit3A_193 = arith.constant 0.000000e+00 : f32
    %broadcast_in_dim3A_194 = vector.shape_cast %broadcast_in_dim3A_192 : vector<16x104x1xf32> to vector<16x104x1xf32>
    %broadcast_in_dim3A_195 = vector.broadcast %broadcast_in_dim3A_194 : vector<16x104x1xf32> to vector<16x104x128xf32>
    %broadcast_in_dim3A_196 = vector.broadcast %jit3A_193 : f32 to vector<16x104x128xf32>
    %select_n3A_197 = arith.select %eq3A_183, %broadcast_in_dim3A_195, %broadcast_in_dim3A_196 : vector<16x104x128xi1>, vector<16x104x128xf32>
    %reduce_sum3A_198 = arith.constant dense<0.000000e+00> : vector<16x128xf32>
    %reduce_sum3A_199 = vector.multi_reduction <add>, %select_n3A_197, %reduce_sum3A_198 [1] : vector<16x104x128xf32> to vector<16x128xf32>
    %add3A_200 = arith.addf %reduce_sum3A_191, %reduce_sum3A_199 : vector<16x128xf32>
    %mul3A_201 = arith.constant 1.920000e+03 : f32
    %mul3A_202 = vector.broadcast %mul3A_201 : f32 to vector<16x128xf32>
    %mul3A_203 = arith.mulf %add3A_200, %mul3A_202 : vector<16x128xf32>
    %get3A_204 = arith.constant 0 : index
    %get3A_205 = arith.constant 3 : index
    %get3A_206 = arith.constant 0 : index
    %get3A_207 = vector.load %arg2[%get3A_204, %get3A_205, %get3A_206] : memref<32x4x104xf32, #tpu.memory_space<vmem>>, vector<16x1x104xf32>
    %get3A_208 = vector.shape_cast %get3A_207 : vector<16x1x104xf32> to vector<16x104xf32>
    %get3A_209 = arith.constant 16 : index
    %get3A_210 = arith.constant 3 : index
    %get3A_211 = arith.constant 0 : index
    %get3A_212 = vector.load %arg2[%get3A_209, %get3A_210, %get3A_211] : memref<32x4x104xf32, #tpu.memory_space<vmem>>, vector<16x1x104xf32>
    %get3A_213 = vector.shape_cast %get3A_212 : vector<16x1x104xf32> to vector<16x104xf32>
    %iota3A_214 = tpu.iota {dimensions = array<i32: 2>} : vector<1x1x128xi32>
    %broadcast_in_dim3A_215 = vector.shape_cast %add3A : vector<16x104xi32> to vector<16x104x1xi32>
    %eq3A_216 = vector.broadcast %broadcast_in_dim3A_215 : vector<16x104x1xi32> to vector<16x104x128xi32>
    %eq3A_217 = vector.broadcast %iota3A_214 : vector<1x1x128xi32> to vector<16x104x128xi32>
    %eq3A_218 = arith.cmpi eq, %eq3A_216, %eq3A_217 : vector<16x104x128xi32>
    %broadcast_in_dim3A_219 = vector.shape_cast %add3A_37 : vector<16x104xi32> to vector<16x104x1xi32>
    %eq3A_220 = vector.broadcast %broadcast_in_dim3A_219 : vector<16x104x1xi32> to vector<16x104x128xi32>
    %eq3A_221 = vector.broadcast %iota3A_214 : vector<1x1x128xi32> to vector<16x104x128xi32>
    %eq3A_222 = arith.cmpi eq, %eq3A_220, %eq3A_221 : vector<16x104x128xi32>
    %broadcast_in_dim3A_223 = vector.shape_cast %get3A_208 : vector<16x104xf32> to vector<16x104x1xf32>
    %jit3A_224 = arith.constant 0.000000e+00 : f32
    %broadcast_in_dim3A_225 = vector.shape_cast %broadcast_in_dim3A_223 : vector<16x104x1xf32> to vector<16x104x1xf32>
    %broadcast_in_dim3A_226 = vector.broadcast %broadcast_in_dim3A_225 : vector<16x104x1xf32> to vector<16x104x128xf32>
    %broadcast_in_dim3A_227 = vector.broadcast %jit3A_224 : f32 to vector<16x104x128xf32>
    %select_n3A_228 = arith.select %eq3A_218, %broadcast_in_dim3A_226, %broadcast_in_dim3A_227 : vector<16x104x128xi1>, vector<16x104x128xf32>
    %reduce_sum3A_229 = arith.constant dense<0.000000e+00> : vector<16x128xf32>
    %reduce_sum3A_230 = vector.multi_reduction <add>, %select_n3A_228, %reduce_sum3A_229 [1] : vector<16x104x128xf32> to vector<16x128xf32>
    %broadcast_in_dim3A_231 = vector.shape_cast %get3A_213 : vector<16x104xf32> to vector<16x104x1xf32>
    %jit3A_232 = arith.constant 0.000000e+00 : f32
    %broadcast_in_dim3A_233 = vector.shape_cast %broadcast_in_dim3A_231 : vector<16x104x1xf32> to vector<16x104x1xf32>
    %broadcast_in_dim3A_234 = vector.broadcast %broadcast_in_dim3A_233 : vector<16x104x1xf32> to vector<16x104x128xf32>
    %broadcast_in_dim3A_235 = vector.broadcast %jit3A_232 : f32 to vector<16x104x128xf32>
    %select_n3A_236 = arith.select %eq3A_222, %broadcast_in_dim3A_234, %broadcast_in_dim3A_235 : vector<16x104x128xi1>, vector<16x104x128xf32>
    %reduce_sum3A_237 = arith.constant dense<0.000000e+00> : vector<16x128xf32>
    %reduce_sum3A_238 = vector.multi_reduction <add>, %select_n3A_236, %reduce_sum3A_237 [1] : vector<16x104x128xf32> to vector<16x128xf32>
    %add3A_239 = arith.addf %reduce_sum3A_230, %reduce_sum3A_238 : vector<16x128xf32>
    %mul3A_240 = arith.constant 1.088000e+03 : f32
    %mul3A_241 = vector.broadcast %mul3A_240 : f32 to vector<16x128xf32>
    %mul3A_242 = arith.mulf %add3A_239, %mul3A_241 : vector<16x128xf32>
    %jit3A_243 = arith.constant 120 : i32
    %div3A = vector.broadcast %jit3A_243 : i32 to vector<16x128xi32>
    %div3A_244 = arith.divsi %add3A_87, %div3A : vector<16x128xi32>
    %sign3A = arith.constant 0 : i32
    %sign3A_245 = vector.broadcast %sign3A : i32 to vector<16x128xi32>
    %sign3A_246 = arith.cmpi sgt, %add3A_87, %sign3A_245 : vector<16x128xi32>
    %sign3A_247 = arith.extui %sign3A_246 : vector<16x128xi1> to vector<16x128xi32>
    %sign3A_248 = arith.constant 0 : i32
    %sign3A_249 = vector.broadcast %sign3A_248 : i32 to vector<16x128xi32>
    %sign3A_250 = arith.cmpi slt, %add3A_87, %sign3A_249 : vector<16x128xi32>
    %sign3A_251 = arith.extui %sign3A_250 : vector<16x128xi1> to vector<16x128xi32>
    %sign3A_252 = arith.subi %sign3A_247, %sign3A_251 : vector<16x128xi32>
    %sign3A_253 = arith.constant 0 : i32
    %sign3A_254 = arith.cmpi sgt, %jit3A_243, %sign3A_253 : i32
    %sign3A_255 = arith.extui %sign3A_254 : i1 to i32
    %sign3A_256 = arith.constant 0 : i32
    %sign3A_257 = arith.cmpi slt, %jit3A_243, %sign3A_256 : i32
    %sign3A_258 = arith.extui %sign3A_257 : i1 to i32
    %sign3A_259 = arith.subi %sign3A_255, %sign3A_258 : i32
    %ne3A = vector.broadcast %sign3A_259 : i32 to vector<16x128xi32>
    %ne3A_260 = arith.cmpi ne, %sign3A_252, %ne3A : vector<16x128xi32>
    %rem3A = vector.broadcast %jit3A_243 : i32 to vector<16x128xi32>
    %rem3A_261 = arith.remsi %add3A_87, %rem3A : vector<16x128xi32>
    %ne3A_262 = arith.constant 0 : i32
    %ne3A_263 = vector.broadcast %ne3A_262 : i32 to vector<16x128xi32>
    %ne3A_264 = arith.cmpi ne, %rem3A_261, %ne3A_263 : vector<16x128xi32>
    %and3A_265 = arith.andi %ne3A_260, %ne3A_264 : vector<16x128xi1>
    %sub3A = arith.constant 1 : i32
    %sub3A_266 = vector.broadcast %sub3A : i32 to vector<16x128xi32>
    %sub3A_267 = arith.subi %div3A_244, %sub3A_266 : vector<16x128xi32>
    %select_n3A_268 = arith.select %and3A_265, %sub3A_267, %div3A_244 : vector<16x128xi1>, vector<16x128xi32>
    %convert_element_type3A_269 = arith.sitofp %select_n3A_268 : vector<16x128xi32> to vector<16x128xf32>
    %jit3A_270 = arith.constant 120 : i32
    %eq3A_271 = arith.constant 0 : i32
    %eq3A_272 = arith.cmpi eq, %jit3A_270, %eq3A_271 : i32
    %jit3A_273 = arith.constant 1 : i32
    %select_n3A_274 = arith.select %eq3A_272, %jit3A_273, %jit3A_270 : i32
    %rem3A_275 = vector.broadcast %select_n3A_274 : i32 to vector<16x128xi32>
    %rem3A_276 = arith.remsi %add3A_87, %rem3A_275 : vector<16x128xi32>
    %ne3A_277 = arith.constant 0 : i32
    %ne3A_278 = vector.broadcast %ne3A_277 : i32 to vector<16x128xi32>
    %ne3A_279 = arith.cmpi ne, %rem3A_276, %ne3A_278 : vector<16x128xi32>
    %lt3A_280 = arith.constant 0 : i32
    %lt3A_281 = vector.broadcast %lt3A_280 : i32 to vector<16x128xi32>
    %lt3A_282 = arith.cmpi slt, %rem3A_276, %lt3A_281 : vector<16x128xi32>
    %lt3A_283 = arith.constant 0 : i32
    %lt3A_284 = arith.cmpi slt, %select_n3A_274, %lt3A_283 : i32
    %ne3A_285 = vector.broadcast %lt3A_284 : i1 to vector<16x128xi1>
    %ne3A_286 = vector.broadcast %ne3A_285 : vector<16x128xi1> to vector<16x128xi1>
    %ne3A_287 = arith.xori %lt3A_282, %ne3A_286 : vector<16x128xi1>
    %and3A_288 = arith.andi %ne3A_287, %ne3A_279 : vector<16x128xi1>
    %add3A_289 = vector.broadcast %select_n3A_274 : i32 to vector<16x128xi32>
    %add3A_290 = arith.addi %rem3A_276, %add3A_289 : vector<16x128xi32>
    %select_n3A_291 = arith.select %and3A_288, %add3A_290, %rem3A_276 : vector<16x128xi1>, vector<16x128xi32>
    %convert_element_type3A_292 = arith.sitofp %select_n3A_291 : vector<16x128xi32> to vector<16x128xf32>
    %mul3A_293 = arith.constant 1.600000e+01 : f32
    %mul3A_294 = vector.broadcast %mul3A_293 : f32 to vector<16x128xf32>
    %mul3A_295 = arith.mulf %convert_element_type3A_292, %mul3A_294 : vector<16x128xf32>
    %add3A_296 = arith.constant 7.500000e+00 : f32
    %add3A_297 = vector.broadcast %add3A_296 : f32 to vector<16x128xf32>
    %add3A_298 = arith.addf %mul3A_295, %add3A_297 : vector<16x128xf32>
    %mul3A_299 = arith.constant 1.600000e+01 : f32
    %mul3A_300 = vector.broadcast %mul3A_299 : f32 to vector<16x128xf32>
    %mul3A_301 = arith.mulf %convert_element_type3A_269, %mul3A_300 : vector<16x128xf32>
    %add3A_302 = arith.constant 7.500000e+00 : f32
    %add3A_303 = vector.broadcast %add3A_302 : f32 to vector<16x128xf32>
    %add3A_304 = arith.addf %mul3A_301, %add3A_303 : vector<16x128xf32>
    %add3A_305 = arith.addf %add3A_298, %mul3A_125 : vector<16x128xf32>
    %add3A_306 = arith.addf %add3A_304, %mul3A_164 : vector<16x128xf32>
    %mul3A_307 = arith.constant 5.000000e-01 : f32
    %mul3A_308 = vector.broadcast %mul3A_307 : f32 to vector<16x128xf32>
    %mul3A_309 = arith.mulf %mul3A_308, %mul3A_203 : vector<16x128xf32>
    %sub3A_310 = arith.subf %add3A_305, %mul3A_309 : vector<16x128xf32>
    %mul3A_311 = arith.constant 5.000000e-01 : f32
    %mul3A_312 = vector.broadcast %mul3A_311 : f32 to vector<16x128xf32>
    %mul3A_313 = arith.mulf %mul3A_312, %mul3A_242 : vector<16x128xf32>
    %sub3A_314 = arith.subf %add3A_306, %mul3A_313 : vector<16x128xf32>
    %mul3A_315 = arith.constant 5.000000e-01 : f32
    %mul3A_316 = vector.broadcast %mul3A_315 : f32 to vector<16x128xf32>
    %mul3A_317 = arith.mulf %mul3A_316, %mul3A_203 : vector<16x128xf32>
    %add3A_318 = arith.addf %add3A_305, %mul3A_317 : vector<16x128xf32>
    %mul3A_319 = arith.constant 5.000000e-01 : f32
    %mul3A_320 = vector.broadcast %mul3A_319 : f32 to vector<16x128xf32>
    %mul3A_321 = arith.mulf %mul3A_320, %mul3A_242 : vector<16x128xf32>
    %add3A_322 = arith.addf %add3A_306, %mul3A_321 : vector<16x128xf32>
    %broadcast_in_dim3A_323 = vector.shape_cast %sub3A_310 : vector<16x128xf32> to vector<16x1x128xf32>
    %broadcast_in_dim3A_324 = vector.shape_cast %sub3A_314 : vector<16x128xf32> to vector<16x1x128xf32>
    %broadcast_in_dim3A_325 = vector.shape_cast %add3A_318 : vector<16x128xf32> to vector<16x1x128xf32>
    %broadcast_in_dim3A_326 = vector.shape_cast %add3A_322 : vector<16x128xf32> to vector<16x1x128xf32>
    %broadcast_in_dim3A_327 = vector.shape_cast %add3A_61 : vector<16x128xf32> to vector<16x1x128xf32>
    %broadcast_in_dim3A_328 = vector.shape_cast %broadcast_in_dim3A_0 : vector<16x128xf32> to vector<16x1x128xf32>
    %broadcast_in_dim3A_329 = vector.shape_cast %broadcast_in_dim3A_0 : vector<16x128xf32> to vector<16x1x128xf32>
    %broadcast_in_dim3A_330 = vector.shape_cast %broadcast_in_dim3A_0 : vector<16x128xf32> to vector<16x1x128xf32>
    %concatenate3A = tpu.concatenate %broadcast_in_dim3A_323, %broadcast_in_dim3A_324, %broadcast_in_dim3A_325, %broadcast_in_dim3A_326, %broadcast_in_dim3A_327, %broadcast_in_dim3A_328, %broadcast_in_dim3A_329, %broadcast_in_dim3A_330 in 1 : vector<16x1x128xf32>, vector<16x1x128xf32>, vector<16x1x128xf32>, vector<16x1x128xf32>, vector<16x1x128xf32>, vector<16x1x128xf32>, vector<16x1x128xf32>, vector<16x1x128xf32> -> vector<16x8x128xf32>
    %swap3A = arith.constant 0 : index
    %swap3A_331 = arith.constant 0 : index
    %swap3A_332 = arith.constant 0 : index
    %swap3A_333 = vector.load %arg5[%swap3A, %swap3A_331, %swap3A_332] : memref<16x8x128xf32, #tpu.memory_space<vmem>>, vector<16x8x128xf32>
    tpu.vector_store %arg5[%swap3A, %swap3A_331, %swap3A_332], %concatenate3A {strides = array<i32>} : memref<16x8x128xf32, #tpu.memory_space<vmem>>, vector<16x8x128xf32>,
    %get3A_334 = arith.constant 0 : index
    %get3A_335 = arith.constant 0 : index
    %get3A_336 = vector.load %arg3[%get3A_334, %get3A_335] : memref<32x104xf32, #tpu.memory_space<vmem>>, vector<16x104xf32>
    %get3A_337 = arith.constant 16 : index
    %get3A_338 = arith.constant 0 : index
    %get3A_339 = vector.load %arg3[%get3A_337, %get3A_338] : memref<32x104xf32, #tpu.memory_space<vmem>>, vector<16x104xf32>
    %get3A_340 = arith.constant 0 : index
    %get3A_341 = arith.constant 0 : index
    %get3A_342 = vector.load %arg4[%get3A_340, %get3A_341] : memref<32x104xi32, #tpu.memory_space<vmem>>, vector<16x104xi32>
    %get3A_343 = arith.constant 16 : index
    %get3A_344 = arith.constant 0 : index
    %get3A_345 = vector.load %arg4[%get3A_343, %get3A_344] : memref<32x104xi32, #tpu.memory_space<vmem>>, vector<16x104xi32>
    %iota3A_346 = tpu.iota {dimensions = array<i32: 1>} : vector<16x104xi32>
    %broadcast_in_dim3A_347 = vector.shape_cast %get3A_336 : vector<16x104xf32> to vector<16x104x1xf32>
    %broadcast_in_dim3A_348 = vector.shape_cast %get3A_342 : vector<16x104xi32> to vector<16x104x1xi32>
    %broadcast_in_dim3A_349 = vector.shape_cast %get3A_339 : vector<16x104xf32> to vector<16x1x104xf32>
    %broadcast_in_dim3A_350 = vector.shape_cast %get3A_345 : vector<16x104xi32> to vector<16x1x104xi32>
    %gt3A_351 = vector.broadcast %broadcast_in_dim3A_349 : vector<16x1x104xf32> to vector<16x104x104xf32>
    %gt3A_352 = vector.broadcast %broadcast_in_dim3A_347 : vector<16x104x1xf32> to vector<16x104x104xf32>
    %gt3A_353 = arith.cmpf ogt, %gt3A_351, %gt3A_352 : vector<16x104x104xf32>
    %eq3A_354 = vector.broadcast %broadcast_in_dim3A_349 : vector<16x1x104xf32> to vector<16x104x104xf32>
    %eq3A_355 = vector.broadcast %broadcast_in_dim3A_347 : vector<16x104x1xf32> to vector<16x104x104xf32>
    %eq3A_356 = arith.cmpf oeq, %eq3A_354, %eq3A_355 : vector<16x104x104xf32>
    %lt3A_357 = vector.broadcast %broadcast_in_dim3A_350 : vector<16x1x104xi32> to vector<16x104x104xi32>
    %lt3A_358 = vector.broadcast %broadcast_in_dim3A_348 : vector<16x104x1xi32> to vector<16x104x104xi32>
    %lt3A_359 = arith.cmpi slt, %lt3A_357, %lt3A_358 : vector<16x104x104xi32>
    %and3A_360 = arith.andi %eq3A_356, %lt3A_359 : vector<16x104x104xi1>
    %or3A_361 = arith.ori %gt3A_353, %and3A_360 : vector<16x104x104xi1>
    %convert_element_type3A_362 = arith.extui %or3A_361 : vector<16x104x104xi1> to vector<16x104x104xi32>
    %reduce_sum3A_363 = arith.constant dense<0> : vector<16x104xi32>
    %reduce_sum3A_364 = vector.multi_reduction <add>, %convert_element_type3A_362, %reduce_sum3A_363 [2] : vector<16x104x104xi32> to vector<16x104xi32>
    %add3A_365 = arith.addi %iota3A_346, %reduce_sum3A_364 : vector<16x104xi32>
    %gt3A_366 = vector.broadcast %broadcast_in_dim3A_347 : vector<16x104x1xf32> to vector<16x104x104xf32>
    %gt3A_367 = vector.broadcast %broadcast_in_dim3A_349 : vector<16x1x104xf32> to vector<16x104x104xf32>
    %gt3A_368 = arith.cmpf ogt, %gt3A_366, %gt3A_367 : vector<16x104x104xf32>
    %eq3A_369 = vector.broadcast %broadcast_in_dim3A_347 : vector<16x104x1xf32> to vector<16x104x104xf32>
    %eq3A_370 = vector.broadcast %broadcast_in_dim3A_349 : vector<16x1x104xf32> to vector<16x104x104xf32>
    %eq3A_371 = arith.cmpf oeq, %eq3A_369, %eq3A_370 : vector<16x104x104xf32>
    %lt3A_372 = vector.broadcast %broadcast_in_dim3A_348 : vector<16x104x1xi32> to vector<16x104x104xi32>
    %lt3A_373 = vector.broadcast %broadcast_in_dim3A_350 : vector<16x1x104xi32> to vector<16x104x104xi32>
    %lt3A_374 = arith.cmpi slt, %lt3A_372, %lt3A_373 : vector<16x104x104xi32>
    %and3A_375 = arith.andi %eq3A_371, %lt3A_374 : vector<16x104x104xi1>
    %or3A_376 = arith.ori %gt3A_368, %and3A_375 : vector<16x104x104xi1>
    %convert_element_type3A_377 = arith.extui %or3A_376 : vector<16x104x104xi1> to vector<16x104x104xi32>
    %reduce_sum3A_378 = arith.constant dense<0> : vector<16x104xi32>
    %reduce_sum3A_379 = vector.multi_reduction <add>, %convert_element_type3A_377, %reduce_sum3A_378 [1] : vector<16x104x104xi32> to vector<16x104xi32>
    %add3A_380 = arith.addi %iota3A_346, %reduce_sum3A_379 : vector<16x104xi32>
    %iota3A_381 = tpu.iota {dimensions = array<i32: 2>} : vector<1x1x128xi32>
    %broadcast_in_dim3A_382 = vector.shape_cast %add3A_365 : vector<16x104xi32> to vector<16x104x1xi32>
    %eq3A_383 = vector.broadcast %broadcast_in_dim3A_382 : vector<16x104x1xi32> to vector<16x104x128xi32>
    %eq3A_384 = vector.broadcast %iota3A_381 : vector<1x1x128xi32> to vector<16x104x128xi32>
    %eq3A_385 = arith.cmpi eq, %eq3A_383, %eq3A_384 : vector<16x104x128xi32>
    %broadcast_in_dim3A_386 = vector.shape_cast %add3A_380 : vector<16x104xi32> to vector<16x104x1xi32>
    %eq3A_387 = vector.broadcast %broadcast_in_dim3A_386 : vector<16x104x1xi32> to vector<16x104x128xi32>
    %eq3A_388 = vector.broadcast %iota3A_381 : vector<1x1x128xi32> to vector<16x104x128xi32>
    %eq3A_389 = arith.cmpi eq, %eq3A_387, %eq3A_388 : vector<16x104x128xi32>
    %broadcast_in_dim3A_390 = vector.shape_cast %get3A_336 : vector<16x104xf32> to vector<16x104x1xf32>
    %jit3A_391 = arith.constant 0.000000e+00 : f32
    %broadcast_in_dim3A_392 = vector.shape_cast %broadcast_in_dim3A_390 : vector<16x104x1xf32> to vector<16x104x1xf32>
    %broadcast_in_dim3A_393 = vector.broadcast %broadcast_in_dim3A_392 : vector<16x104x1xf32> to vector<16x104x128xf32>
    %broadcast_in_dim3A_394 = vector.broadcast %jit3A_391 : f32 to vector<16x104x128xf32>
    %select_n3A_395 = arith.select %eq3A_385, %broadcast_in_dim3A_393, %broadcast_in_dim3A_394 : vector<16x104x128xi1>, vector<16x104x128xf32>
    %reduce_sum3A_396 = arith.constant dense<0.000000e+00> : vector<16x128xf32>
    %reduce_sum3A_397 = vector.multi_reduction <add>, %select_n3A_395, %reduce_sum3A_396 [1] : vector<16x104x128xf32> to vector<16x128xf32>
    %broadcast_in_dim3A_398 = vector.shape_cast %get3A_339 : vector<16x104xf32> to vector<16x104x1xf32>
    %jit3A_399 = arith.constant 0.000000e+00 : f32
    %broadcast_in_dim3A_400 = vector.shape_cast %broadcast_in_dim3A_398 : vector<16x104x1xf32> to vector<16x104x1xf32>
    %broadcast_in_dim3A_401 = vector.broadcast %broadcast_in_dim3A_400 : vector<16x104x1xf32> to vector<16x104x128xf32>
    %broadcast_in_dim3A_402 = vector.broadcast %jit3A_399 : f32 to vector<16x104x128xf32>
    %select_n3A_403 = arith.select %eq3A_389, %broadcast_in_dim3A_401, %broadcast_in_dim3A_402 : vector<16x104x128xi1>, vector<16x104x128xf32>
    %reduce_sum3A_404 = arith.constant dense<0.000000e+00> : vector<16x128xf32>
    %reduce_sum3A_405 = vector.multi_reduction <add>, %select_n3A_403, %reduce_sum3A_404 [1] : vector<16x104x128xf32> to vector<16x128xf32>
    %add3A_406 = arith.addf %reduce_sum3A_397, %reduce_sum3A_405 : vector<16x128xf32>
    %iota3A_407 = tpu.iota {dimensions = array<i32: 2>} : vector<1x1x128xi32>
    %broadcast_in_dim3A_408 = vector.shape_cast %add3A_365 : vector<16x104xi32> to vector<16x104x1xi32>
    %eq3A_409 = vector.broadcast %broadcast_in_dim3A_408 : vector<16x104x1xi32> to vector<16x104x128xi32>
    %eq3A_410 = vector.broadcast %iota3A_407 : vector<1x1x128xi32> to vector<16x104x128xi32>
    %eq3A_411 = arith.cmpi eq, %eq3A_409, %eq3A_410 : vector<16x104x128xi32>
    %broadcast_in_dim3A_412 = vector.shape_cast %add3A_380 : vector<16x104xi32> to vector<16x104x1xi32>
    %eq3A_413 = vector.broadcast %broadcast_in_dim3A_412 : vector<16x104x1xi32> to vector<16x104x128xi32>
    %eq3A_414 = vector.broadcast %iota3A_407 : vector<1x1x128xi32> to vector<16x104x128xi32>
    %eq3A_415 = arith.cmpi eq, %eq3A_413, %eq3A_414 : vector<16x104x128xi32>
    %broadcast_in_dim3A_416 = vector.shape_cast %get3A_342 : vector<16x104xi32> to vector<16x104x1xi32>
    %jit3A_417 = arith.constant 0 : i32
    %broadcast_in_dim3A_418 = vector.shape_cast %broadcast_in_dim3A_416 : vector<16x104x1xi32> to vector<16x104x1xi32>
    %broadcast_in_dim3A_419 = vector.broadcast %broadcast_in_dim3A_418 : vector<16x104x1xi32> to vector<16x104x128xi32>
    %broadcast_in_dim3A_420 = vector.broadcast %jit3A_417 : i32 to vector<16x104x128xi32>
    %select_n3A_421 = arith.select %eq3A_411, %broadcast_in_dim3A_419, %broadcast_in_dim3A_420 : vector<16x104x128xi1>, vector<16x104x128xi32>
    %reduce_sum3A_422 = arith.constant dense<0> : vector<16x128xi32>
    %reduce_sum3A_423 = vector.multi_reduction <add>, %select_n3A_421, %reduce_sum3A_422 [1] : vector<16x104x128xi32> to vector<16x128xi32>
    %broadcast_in_dim3A_424 = vector.shape_cast %get3A_345 : vector<16x104xi32> to vector<16x104x1xi32>
    %jit3A_425 = arith.constant 0 : i32
    %broadcast_in_dim3A_426 = vector.shape_cast %broadcast_in_dim3A_424 : vector<16x104x1xi32> to vector<16x104x1xi32>
    %broadcast_in_dim3A_427 = vector.broadcast %broadcast_in_dim3A_426 : vector<16x104x1xi32> to vector<16x104x128xi32>
    %broadcast_in_dim3A_428 = vector.broadcast %jit3A_425 : i32 to vector<16x104x128xi32>
    %select_n3A_429 = arith.select %eq3A_415, %broadcast_in_dim3A_427, %broadcast_in_dim3A_428 : vector<16x104x128xi1>, vector<16x104x128xi32>
    %reduce_sum3A_430 = arith.constant dense<0> : vector<16x128xi32>
    %reduce_sum3A_431 = vector.multi_reduction <add>, %select_n3A_429, %reduce_sum3A_430 [1] : vector<16x104x128xi32> to vector<16x128xi32>
    %add3A_432 = arith.addi %reduce_sum3A_423, %reduce_sum3A_431 : vector<16x128xi32>
    %jit3A_433 = arith.constant 480 : i32
    %div3A_434 = vector.broadcast %jit3A_433 : i32 to vector<16x128xi32>
    %div3A_435 = arith.divsi %add3A_432, %div3A_434 : vector<16x128xi32>
    %sign3A_436 = arith.constant 0 : i32
    %sign3A_437 = vector.broadcast %sign3A_436 : i32 to vector<16x128xi32>
    %sign3A_438 = arith.cmpi sgt, %add3A_432, %sign3A_437 : vector<16x128xi32>
    %sign3A_439 = arith.extui %sign3A_438 : vector<16x128xi1> to vector<16x128xi32>
    %sign3A_440 = arith.constant 0 : i32
    %sign3A_441 = vector.broadcast %sign3A_440 : i32 to vector<16x128xi32>
    %sign3A_442 = arith.cmpi slt, %add3A_432, %sign3A_441 : vector<16x128xi32>
    %sign3A_443 = arith.extui %sign3A_442 : vector<16x128xi1> to vector<16x128xi32>
    %sign3A_444 = arith.subi %sign3A_439, %sign3A_443 : vector<16x128xi32>
    %sign3A_445 = arith.constant 0 : i32
    %sign3A_446 = arith.cmpi sgt, %jit3A_433, %sign3A_445 : i32
    %sign3A_447 = arith.extui %sign3A_446 : i1 to i32
    %sign3A_448 = arith.constant 0 : i32
    %sign3A_449 = arith.cmpi slt, %jit3A_433, %sign3A_448 : i32
    %sign3A_450 = arith.extui %sign3A_449 : i1 to i32
    %sign3A_451 = arith.subi %sign3A_447, %sign3A_450 : i32
    %ne3A_452 = vector.broadcast %sign3A_451 : i32 to vector<16x128xi32>
    %ne3A_453 = arith.cmpi ne, %sign3A_444, %ne3A_452 : vector<16x128xi32>
    %rem3A_454 = vector.broadcast %jit3A_433 : i32 to vector<16x128xi32>
    %rem3A_455 = arith.remsi %add3A_432, %rem3A_454 : vector<16x128xi32>
    %ne3A_456 = arith.constant 0 : i32
    %ne3A_457 = vector.broadcast %ne3A_456 : i32 to vector<16x128xi32>
    %ne3A_458 = arith.cmpi ne, %rem3A_455, %ne3A_457 : vector<16x128xi32>
    %and3A_459 = arith.andi %ne3A_453, %ne3A_458 : vector<16x128xi1>
    %sub3A_460 = arith.constant 1 : i32
    %sub3A_461 = vector.broadcast %sub3A_460 : i32 to vector<16x128xi32>
    %sub3A_462 = arith.subi %div3A_435, %sub3A_461 : vector<16x128xi32>
    %select_n3A_463 = arith.select %and3A_459, %sub3A_462, %div3A_435 : vector<16x128xi1>, vector<16x128xi32>
    %convert_element_type3A_464 = arith.sitofp %select_n3A_463 : vector<16x128xi32> to vector<16x128xf32>
    %jit3A_465 = arith.constant 480 : i32
    %eq3A_466 = arith.constant 0 : i32
    %eq3A_467 = arith.cmpi eq, %jit3A_465, %eq3A_466 : i32
    %jit3A_468 = arith.constant 1 : i32
    %select_n3A_469 = arith.select %eq3A_467, %jit3A_468, %jit3A_465 : i32
    %rem3A_470 = vector.broadcast %select_n3A_469 : i32 to vector<16x128xi32>
    %rem3A_471 = arith.remsi %add3A_432, %rem3A_470 : vector<16x128xi32>
    %ne3A_472 = arith.constant 0 : i32
    %ne3A_473 = vector.broadcast %ne3A_472 : i32 to vector<16x128xi32>
    %ne3A_474 = arith.cmpi ne, %rem3A_471, %ne3A_473 : vector<16x128xi32>
    %lt3A_475 = arith.constant 0 : i32
    %lt3A_476 = vector.broadcast %lt3A_475 : i32 to vector<16x128xi32>
    %lt3A_477 = arith.cmpi slt, %rem3A_471, %lt3A_476 : vector<16x128xi32>
    %lt3A_478 = arith.constant 0 : i32
    %lt3A_479 = arith.cmpi slt, %select_n3A_469, %lt3A_478 : i32
    %ne3A_480 = vector.broadcast %lt3A_479 : i1 to vector<16x128xi1>
    %ne3A_481 = vector.broadcast %ne3A_480 : vector<16x128xi1> to vector<16x128xi1>
    %ne3A_482 = arith.xori %lt3A_477, %ne3A_481 : vector<16x128xi1>
    %and3A_483 = arith.andi %ne3A_482, %ne3A_474 : vector<16x128xi1>
    %add3A_484 = vector.broadcast %select_n3A_469 : i32 to vector<16x128xi32>
    %add3A_485 = arith.addi %rem3A_471, %add3A_484 : vector<16x128xi32>
    %select_n3A_486 = arith.select %and3A_483, %add3A_485, %rem3A_471 : vector<16x128xi1>, vector<16x128xi32>
    %convert_element_type3A_487 = arith.sitofp %select_n3A_486 : vector<16x128xi32> to vector<16x128xf32>
    %mul3A_488 = arith.constant 4.000000e+00 : f32
    %mul3A_489 = vector.broadcast %mul3A_488 : f32 to vector<16x128xf32>
    %mul3A_490 = arith.mulf %convert_element_type3A_487, %mul3A_489 : vector<16x128xf32>
    %add3A_491 = arith.constant 1.500000e+00 : f32
    %add3A_492 = vector.broadcast %add3A_491 : f32 to vector<16x128xf32>
    %add3A_493 = arith.addf %mul3A_490, %add3A_492 : vector<16x128xf32>
    %mul3A_494 = arith.constant 4.000000e+00 : f32
    %mul3A_495 = vector.broadcast %mul3A_494 : f32 to vector<16x128xf32>
    %mul3A_496 = arith.mulf %convert_element_type3A_464, %mul3A_495 : vector<16x128xf32>
    %add3A_497 = arith.constant 1.500000e+00 : f32
    %add3A_498 = vector.broadcast %add3A_497 : f32 to vector<16x128xf32>
    %add3A_499 = arith.addf %mul3A_496, %add3A_498 : vector<16x128xf32>
    %sub3A_500 = arith.constant 2.000000e+01 : f32
    %sub3A_501 = vector.broadcast %sub3A_500 : f32 to vector<16x128xf32>
    %sub3A_502 = arith.subf %add3A_493, %sub3A_501 : vector<16x128xf32>
    %sub3A_503 = arith.constant 2.000000e+01 : f32
    %sub3A_504 = vector.broadcast %sub3A_503 : f32 to vector<16x128xf32>
    %sub3A_505 = arith.subf %add3A_499, %sub3A_504 : vector<16x128xf32>
    %add3A_506 = arith.constant 2.000000e+01 : f32
    %add3A_507 = vector.broadcast %add3A_506 : f32 to vector<16x128xf32>
    %add3A_508 = arith.addf %add3A_493, %add3A_507 : vector<16x128xf32>
    %add3A_509 = arith.constant 2.000000e+01 : f32
    %add3A_510 = vector.broadcast %add3A_509 : f32 to vector<16x128xf32>
    %add3A_511 = arith.addf %add3A_499, %add3A_510 : vector<16x128xf32>
    %broadcast_in_dim3A_512 = vector.shape_cast %sub3A_502 : vector<16x128xf32> to vector<16x1x128xf32>
    %broadcast_in_dim3A_513 = vector.shape_cast %sub3A_505 : vector<16x128xf32> to vector<16x1x128xf32>
    %broadcast_in_dim3A_514 = vector.shape_cast %add3A_508 : vector<16x128xf32> to vector<16x1x128xf32>
    %broadcast_in_dim3A_515 = vector.shape_cast %add3A_511 : vector<16x128xf32> to vector<16x1x128xf32>
    %broadcast_in_dim3A_516 = vector.shape_cast %add3A_406 : vector<16x128xf32> to vector<16x1x128xf32>
    %broadcast_in_dim3A_517 = vector.shape_cast %broadcast_in_dim3A_0 : vector<16x128xf32> to vector<16x1x128xf32>
    %broadcast_in_dim3A_518 = vector.shape_cast %broadcast_in_dim3A_0 : vector<16x128xf32> to vector<16x1x128xf32>
    %broadcast_in_dim3A_519 = vector.shape_cast %broadcast_in_dim3A_0 : vector<16x128xf32> to vector<16x1x128xf32>
    %concatenate3A_520 = tpu.concatenate %broadcast_in_dim3A_512, %broadcast_in_dim3A_513, %broadcast_in_dim3A_514, %broadcast_in_dim3A_515, %broadcast_in_dim3A_516, %broadcast_in_dim3A_517, %broadcast_in_dim3A_518, %broadcast_in_dim3A_519 in 1 : vector<16x1x128xf32>, vector<16x1x128xf32>, vector<16x1x128xf32>, vector<16x1x128xf32>, vector<16x1x128xf32>, vector<16x1x128xf32>, vector<16x1x128xf32>, vector<16x1x128xf32> -> vector<16x8x128xf32>
    %swap3A_521 = arith.constant 0 : index
    %swap3A_522 = arith.constant 0 : index
    %swap3A_523 = arith.constant 0 : index
    %swap3A_524 = vector.load %arg6[%swap3A_521, %swap3A_522, %swap3A_523] : memref<16x8x128xf32, #tpu.memory_space<vmem>>, vector<16x8x128xf32>
    tpu.vector_store %arg6[%swap3A_521, %swap3A_522, %swap3A_523], %concatenate3A_520 {strides = array<i32>} : memref<16x8x128xf32, #tpu.memory_space<vmem>>, vector<16x8x128xf32>,
    return
  }
}

</mosaic_0001>

<sc_bundles>
// kernel: kernel.5.cloned.1.call-start
scs
__scs_entry_jumppad:
0x0: {  	(pc) =	sbr.rel $0x88, $3  }
0x1: {  	(tag) =	ssettag $0x0;
	lr =	simm.s32 $0x1  }
0x2: {  	[smem:$0x3F9E] =	sst lr;
	_ =	strace $0xD0000000  }
0x3: {  	_ = 	snop  }
0x4: {  	_ = 	snop  }
0x5: {  	_ = 	snop  }
0x6: {  	_ = 	snop  }
0x7: {  	_ = 	snop  }
__scs_overlays_trampoline_lowered:
0x8: {  	[smem:$0x3FAD] =	sst s0  }
0x9: {  	[smem:$0x3FAE] =	sst s1  }
0xa: {  	[smem:$0x3FAF] =	sst s2  }
0xb: {  	[smem:$0x3FB0] =	sst s3  }
0xc: {  	[smem:$0x3FB1] =	sst s4  }
0xd: {  	[smem:$0x3FB2] =	sst s5  }
0xe: {  	[smem:$0x3FB3] =	sst s6  }
0xf: {  	[smem:$0x3FB4] =	sst s7  }
0x10: {  	[smem:$0x3FB5] =	sst s8  }
0x11: {  	[smem:$0x3FB6] =	sst s9;
	s0 =	simm.s32 @!p0 $0x0  }
0x12: {  	s1 =	sld [smem:$0x3F9C];
	s0 =	simm.s32 @p0 $0x1  }
0x13: {  	[smem:$0x3FB7] =	sst s0;
	s0 =	simm.s32 @!p1 $0x0  }
0x14: {  	s2 =	sld [smem:$0x3F9B];
	s0 =	simm.s32 @p1 $0x1  }
0x15: {  	[smem:$0x3FB8] =	sst s0;
	s0 =	simm.s32 @!p2 $0x0  }
0x16: {  	s3 =	sld [smem:$0x3FDB];
	s0 =	simm.s32 @p2 $0x1  }
0x17: {  	s4 =	simm.s32 $0x1BF5;
	[smem:$0x3FBA] =	sst s0  }
0x18: {  	s0 =	sld [smem:$0x3F9D];
	_ =	swait.ge [sflag:s4], $0x0  }
0x19: {  	s7 =	sld [smem:$0x3F9E]  }
0x1a: {  	s8 =	sadd.s32 $0xFFFFE003, lr  }
0x1b: {  	s9 =	sadd.s32 $0xFFFFFEF7, lr;
	s5 =	simm.s32 $0xFFFFFFFF;
	p2 =	slt.u32 s8, $0xFFFFF086  }
0x1c: {  	p1 =	slt.u32 s9, $0xF7A;
	s5 =	simm.s32 @!p2 $0x0  }
0x1d: {  	s5 =	simm.s32 @p1 $0x1;
	p0 =	seq.s32 s7, s2  }
0x1e: {  	s7 =	smul.u32 @!p0 $0xF7A, s2;
	p2 =	seq.s32 @!p0 s5, $0x0  }
0x1f: {  	s9 =	smul.u32 $0xF7A, s1;
	s8 =	simm.s32 @!p0 $0x1BF5;
	p2 =	por !p2, p0  }
0x20: {  	[sflag:s8] =	ssyncset.s32 @!p0 $0xFFFFF086;
	s6 =	sadd.s32 @!p0 s3, s7;
	s7 =	simm.s32 @!p0 $0x108  }
0x21: {  	s3 =	sadd.s32 s3, s9;
	s6 =	sadd.s32 @!p0 $0x88, s6;
	s7 =	simm.s32 @p2 $0x1082  }
0x22: {  	[simem:s7], [sflag:s8] =	dma.local @!p0 [hbm:s6], $0xF7A  }
0x23: {  	s9 =	sor.u32 $0xD0000000, s2;
	s6 =	simm.s32 $0x108;
	_ =	swait.ge @!p0 [sflag:s8], $0x0  }
0x24: {  	s3 =	sadd.s32 $0x88, s3;
	s6 =	simm.s32 @!p1 $0x1082;
	[sflag:s4] =	ssyncset.s32 $0xFFFFF086  }
0x25: {  	[simem:s6], [sflag:s4] =	dma.local [hbm:s3], $0xF7A  }
0x26: {  	[smem:$0x3F9E] =	sst s1;
	(tag) =	ssettag s2;
	_ =	strace s9  }
0x27: {  	s1 =	sld [smem:$0x3FAE]  }
0x28: {  	s2 =	sld [smem:$0x3FAF]  }
0x29: {  	s4 =	sld [smem:$0x3FB1]  }
0x2a: {  	p0 =	seq.s32 s5, $0x0;
	s5 =	sld [smem:$0x3FB2]  }
0x2b: {  	s6 =	sld [smem:$0x3FB3]  }
0x2c: {  	s7 =	sld [smem:$0x3FB4]  }
0x2d: {  	s3 =	simm.s32 $0x108;
	s8 =	sld [smem:$0x3FB5]  }
0x2e: {  	s3 =	simm.s32 @!p0 $0x1082;
	s9 =	sld [smem:$0x3FB6]  }
0x2f: {  	lr =	sadd.s32 s0, s3;
	s0 =	sld [smem:$0x3FAD]  }
0x30: {  	s3 =	sld [smem:$0x3FB0]  }
0x31: {  	[smem:$0x3FB9] =	sst s10  }
0x32: {  	s10 =	sld [smem:$0x3FB7];
	_ =	sdelay $0x3  }
0x33: {  	p0 =	seq.s32 s10, $0x1;
	s10 =	sld [smem:$0x3FB9];
	_ =	sdelay $0x3  }
0x34: {  	[smem:$0x3FB9] =	sst s10  }
0x35: {  	s10 =	sld [smem:$0x3FB8];
	_ =	sdelay $0x3  }
0x36: {  	p1 =	seq.s32 s10, $0x1;
	s10 =	sld [smem:$0x3FB9];
	_ =	sdelay $0x3  }
0x37: {  	[smem:$0x3FB9] =	sst s10  }
0x38: {  	s10 =	sld [smem:$0x3FBA]  }
0x39: {  	_ = 	snop;
	(pc) =	sbr.ind lr, $3  }
0x3a: {  	_ = 	snop  }
0x3b: {  	_ = 	snop  }
0x3c: {  	p2 =	seq.s32 s10, $0x1;
	s10 =	sld [smem:$0x3FB9]  }
0x3d: {  	_ =	shalt  }
0x3e: {  	_ =	shalt  }
0x3f: {  	_ =	shalt  }
0x40: {  	_ =	shalt  }
0x41: {  	_ =	shalt  }
0x42: {  	_ =	shalt  }
0x43: {  	_ =	shalt  }
0x44: {  	_ =	shalt  }
0x45: {  	_ =	shalt  }
0x46: {  	_ =	shalt  }
0x47: {  	_ =	shalt  }
0x48: {  	_ =	shalt  }
0x49: {  	_ =	shalt  }
0x4a: {  	_ =	shalt  }
0x4b: {  	_ =	shalt  }
0x4c: {  	_ =	shalt  }
0x4d: {  	_ =	shalt  }
0x4e: {  	_ =	shalt  }
0x4f: {  	_ =	shalt  }
0x50: {  	_ =	shalt  }
0x51: {  	_ =	shalt  }
0x52: {  	_ =	shalt  }
0x53: {  	_ =	shalt  }
0x54: {  	_ =	shalt  }
0x55: {  	_ =	shalt  }
0x56: {  	_ =	shalt  }
0x57: {  	_ =	shalt  }
0x58: {  	_ =	shalt  }
0x59: {  	_ =	shalt  }
0x5a: {  	_ =	shalt  }
0x5b: {  	_ =	shalt  }
0x5c: {  	_ =	shalt  }
0x5d: {  	_ =	shalt  }
0x5e: {  	_ =	shalt  }
0x5f: {  	_ =	shalt  }
0x60: {  	_ =	shalt  }
0x61: {  	_ =	shalt  }
0x62: {  	_ =	shalt  }
0x63: {  	_ =	shalt  }
0x64: {  	_ =	shalt  }
0x65: {  	_ =	shalt  }
0x66: {  	_ =	shalt  }
0x67: {  	_ =	shalt  }
0x68: {  	_ =	shalt  }
0x69: {  	_ =	shalt  }
0x6a: {  	_ =	shalt  }
0x6b: {  	_ =	shalt  }
0x6c: {  	_ =	shalt  }
0x6d: {  	_ =	shalt  }
0x6e: {  	_ =	shalt  }
0x6f: {  	_ =	shalt  }
0x70: {  	_ =	shalt  }
0x71: {  	_ =	shalt  }
0x72: {  	_ =	shalt  }
0x73: {  	_ =	shalt  }
0x74: {  	_ =	shalt  }
0x75: {  	_ =	shalt  }
0x76: {  	_ =	shalt  }
0x77: {  	_ =	shalt  }
0x78: {  	_ =	shalt  }
0x79: {  	_ =	shalt  }
0x7a: {  	_ =	shalt  }
0x7b: {  	_ =	shalt  }
0x7c: {  	_ =	shalt  }
0x7d: {  	_ =	shalt  }
0x7e: {  	_ =	shalt  }
0x7f: {  	_ =	shalt  }
0x80: {  	_ =	shalt  }
0x81: {  	_ =	shalt  }
0x82: {  	_ =	shalt  }
0x83: {  	_ =	shalt  }
0x84: {  	_ =	shalt  }
0x85: {  	_ =	shalt  }
0x86: {  	_ =	shalt  }
0x87: {  	_ =	shalt  }
.Lfunc_end0:
.L_simem_size_0:
called_computation_lowered:
.L_overlay_start_0:
0x88: {  	s2 =	sld [smem:$0x3FD9]  }
0x89: {  	s3 =	sld [smem:$0x3FFE];
	_ =	sdelay $0x1  }
0x8a: {  	s1 =	srdreg.scid  }
0x8b: {  	s0 =	sand.u32 $0x1, s1  }
0x8c: {  	s17 =	sshll.u32 s0, $0xA;
	s2 =	sadd.s32 s3, s2  }
0x8d: {  	s2 =	sadd.s32 s2, s17  }
0x8e: {  	[smem:$0x3FC5] =	sst s2  }
0x8f: {  	_ = 	snop  }
0x90: {  	s2 =	sld [smem:$0x3FD0];
	(tm) =	ssettm $0x1  }
0x91: {  	s18 =	sld [smem:$0x3FFB];
	_ =	sdelay $0x3  }
0x92: {  	_ =	strace s18  }
0x93: {  	s3 =	sld [smem:$0x3FFC];
	_ =	sdelay $0x3  }
0x94: {  	_ =	strace s3  }
0x95: {  	s3 =	sld [smem:$0x3FFD];
	_ =	sdelay $0x3  }
0x96: {  	_ =	strace s3  }
0x97: {  	_ =	strace $0x8FFFFFFF  }
0x98: {  	s19 =	sld [smem:$0x3FDB];
	_ =	sdelay $0x1  }
0x99: {  	s4 =	simm.s32 $_scs_section_size  }
0x9a: {  	s5 =	simm.s32 $_size__tile_overlayer_lowered;
	s6 =	simm.s32 $_tile_overlayer_lowered  }
0x9b: {  	s22 =	simm.s32 $0x1BFF;
	s21 =	sshll.u32 s6, $0x1;
	s3 =	sadd.s32 s4, s19  }
0x9c: {  	s7 =	simm.s32 $0x0;
	s20 =	sshll.u32 s5, $0x1;
	s5 =	sadd.s32 s21, s3  }
0x9d: {  	[timem:s7], [sflag:s22] =	dma.local [hbm:s5], s20  }
0x9e: {  	_ =	swait.ge [sflag:s22], s20  }
0x9f: {  	s4 =	ssub.s32 $0x0, s20;
	[sflag:s22] =	ssyncset.done $0x0  }
0xa0: {  	[sflag:s22] =	ssyncadd.s32 s4;
	_ =	sdelay $0x1  }
0xa1: {  	s23 =	simm.s32 $0x1B8B  }
0xa2: {  	_ =	swait.ge [sflag:s23], $0x1  }
0xa3: {  	[sflag:s23] =	ssyncset.done $0x0  }
0xa4: {  	s25 =	simm.s32 $0x1B8E;
	s24 =	sld [smem:$0x3FFE];
	[sflag:s23] =	ssyncadd.s32 $0xFFFFFFFF  }
0xa5: {  	s26 =	simm.s32 $execute0_lowered;
	[smem:$0x3FD2] =	sst s25  }
0xa6: {  	s5 =	sshll.u32 s26, $0x1;
	_ =	strace $0x80000046;
	[dreg:$0x1] =	wrdreg $0xFFFFFFFF  }
0xa7: {  	s28 =	simm.s32 $_size_execute0_lowered;
	s3 =	sadd.s32 s3, s5;
	[dreg:$0x0] =	wrdreg $0x0  }
0xa8: {  	s5 =	sshll.u32 s28, $0x1;
	[dreg:$0x2] =	wrdreg s3  }
0xa9: {  	[dreg:$0x3] =	wrdreg s5  }
0xaa: {  	[dreg:$0x4] =	wrdreg $0xC0  }
0xab: {  	_ =	task [dreg:s7], $0x5FFFF  }
0xac: {  	[dreg:$0x1] =	wrdreg $0xFFFFFFFF  }
0xad: {  	[dreg:$0x0] =	wrdreg $0x60  }
0xae: {  	[dreg:$0x2] =	wrdreg s24  }
0xaf: {  	[dreg:$0x3] =	wrdreg s2  }
0xb0: {  	[dreg:$0x4] =	wrdreg $0x9  }
0xb1: {  	_ =	task.clear_ibuf [dreg:s7], $0x5FFFF;
	_ =	strace $0x90000046  }
0xb2: {  	s29 =	simm.s32 $0x9;
	_ =	strace $0x80000048  }
0xb3: {  	_ =	swait.ge [sflag:s29], $0x1  }
0xb4: {  	[sflag:s29] =	ssyncadd.s32 $0xFFFFFFFF  }
0xb5: {  	_ =	strace $0x90000048  }
0xb6: {  	_ =	sfence  }
0xb7: {  	s30 =	sld [smem:$0x0];
	_ =	sdelay $0x2  }
0xb8: {  	s31 =	sshll.u32 s1, $0xD;
	s1 =	sshrl.u32 s1, $0x2  }
0xb9: {  	s3 =	sand.u32 $0x4000, s31;
	s1 =	sadd.s32 s1, s30  }
0xba: {  	s0 =	sor.u32 s3, s0;
	s1 =	sshll.u32 s1, $0x11  }
0xbb: {  	s0 =	sor.u32 s1, s0  }
0xbc: {  	s0 =	sadd.s32 $0x8F2B, s0  }
0xbd: {  	[sflag:s0] =	ssyncadd.remote.s32 $0x1  }
0xbe: {  	_ =	sfence.sel $0xFFFF  }
0xbf: {  	[dreg:$0x0] =	wrdreg $0xFFFFFFFF;
	(pc) =	sbr.abs _section_cstart, $3  }
0xc0: {  	[dreg:$0x1] =	wrdreg $0xFFFFFFFF  }
0xc1: {  	_ =	task.clear_ibuf [dreg:s7], $0x2FFFF;
	_ =	strace $0x9FFFFFFF  }
0xc2: {  	(tm) =	ssettm $0x7FFFFFFF  }
0xc3: {  	_ =	shalt  }
tec
execute0_lowered:
.L_overlay_start_1:
0x0: {  	(tag) =	ssettag $0x1  }
0x1: {  	s0 =	rddreg [dreg:$0x0];
	s1 =	srdreg.scid  }
0x2: {  	s5 =	rddreg [dreg:$0x1];
	s10 =	stileid.u32  }
0x3: {  	s3 =	simm.s32 $0x0;
	s17 =	simm.s32 $0x1100;
	s6 =	smul.u32 $0x1FE0, s10  }
0x4: {  	s18 =	simm.s32 $0x2;
	s19 =	simm.s32 $0x12100;
	s7 =	smul.u32 $0x1FE00, s10  }
0x5: {  	s28 =	simm.s32 $0x16100;
	s1 =	sand.u32 $0x1, s1;
	s8 =	smul.u32 $0x7F80, s10  }
0x6: {  	s29 =	simm.s32 $0x16180;
	s30 =	simm.s32 $0x16200;
	s2 =	smul.u32 $0xFF0, s1  }
0x7: {  	s31 =	simm.s32 $0x16400;
	[smem:$0x7FF] =	sst s3;
	s4 =	smul.u32 $0xFF00, s1  }
0x8: {  	_ =	strace $0x80000047;
	s9 =	sshll.u32 s1, $0x4;
	s1 =	ssub.s32 $0x2, s1  }
0x9: {  	s9 =	sor.u32 s10, s9;
	s21 =	sshrl.u32 s1, $0x1;
	s6 =	sadd.s32 s2, s6  }
0xa: {  	s7 =	sadd.s32 s4, s7;
	s8 =	sadd.s32 s2, s8;
	s10 =	smul.u32 $0xD, s9  }
0xb: {  	s1 =	ssub.s32 s1, s21;
	s24 =	smul.u32 $0x34, s9;
	s6 =	sshrl.u32 s6, $0x3  }
0xc: {  	s7 =	sshrl.u32 s7, $0x3;
	s8 =	sshrl.u32 s8, $0x3;
	s16 =	smax.u32 s1, $0x1  }
0xd: {  	s1 =	simm.s32 $0x0;
	s6 =	sadd.s32 s6, s0;
	s7 =	sadd.s32 s7, s0  }
0xe: {  	v0 =	vlaneseq.u32;
	s8 =	sadd.s32 s8, s0;
	s0 =	sadd.s32 s10, s0;
	s7 =	sadd.s32 $0x5400, s7  }
0xf: {  	v2 =	vimm.f32 $-1.000000000e+00;
	v1 =	vmul.u32 $0x10, v0;
	s13 =	sadd.s32 s5, s24;
	s6 =	sadd.s32 $0x1400, s6;
	[dreg:$0x3] =	wrdreg s7  }
0x10: {  	vm0 =	vmmov $0xf;
	v18 =	vor.u32 $0x80000000, v0;
	v19 =	vmul.u32 $0xFF0, v0;
	s24 =	simm.s32 $0x1;
	s22 =	sadd.s32 $0x45000, s8;
	[dreg:$0x4] =	wrdreg s6  }
0x11: {  	v3 =	vor.u32 $0x1, v1;
	v4 =	vor.u32 $0x2, v1;
	v5 =	vor.u32 $0x3, v1;
	s23 =	sadd.s32 $0x453FC, s8;
	s25 =	sadd.s32 $0x457F8, s8;
	[dreg:$0x5] =	wrdreg s22  }
0x12: {  	v6 =	vor.u32 $0x4, v1;
	v7 =	vor.u32 $0x5, v1;
	v8 =	vor.u32 $0x6, v1;
	s26 =	sadd.s32 $0x45BF4, s8;
	s11 =	sadd.s32 $0x55000, s0;
	[dreg:$0x6] =	wrdreg s23  }
0x13: {  	v9 =	vor.u32 $0x7, v1;
	v10 =	vor.u32 $0x8, v1;
	v11 =	vor.u32 $0x9, v1;
	s12 =	sadd.s32 $0x55200, s0;
	s14 =	sadd.s32 $0x55400, s0;
	[dreg:$0x7] =	wrdreg s25  }
0x14: {  	v12 =	vor.u32 $0xA, v1;
	v13 =	vor.u32 $0xB, v1;
	v14 =	vor.u32 $0xC, v1;
	s15 =	sadd.s32 $0x55600, s0;
	s0 =	simm.s32 $0x16480;
	[dreg:$0x8] =	wrdreg s26  }
0x15: {  	v15 =	vor.u32 $0xD, v1;
	v16 =	vor.u32 $0xE, v1;
	v17 =	vor.u32 $0xF, v1;
	s23 =	simm.s32 $0x1000;
	s25 =	simm.s32 $0x11000;
	s26 =	simm.s32 $0x12000  }
.LBB2_1:
0x16: {  	s5 =	rddreg [dreg:$0x3]  }
0x17: {  	[tilespmem:s17], [sflag:$0x1] =	stream.linear.gather [hbm4b:s5+s3], $0xFF00, $0x38;
	[tilespmem:$0x16500] =	vst v63  }
0x18: {  	s22 =	rddreg [dreg:$0x4]  }
0x19: {  	[tilespmem:s3], [sflag:$0x2] =	stream.linear.gather [hbm4b:s22+s3], $0xFF0, $0x38;
	[tilespmem:$0x16500] =	vst v63  }
0x1a: {  	_ =	swait.ge [sflag:s18], $0xFF0  }
0x1b: {  	[sflag:s18] =	ssyncset.done $0x0  }
0x1c: {  	[sflag:s18] =	ssyncadd.s32 $0xFFFFF010  }
0x1d: {  	s6 =	rddreg [dreg:$0x5];
	[tilespmem:$0xFF0] =	vst v2  }
0x1e: {  	[tilespmem:s19], [sflag:$0x2] =	stream.linear.gather [hbm4b:s6+s3], $0xFF0, $0x38;
	[tilespmem:$0x16500] =	vst v63  }
0x1f: {  	_ =	swait.ge [sflag:s18], $0xFF0  }
0x20: {  	[sflag:s18] =	ssyncset.done $0x0  }
0x21: {  	s6 =	simm.s32 $0x130F0;
	s7 =	rddreg [dreg:$0x6];
	[sflag:s18] =	ssyncadd.s32 $0xFFFFF010  }
0x22: {  	[tilespmem:s6], [sflag:$0x2] =	stream.linear.gather [hbm4b:s7+s3], $0xFF0, $0x38;
	[tilespmem:$0x16500] =	vst v63  }
0x23: {  	_ =	swait.ge [sflag:s18], $0xFF0  }
0x24: {  	[sflag:s18] =	ssyncset.done $0x0  }
0x25: {  	s9 =	simm.s32 $0x140E0;
	s8 =	rddreg [dreg:$0x7];
	[sflag:s18] =	ssyncadd.s32 $0xFFFFF010  }
0x26: {  	[tilespmem:s9], [sflag:$0x2] =	stream.linear.gather [hbm4b:s8+s3], $0xFF0, $0x38;
	[tilespmem:$0x16500] =	vst v63  }
0x27: {  	v20 =	vmov s3;
	_ =	swait.ge [sflag:s18], $0xFF0  }
0x28: {  	v20 =	vshll.u32 v20, $0x4;
	[sflag:s18] =	ssyncset.done $0x0  }
0x29: {  	s20 =	simm.s32 $0x150D0;
	v20 =	vor.u32 v1, v20;
	s10 =	rddreg [dreg:$0x8];
	[sflag:s18] =	ssyncadd.s32 $0xFFFFF010  }
0x2a: {  	v21 =	vor.u32 $0x1, v20;
	[tilespmem:s20], [sflag:$0x2] =	stream.linear.gather [hbm4b:s10+s3], $0xFF0, $0x38;
	[tilespmem:$0x16500] =	vst v63  }
0x2b: {  	v22 =	vor.u32 $0x2, v20;
	_ =	swait.ge [sflag:s18], $0xFF0  }
0x2c: {  	v23 =	vor.u32 $0x3, v20;
	[sflag:s18] =	ssyncset.done $0x0  }
0x2d: {  	v24 =	vor.u32 $0x4, v20;
	[sflag:s18] =	ssyncadd.s32 $0xFFFFF010  }
0x2e: {  	v26 =	vor.u32 $0x5, v20;
	v25 =	vld.idx.msk [tilespmem:v20+s3+$0x0], $0xffff  }
0x2f: {  	v27 =	vor.u32 $0x6, v20;
	v21 =	vld.idx.msk [tilespmem:v21+s3+$0x0], $0xffff  }
0x30: {  	v28 =	vor.u32 $0x7, v20;
	v22 =	vld.idx.msk [tilespmem:v22+s3+$0x0], $0xffff  }
0x31: {  	v29 =	vor.u32 $0x8, v20;
	v23 =	vld.idx.msk [tilespmem:v23+s3+$0x0], $0xffff  }
0x32: {  	v30 =	vor.u32 $0x9, v20;
	v24 =	vld.idx.msk [tilespmem:v24+s3+$0x0], $0xffff  }
0x33: {  	v31 =	vor.u32 $0xA, v20;
	v26 =	vld.idx.msk [tilespmem:v26+s3+$0x0], $0xffff;
	v25 =	vmax.f32 v25, $-1.000000000e+00  }
0x34: {  	v32 =	vor.u32 $0xB, v20;
	v27 =	vld.idx.msk [tilespmem:v27+s3+$0x0], $0xffff;
	v21 =	vmax.f32 v25, v21  }
0x35: {  	v54 =	vor.u32 $0xC, v20;
	v25 =	vld.idx.msk [tilespmem:v28+s3+$0x0], $0xffff;
	v21 =	vmax.f32 v21, v22  }
0x36: {  	v55 =	vor.u32 $0xD, v20;
	v22 =	vld.idx.msk [tilespmem:v29+s3+$0x0], $0xffff;
	v21 =	vmax.f32 v21, v23  }
0x37: {  	v56 =	vor.u32 $0xE, v20;
	v23 =	vld.idx.msk [tilespmem:v30+s3+$0x0], $0xffff;
	v21 =	vmax.f32 v21, v24  }
0x38: {  	v20 =	vor.u32 $0xF, v20;
	v24 =	vld.idx.msk [tilespmem:v31+s3+$0x0], $0xffff;
	v21 =	vmax.f32 v21, v26  }
0x39: {  	v26 =	vld.idx.msk [tilespmem:v32+s3+$0x0], $0xffff;
	v21 =	vmax.f32 v21, v27  }
0x3a: {  	v27 =	vld.idx.msk [tilespmem:v54+s3+$0x0], $0xffff;
	v21 =	vmax.f32 v21, v25  }
0x3b: {  	v25 =	vld.idx.msk [tilespmem:v55+s3+$0x0], $0xffff;
	v21 =	vmax.f32 v21, v22  }
0x3c: {  	s21 =	simm.s32 $0x10;
	v22 =	vld.idx.msk [tilespmem:v56+s3+$0x0], $0xffff;
	v21 =	vmax.f32 v21, v23  }
0x3d: {  	v20 =	vld.idx.msk [tilespmem:v20+s3+$0x0], $0xffff;
	v23 =	vmov s21;
	v21 =	vmax.f32 v21, v24  }
0x3e: {  	v23 =	vshll.u32 v23, $0x4;
	v21 =	vmax.f32 v21, v26  }
0x3f: {  	v23 =	vor.u32 v1, v23;
	v21 =	vmax.f32 v21, v27  }
0x40: {  	v24 =	vor.u32 $0x1, v23;
	v21 =	vmax.f32 v21, v25  }
0x41: {  	v25 =	vor.u32 $0x2, v23;
	v21 =	vmax.f32 v21, v22  }
0x42: {  	v22 =	vor.u32 $0x3, v23;
	v20 =	vmax.f32 v21, v20  }
0x43: {  	v21 =	vor.u32 $0x4, v23;
	[tilespmem:s23+$0x0] =	vst v20  }
0x44: {  	v26 =	vor.u32 $0x5, v23;
	v20 =	vld.idx.msk [tilespmem:v23+s3+$0x0], $0xffff  }
0x45: {  	v27 =	vor.u32 $0x6, v23;
	v24 =	vld.idx.msk [tilespmem:v24+s3+$0x0], $0xffff  }
0x46: {  	v57 =	vor.u32 $0x7, v23;
	v25 =	vld.idx.msk [tilespmem:v25+s3+$0x0], $0xffff  }
0x47: {  	v58 =	vor.u32 $0x8, v23;
	v22 =	vld.idx.msk [tilespmem:v22+s3+$0x0], $0xffff  }
0x48: {  	v59 =	vor.u32 $0x9, v23;
	v21 =	vld.idx.msk [tilespmem:v21+s3+$0x0], $0xffff  }
0x49: {  	v60 =	vor.u32 $0xA, v23;
	v26 =	vld.idx.msk [tilespmem:v26+s3+$0x0], $0xffff;
	v20 =	vmax.f32 v20, $-1.000000000e+00  }
0x4a: {  	v61 =	vor.u32 $0xB, v23;
	v27 =	vld.idx.msk [tilespmem:v27+s3+$0x0], $0xffff;
	v20 =	vmax.f32 v20, v24  }
0x4b: {  	v62 =	vor.u32 $0xC, v23;
	v24 =	vld.idx.msk [tilespmem:v57+s3+$0x0], $0xffff;
	v20 =	vmax.f32 v20, v25  }
0x4c: {  	v63 =	vor.u32 $0xD, v23;
	v25 =	vld.idx.msk [tilespmem:v58+s3+$0x0], $0xffff;
	v20 =	vmax.f32 v20, v22  }
0x4d: {  	v33 =	vor.u32 $0xE, v23;
	v30 =	vld.idx.msk [tilespmem:v59+s3+$0x0], $0xffff;
	v20 =	vmax.f32 v20, v21  }
0x4e: {  	v34 =	vor.u32 $0xF, v23;
	v31 =	vld.idx.msk [tilespmem:v60+s3+$0x0], $0xffff;
	v21 =	vmax.f32 v20, v26  }
0x4f: {  	v20 =	vld.idx.msk [tilespmem:v61+s3+$0x0], $0xffff;
	v22 =	vmax.f32 v21, v27  }
0x50: {  	v21 =	vld.idx.msk [tilespmem:v62+s3+$0x0], $0xffff;
	v23 =	vmax.f32 v22, v24  }
0x51: {  	v22 =	vld.idx.msk [tilespmem:v63+s3+$0x0], $0xffff;
	v24 =	vmax.f32 v23, v25  }
0x52: {  	s22 =	simm.s32 $0x20;
	v23 =	vld.idx.msk [tilespmem:v33+s3+$0x0], $0xffff;
	v26 =	vmax.f32 v24, v30  }
0x53: {  	s5 =	simm.s32 $0x1000;
	s6 =	simm.s32 $0x30;
	v25 =	vmov s22;
	v24 =	vld.idx.msk [tilespmem:v34+s3+$0x0], $0xffff;
	v26 =	vmax.f32 v26, v31  }
.LBB2_2:
0x54: {  	p0 =	sne.s32 s6, $0xF0;
	v25 =	vshll.u32 v25, $0x4;
	v20 =	vmax.f32 v26, v20  }
0x55: {  	v25 =	vor.u32 v1, v25;
	v20 =	vmax.f32 v20, v21  }
0x56: {  	v21 =	vor.u32 $0x1, v25;
	v20 =	vmax.f32 v20, v22  }
0x57: {  	v22 =	vor.u32 $0x2, v25;
	v20 =	vmax.f32 v20, v23  }
0x58: {  	s5 =	sadd.s32 $0x10, s5;
	v23 =	vor.u32 $0x3, v25;
	v20 =	vmax.f32 v20, v24  }
0x59: {  	v24 =	vor.u32 $0x4, v25;
	[tilespmem:s5+$0x0] =	vst v20  }
0x5a: {  	v26 =	vor.u32 $0x5, v25;
	v20 =	vld.idx.msk [tilespmem:v25+s3+$0x0], $0xffff  }
0x5b: {  	v27 =	vor.u32 $0x6, v25;
	v21 =	vld.idx.msk [tilespmem:v21+s3+$0x0], $0xffff  }
0x5c: {  	v28 =	vor.u32 $0x7, v25;
	v22 =	vld.idx.msk [tilespmem:v22+s3+$0x0], $0xffff  }
0x5d: {  	v29 =	vor.u32 $0x8, v25;
	v23 =	vld.idx.msk [tilespmem:v23+s3+$0x0], $0xffff  }
0x5e: {  	v30 =	vor.u32 $0x9, v25;
	v24 =	vld.idx.msk [tilespmem:v24+s3+$0x0], $0xffff  }
0x5f: {  	v31 =	vor.u32 $0xA, v25;
	v26 =	vld.idx.msk [tilespmem:v26+s3+$0x0], $0xffff  }
0x60: {  	v32 =	vor.u32 $0xB, v25;
	v20 =	vmax.f32 v20, $-1.000000000e+00;
	v27 =	vld.idx.msk [tilespmem:v27+s3+$0x0], $0xffff  }
0x61: {  	v20 =	vmax.f32 v20, v21;
	v21 =	vor.u32 $0xC, v25;
	v28 =	vld.idx.msk [tilespmem:v28+s3+$0x0], $0xffff  }
0x62: {  	v20 =	vmax.f32 v20, v22;
	v22 =	vor.u32 $0xD, v25;
	v29 =	vld.idx.msk [tilespmem:v29+s3+$0x0], $0xffff  }
0x63: {  	v20 =	vmax.f32 v20, v23;
	v23 =	vor.u32 $0xE, v25;
	v30 =	vld.idx.msk [tilespmem:v30+s3+$0x0], $0xffff  }
0x64: {  	v20 =	vmax.f32 v20, v24;
	v24 =	vor.u32 $0xF, v25;
	v31 =	vld.idx.msk [tilespmem:v31+s3+$0x0], $0xffff  }
0x65: {  	v25 =	vmax.f32 v20, v26;
	v20 =	vld.idx.msk [tilespmem:v32+s3+$0x0], $0xffff  }
.Ltmp0:
0x66: {  	v25 =	vmax.f32 v25, v27;
	v21 =	vld.idx.msk [tilespmem:v21+s3+$0x0], $0xffff;
	(pc) =	sbr.rel @p0 .LBB2_2-.Ltmp0, $4  }
0x67: {  	v25 =	vmax.f32 v25, v28;
	v22 =	vld.idx.msk [tilespmem:v22+s3+$0x0], $0xffff  }
0x68: {  	v25 =	vmax.f32 v25, v29;
	v23 =	vld.idx.msk [tilespmem:v23+s3+$0x0], $0xffff  }
0x69: {  	v26 =	vmax.f32 v25, v30;
	v24 =	vld.idx.msk [tilespmem:v24+s3+$0x0], $0xffff  }
0x6a: {  	v25 =	vmov s6;
	s6 =	sadd.s32 $0x10, s6;
	v26 =	vmax.f32 v26, v31  }
0x6b: {  	v25 =	vshll.u32 v25, $0x4;
	v20 =	vmax.f32 v26, v20  }
0x6c: {  	v25 =	vor.u32 v1, v25;
	v20 =	vmax.f32 v20, v21  }
0x6d: {  	v21 =	vor.u32 $0x1, v25;
	v20 =	vmax.f32 v20, v22  }
0x6e: {  	v22 =	vor.u32 $0x2, v25;
	v20 =	vmax.f32 v20, v23  }
0x6f: {  	s5 =	sadd.s32 $0x10, s5;
	v23 =	vor.u32 $0x3, v25;
	v20 =	vmax.f32 v20, v24  }
0x70: {  	v24 =	vor.u32 $0x4, v25;
	[tilespmem:s5+$0x0] =	vst v20  }
0x71: {  	v26 =	vor.u32 $0x5, v25;
	v20 =	vld.idx.msk [tilespmem:v25+s3+$0x0], $0xffff  }
0x72: {  	v27 =	vor.u32 $0x6, v25;
	v21 =	vld.idx.msk [tilespmem:v21+s3+$0x0], $0xffff  }
0x73: {  	v28 =	vor.u32 $0x7, v25;
	v22 =	vld.idx.msk [tilespmem:v22+s3+$0x0], $0xffff  }
0x74: {  	v29 =	vor.u32 $0x8, v25;
	v23 =	vld.idx.msk [tilespmem:v23+s3+$0x0], $0xffff  }
0x75: {  	v30 =	vor.u32 $0x9, v25;
	v24 =	vld.idx.msk [tilespmem:v24+s3+$0x0], $0xffff  }
0x76: {  	v31 =	vor.u32 $0xA, v25;
	v26 =	vld.idx.msk [tilespmem:v26+s3+$0x0], $0xffff;
	v20 =	vmax.f32 v20, $-1.000000000e+00  }
0x77: {  	v32 =	vor.u32 $0xB, v25;
	v27 =	vld.idx.msk [tilespmem:v27+s3+$0x0], $0xffff;
	v20 =	vmax.f32 v20, v21  }
0x78: {  	v21 =	vld.idx.msk [tilespmem:v28+s3+$0x0], $0xffff;
	v28 =	vor.u32 $0xC, v25;
	v20 =	vmax.f32 v20, v22  }
0x79: {  	v22 =	vld.idx.msk [tilespmem:v29+s3+$0x0], $0xffff;
	v29 =	vor.u32 $0xD, v25;
	v20 =	vmax.f32 v20, v23  }
0x7a: {  	v23 =	vld.idx.msk [tilespmem:v30+s3+$0x0], $0xffff;
	v30 =	vor.u32 $0xE, v25;
	v20 =	vmax.f32 v20, v24  }
0x7b: {  	v25 =	vor.u32 $0xF, v25;
	v24 =	vld.idx.msk [tilespmem:v31+s3+$0x0], $0xffff;
	v20 =	vmax.f32 v20, v26  }
0x7c: {  	v26 =	vld.idx.msk [tilespmem:v32+s3+$0x0], $0xffff;
	v20 =	vmax.f32 v20, v27  }
0x7d: {  	v27 =	vld.idx.msk [tilespmem:v28+s3+$0x0], $0xffff;
	v20 =	vmax.f32 v20, v21  }
0x7e: {  	v21 =	vld.idx.msk [tilespmem:v29+s3+$0x0], $0xffff;
	v20 =	vmax.f32 v20, v22  }
0x7f: {  	v22 =	vld.idx.msk [tilespmem:v30+s3+$0x0], $0xffff;
	v20 =	vmax.f32 v20, v23  }
0x80: {  	v23 =	vld.idx.msk [tilespmem:v25+s3+$0x0], $0xffff;
	v20 =	vmax.f32 v20, v24  }
0x81: {  	v20 =	vmax.f32 v20, v26  }
0x82: {  	v20 =	vmax.f32 v20, v27  }
0x83: {  	v20 =	vmax.f32 v20, v21  }
0x84: {  	v20 =	vmax.f32 v20, v22  }
0x85: {  	s5 =	sadd.s32 $0x10, s5;
	v20 =	vmax.f32 v20, v23  }
0x86: {  	[tilespmem:s5+$0x0] =	vst v20  }
0x87: {  	v20 =	vld.idx.msk [tilespmem:v1+s23+$0x0], $0xffff  }
0x88: {  	v21 =	vld.idx.msk [tilespmem:v3+s23+$0x0], $0xffff  }
0x89: {  	v22 =	vld.idx.msk [tilespmem:v4+s23+$0x0], $0xffff  }
0x8a: {  	v23 =	vld.idx.msk [tilespmem:v5+s23+$0x0], $0xffff  }
0x8b: {  	v24 =	vld.idx.msk [tilespmem:v6+s23+$0x0], $0xffff  }
0x8c: {  	v25 =	vld.idx.msk [tilespmem:v7+s23+$0x0], $0xffff  }
0x8d: {  	v26 =	vld.idx.msk [tilespmem:v8+s23+$0x0], $0xffff  }
0x8e: {  	v27 =	vld.idx.msk [tilespmem:v9+s23+$0x0], $0xffff  }
0x8f: {  	v28 =	vld.idx.msk [tilespmem:v10+s23+$0x0], $0xffff  }
0x90: {  	v29 =	vld.idx.msk [tilespmem:v11+s23+$0x0], $0xffff  }
0x91: {  	s20 =	simm.s32 $0x0;
	v30 =	vld.idx.msk [tilespmem:v12+s23+$0x0], $0xffff  }
0x92: {  	v34 =	vmov s20;
	v31 =	vld.idx.msk [tilespmem:v13+s23+$0x0], $0xffff  }
0x93: {  	v35 =	vshll.u32 v34, $0x4;
	v32 =	vld.idx.msk [tilespmem:v14+s23+$0x0], $0xffff  }
0x94: {  	v36 =	vor.u32 v1, v35;
	v33 =	vld.idx.msk [tilespmem:v15+s23+$0x0], $0xffff  }
0x95: {  	v37 =	vor.u32 $0x1, v36;
	v34 =	vld.idx.msk [tilespmem:v16+s23+$0x0], $0xffff  }
0x96: {  	v38 =	vor.u32 $0x2, v36;
	v35 =	vld.idx.msk [tilespmem:v17+s23+$0x0], $0xffff;
	_ =	swait.ge [sflag:s24], $0xFF00  }
0x97: {  	v39 =	vor.u32 $0x3, v36;
	[sflag:s24] =	ssyncset.done $0x0  }
0x98: {  	v40 =	vor.u32 $0x4, v36;
	[sflag:s24] =	ssyncadd.s32 $0xFFFF0100  }
0x99: {  	v42 =	vor.u32 $0x5, v36;
	v41 =	vld.idx.msk [tilespmem:v36+s17+$0x0], $0xffff  }
0x9a: {  	v43 =	vor.u32 $0x6, v36;
	v37 =	vld.idx.msk [tilespmem:v37+s17+$0x0], $0xffff  }
0x9b: {  	v44 =	vor.u32 $0x7, v36;
	v38 =	vld.idx.msk [tilespmem:v38+s17+$0x0], $0xffff  }
0x9c: {  	v45 =	vor.u32 $0x8, v36;
	v39 =	vld.idx.msk [tilespmem:v39+s17+$0x0], $0xffff  }
0x9d: {  	v46 =	vor.u32 $0x9, v36;
	v40 =	vld.idx.msk [tilespmem:v40+s17+$0x0], $0xffff  }
0x9e: {  	v47 =	vor.u32 $0xA, v36;
	v42 =	vld.idx.msk [tilespmem:v42+s17+$0x0], $0xffff;
	v41 =	vmax.f32 v41, $-1.000000000e+00  }
0x9f: {  	v48 =	vor.u32 $0xB, v36;
	v43 =	vld.idx.msk [tilespmem:v43+s17+$0x0], $0xffff;
	v37 =	vmax.f32 v41, v37  }
0xa0: {  	v55 =	vor.u32 $0xC, v36;
	v54 =	vld.idx.msk [tilespmem:v44+s17+$0x0], $0xffff;
	v37 =	vmax.f32 v37, v38  }
0xa1: {  	v57 =	vor.u32 $0xD, v36;
	v56 =	vld.idx.msk [tilespmem:v45+s17+$0x0], $0xffff;
	v37 =	vmax.f32 v37, v39  }
0xa2: {  	v59 =	vor.u32 $0xE, v36;
	v58 =	vld.idx.msk [tilespmem:v46+s17+$0x0], $0xffff;
	v37 =	vmax.f32 v37, v40  }
0xa3: {  	v60 =	vld.idx.msk [tilespmem:v47+s17+$0x0], $0xffff;
	v36 =	vor.u32 $0xF, v36;
	v37 =	vmax.f32 v37, v42  }
0xa4: {  	v61 =	vld.idx.msk [tilespmem:v48+s17+$0x0], $0xffff;
	v37 =	vmax.f32 v37, v43  }
0xa5: {  	v62 =	vld.idx.msk [tilespmem:v55+s17+$0x0], $0xffff;
	v37 =	vmax.f32 v37, v54  }
0xa6: {  	v63 =	vld.idx.msk [tilespmem:v57+s17+$0x0], $0xffff;
	v37 =	vmax.f32 v37, v56  }
0xa7: {  	s21 =	simm.s32 $0x10;
	v44 =	vld.idx.msk [tilespmem:v59+s17+$0x0], $0xffff;
	v37 =	vmax.f32 v37, v58  }
0xa8: {  	v45 =	vmov s21;
	v36 =	vld.idx.msk [tilespmem:v36+s17+$0x0], $0xffff;
	v37 =	vmax.f32 v37, v60  }
0xa9: {  	v39 =	vshll.u32 v45, $0x4;
	v37 =	vmax.f32 v37, v61  }
0xaa: {  	v39 =	vor.u32 v1, v39;
	v37 =	vmax.f32 v37, v62  }
0xab: {  	v46 =	vor.u32 $0x1, v39;
	v37 =	vmax.f32 v37, v63  }
0xac: {  	v47 =	vor.u32 $0x2, v39;
	v37 =	vmax.f32 v37, v44  }
0xad: {  	s20 =	simm.s32 $0x11000;
	v48 =	vor.u32 $0x3, v39;
	v36 =	vmax.f32 v37, v36  }
0xae: {  	v49 =	vor.u32 $0x4, v39;
	[tilespmem:s20+$0x0] =	vst v36  }
0xaf: {  	v50 =	vor.u32 $0x5, v39;
	v36 =	vld.idx.msk [tilespmem:v39+s17+$0x0], $0xffff  }
0xb0: {  	v51 =	vor.u32 $0x6, v39;
	v40 =	vld.idx.msk [tilespmem:v46+s17+$0x0], $0xffff  }
0xb1: {  	v52 =	vor.u32 $0x7, v39;
	v41 =	vld.idx.msk [tilespmem:v47+s17+$0x0], $0xffff  }
0xb2: {  	v53 =	vor.u32 $0x8, v39;
	v38 =	vld.idx.msk [tilespmem:v48+s17+$0x0], $0xffff  }
0xb3: {  	v54 =	vor.u32 $0x9, v39;
	v37 =	vld.idx.msk [tilespmem:v49+s17+$0x0], $0xffff  }
0xb4: {  	v55 =	vor.u32 $0xA, v39;
	v42 =	vld.idx.msk [tilespmem:v50+s17+$0x0], $0xffff;
	v36 =	vmax.f32 v36, $-1.000000000e+00  }
0xb5: {  	v56 =	vor.u32 $0xB, v39;
	v43 =	vld.idx.msk [tilespmem:v51+s17+$0x0], $0xffff;
	v36 =	vmax.f32 v36, v40  }
0xb6: {  	v58 =	vor.u32 $0xC, v39;
	v57 =	vld.idx.msk [tilespmem:v52+s17+$0x0], $0xffff;
	v36 =	vmax.f32 v36, v41  }
0xb7: {  	v60 =	vor.u32 $0xD, v39;
	v59 =	vld.idx.msk [tilespmem:v53+s17+$0x0], $0xffff;
	v36 =	vmax.f32 v36, v38  }
0xb8: {  	v46 =	vld.idx.msk [tilespmem:v54+s17+$0x0], $0xffff;
	v49 =	vor.u32 $0xE, v39;
	v36 =	vmax.f32 v36, v37  }
0xb9: {  	v47 =	vld.idx.msk [tilespmem:v55+s17+$0x0], $0xffff;
	v50 =	vor.u32 $0xF, v39;
	v37 =	vmax.f32 v36, v42  }
0xba: {  	v36 =	vld.idx.msk [tilespmem:v56+s17+$0x0], $0xffff;
	v61 =	vmax.f32 v37, v43  }
0xbb: {  	v37 =	vld.idx.msk [tilespmem:v58+s17+$0x0], $0xffff;
	v62 =	vmax.f32 v61, v57  }
0xbc: {  	v38 =	vld.idx.msk [tilespmem:v60+s17+$0x0], $0xffff;
	v40 =	vmax.f32 v62, v59  }
0xbd: {  	s22 =	simm.s32 $0x20;
	v39 =	vld.idx.msk [tilespmem:v49+s17+$0x0], $0xffff;
	v63 =	vmax.f32 v40, v46  }
0xbe: {  	s5 =	simm.s32 $0x30;
	v41 =	vmov s22;
	v40 =	vld.idx.msk [tilespmem:v50+s17+$0x0], $0xffff;
	v42 =	vmax.f32 v63, v47  }
.LBB2_4:
0xbf: {  	p0 =	sne.s32 s5, $0xFE0;
	v41 =	vshll.u32 v41, $0x4;
	v36 =	vmax.f32 v42, v36  }
0xc0: {  	v41 =	vor.u32 v1, v41;
	v36 =	vmax.f32 v36, v37  }
0xc1: {  	v37 =	vor.u32 $0x1, v41;
	v36 =	vmax.f32 v36, v38  }
0xc2: {  	v38 =	vor.u32 $0x2, v41;
	v36 =	vmax.f32 v36, v39  }
0xc3: {  	s20 =	sadd.s32 $0x10, s20;
	v39 =	vor.u32 $0x3, v41;
	v36 =	vmax.f32 v36, v40  }
0xc4: {  	v40 =	vor.u32 $0x4, v41;
	[tilespmem:s20+$0x0] =	vst v36  }
0xc5: {  	v42 =	vor.u32 $0x5, v41;
	v36 =	vld.idx.msk [tilespmem:v41+s17+$0x0], $0xffff  }
0xc6: {  	v43 =	vor.u32 $0x6, v41;
	v37 =	vld.idx.msk [tilespmem:v37+s17+$0x0], $0xffff  }
0xc7: {  	v44 =	vor.u32 $0x7, v41;
	v38 =	vld.idx.msk [tilespmem:v38+s17+$0x0], $0xffff  }
0xc8: {  	v45 =	vor.u32 $0x8, v41;
	v39 =	vld.idx.msk [tilespmem:v39+s17+$0x0], $0xffff  }
0xc9: {  	v46 =	vor.u32 $0x9, v41;
	v40 =	vld.idx.msk [tilespmem:v40+s17+$0x0], $0xffff  }
0xca: {  	v47 =	vor.u32 $0xA, v41;
	v42 =	vld.idx.msk [tilespmem:v42+s17+$0x0], $0xffff  }
0xcb: {  	v48 =	vor.u32 $0xB, v41;
	v36 =	vmax.f32 v36, $-1.000000000e+00;
	v43 =	vld.idx.msk [tilespmem:v43+s17+$0x0], $0xffff  }
0xcc: {  	v36 =	vmax.f32 v36, v37;
	v37 =	vor.u32 $0xC, v41;
	v44 =	vld.idx.msk [tilespmem:v44+s17+$0x0], $0xffff  }
0xcd: {  	v36 =	vmax.f32 v36, v38;
	v38 =	vor.u32 $0xD, v41;
	v45 =	vld.idx.msk [tilespmem:v45+s17+$0x0], $0xffff  }
0xce: {  	v36 =	vmax.f32 v36, v39;
	v39 =	vor.u32 $0xE, v41;
	v46 =	vld.idx.msk [tilespmem:v46+s17+$0x0], $0xffff  }
0xcf: {  	v36 =	vmax.f32 v36, v40;
	v40 =	vor.u32 $0xF, v41;
	v47 =	vld.idx.msk [tilespmem:v47+s17+$0x0], $0xffff  }
0xd0: {  	v41 =	vmax.f32 v36, v42;
	v36 =	vld.idx.msk [tilespmem:v48+s17+$0x0], $0xffff  }
.Ltmp1:
0xd1: {  	v41 =	vmax.f32 v41, v43;
	v37 =	vld.idx.msk [tilespmem:v37+s17+$0x0], $0xffff;
	(pc) =	sbr.rel @p0 .LBB2_4-.Ltmp1, $4  }
0xd2: {  	v41 =	vmax.f32 v41, v44;
	v38 =	vld.idx.msk [tilespmem:v38+s17+$0x0], $0xffff  }
0xd3: {  	v41 =	vmax.f32 v41, v45;
	v39 =	vld.idx.msk [tilespmem:v39+s17+$0x0], $0xffff  }
0xd4: {  	v42 =	vmax.f32 v41, v46;
	v40 =	vld.idx.msk [tilespmem:v40+s17+$0x0], $0xffff  }
0xd5: {  	v41 =	vmov s5;
	s5 =	sadd.s32 $0x10, s5;
	v42 =	vmax.f32 v42, v47  }
0xd6: {  	v41 =	vshll.u32 v41, $0x4;
	v36 =	vmax.f32 v42, v36  }
0xd7: {  	v41 =	vor.u32 v1, v41;
	v36 =	vmax.f32 v36, v37  }
0xd8: {  	v53 =	vor.u32 $0x1, v41;
	v36 =	vmax.f32 v36, v38  }
0xd9: {  	v54 =	vor.u32 $0x2, v41;
	v36 =	vmax.f32 v36, v39  }
0xda: {  	s5 =	sadd.s32 $0x10, s20;
	v55 =	vor.u32 $0x3, v41;
	v36 =	vmax.f32 v36, v40  }
0xdb: {  	v56 =	vor.u32 $0x4, v41;
	[tilespmem:s5+$0x0] =	vst v36  }
0xdc: {  	v57 =	vor.u32 $0x5, v41;
	v36 =	vld.idx.msk [tilespmem:v41+s17+$0x0], $0xffff  }
0xdd: {  	v43 =	vor.u32 $0x6, v41;
	v37 =	vld.idx.msk [tilespmem:v53+s17+$0x0], $0xffff  }
0xde: {  	v44 =	vor.u32 $0x7, v41;
	v38 =	vld.idx.msk [tilespmem:v54+s17+$0x0], $0xffff  }
0xdf: {  	v45 =	vor.u32 $0x8, v41;
	v39 =	vld.idx.msk [tilespmem:v55+s17+$0x0], $0xffff  }
0xe0: {  	v46 =	vor.u32 $0x9, v41;
	v40 =	vld.idx.msk [tilespmem:v56+s17+$0x0], $0xffff  }
0xe1: {  	v47 =	vor.u32 $0xA, v41;
	v42 =	vld.idx.msk [tilespmem:v57+s17+$0x0], $0xffff;
	v36 =	vmax.f32 v36, $-1.000000000e+00  }
0xe2: {  	v48 =	vor.u32 $0xB, v41;
	v43 =	vld.idx.msk [tilespmem:v43+s17+$0x0], $0xffff;
	v36 =	vmax.f32 v36, v37  }
0xe3: {  	v59 =	vor.u32 $0xC, v41;
	v58 =	vld.idx.msk [tilespmem:v44+s17+$0x0], $0xffff;
	v36 =	vmax.f32 v36, v38  }
0xe4: {  	v61 =	vor.u32 $0xD, v41;
	v60 =	vld.idx.msk [tilespmem:v45+s17+$0x0], $0xffff;
	v36 =	vmax.f32 v36, v39  }
0xe5: {  	v63 =	vor.u32 $0xE, v41;
	v62 =	vld.idx.msk [tilespmem:v46+s17+$0x0], $0xffff;
	v36 =	vmax.f32 v36, v40  }
0xe6: {  	v41 =	vor.u32 $0xF, v41;
	v49 =	vld.idx.msk [tilespmem:v47+s17+$0x0], $0xffff;
	v36 =	vmax.f32 v36, v42  }
0xe7: {  	v50 =	vld.idx.msk [tilespmem:v48+s17+$0x0], $0xffff;
	v36 =	vmax.f32 v36, v43  }
0xe8: {  	v51 =	vld.idx.msk [tilespmem:v59+s17+$0x0], $0xffff;
	v36 =	vmax.f32 v36, v58  }
0xe9: {  	v52 =	vld.idx.msk [tilespmem:v61+s17+$0x0], $0xffff;
	v36 =	vmax.f32 v36, v60  }
0xea: {  	v53 =	vld.idx.msk [tilespmem:v63+s17+$0x0], $0xffff;
	v36 =	vmax.f32 v36, v62  }
0xeb: {  	s6 =	simm.s32 $0x0;
	v54 =	vld.idx.msk [tilespmem:v41+s17+$0x0], $0xffff;
	v36 =	vmax.f32 v36, v49  }
0xec: {  	v55 =	vmov s6;
	v36 =	vmax.f32 v36, v50  }
0xed: {  	v40 =	vshll.u32 v55, $0x4;
	v36 =	vmax.f32 v36, v51  }
0xee: {  	v37 =	vor.u32 v1, v40;
	v36 =	vmax.f32 v36, v52  }
0xef: {  	v56 =	vor.u32 $0x1, v37;
	v36 =	vmax.f32 v36, v53  }
0xf0: {  	s5 =	sadd.s32 $0x10, s5;
	v57 =	vor.u32 $0x2, v37;
	v36 =	vmax.f32 v36, v54  }
0xf1: {  	v58 =	vor.u32 $0x3, v37;
	[tilespmem:s5+$0x0] =	vst v36  }
0xf2: {  	v40 =	vor.u32 $0x4, v37;
	[tilespmem:$0x11FF0] =	vst v2  }
0xf3: {  	v60 =	vor.u32 $0x5, v37;
	v59 =	vld.idx.msk [tilespmem:v37+s25+$0x0], $0xffff  }
0xf4: {  	v61 =	vor.u32 $0x6, v37;
	v38 =	vld.idx.msk [tilespmem:v56+s25+$0x0], $0xffff  }
0xf5: {  	v62 =	vor.u32 $0x7, v37;
	v39 =	vld.idx.msk [tilespmem:v57+s25+$0x0], $0xffff  }
0xf6: {  	v63 =	vor.u32 $0x8, v37;
	v36 =	vld.idx.msk [tilespmem:v58+s25+$0x0], $0xffff  }
0xf7: {  	v52 =	vor.u32 $0x9, v37;
	v40 =	vld.idx.msk [tilespmem:v40+s25+$0x0], $0xffff  }
0xf8: {  	v53 =	vor.u32 $0xA, v37;
	v42 =	vld.idx.msk [tilespmem:v60+s25+$0x0], $0xffff;
	v41 =	vmax.f32 v59, $-1.000000000e+00  }
0xf9: {  	v54 =	vor.u32 $0xB, v37;
	v43 =	vld.idx.msk [tilespmem:v61+s25+$0x0], $0xffff;
	v38 =	vmax.f32 v41, v38  }
0xfa: {  	v55 =	vld.idx.msk [tilespmem:v62+s25+$0x0], $0xffff;
	v56 =	vor.u32 $0xC, v37;
	v38 =	vmax.f32 v38, v39  }
0xfb: {  	v57 =	vld.idx.msk [tilespmem:v63+s25+$0x0], $0xffff;
	v58 =	vor.u32 $0xD, v37;
	v36 =	vmax.f32 v38, v36  }
0xfc: {  	v60 =	vor.u32 $0xE, v37;
	v59 =	vld.idx.msk [tilespmem:v52+s25+$0x0], $0xffff;
	v36 =	vmax.f32 v36, v40  }
0xfd: {  	v37 =	vor.u32 $0xF, v37;
	v61 =	vld.idx.msk [tilespmem:v53+s25+$0x0], $0xffff;
	v36 =	vmax.f32 v36, v42  }
0xfe: {  	v62 =	vld.idx.msk [tilespmem:v54+s25+$0x0], $0xffff;
	v36 =	vmax.f32 v36, v43  }
0xff: {  	v63 =	vld.idx.msk [tilespmem:v56+s25+$0x0], $0xffff;
	v36 =	vmax.f32 v36, v55  }
0x100: {  	v45 =	vld.idx.msk [tilespmem:v58+s25+$0x0], $0xffff;
	v36 =	vmax.f32 v36, v57  }
0x101: {  	s21 =	simm.s32 $0x10;
	v47 =	vld.idx.msk [tilespmem:v60+s25+$0x0], $0xffff;
	v36 =	vmax.f32 v36, v59  }
0x102: {  	v48 =	vmov s21;
	v37 =	vld.idx.msk [tilespmem:v37+s25+$0x0], $0xffff;
	v36 =	vmax.f32 v36, v61  }
0x103: {  	v38 =	vshll.u32 v48, $0x4;
	v36 =	vmax.f32 v36, v62  }
0x104: {  	v38 =	vor.u32 v1, v38;
	v36 =	vmax.f32 v36, v63  }
0x105: {  	v49 =	vor.u32 $0x1, v38;
	v36 =	vmax.f32 v36, v45  }
0x106: {  	v50 =	vor.u32 $0x2, v38;
	v36 =	vmax.f32 v36, v47  }
0x107: {  	s20 =	simm.s32 $0x12000;
	v51 =	vor.u32 $0x3, v38;
	v36 =	vmax.f32 v36, v37  }
0x108: {  	v52 =	vor.u32 $0x4, v38;
	[tilespmem:s20+$0x0] =	vst v36  }
0x109: {  	v53 =	vor.u32 $0x5, v38;
	v36 =	vld.idx.msk [tilespmem:v38+s25+$0x0], $0xffff  }
0x10a: {  	v54 =	vor.u32 $0x6, v38;
	v40 =	vld.idx.msk [tilespmem:v49+s25+$0x0], $0xffff  }
0x10b: {  	v55 =	vor.u32 $0x7, v38;
	v41 =	vld.idx.msk [tilespmem:v50+s25+$0x0], $0xffff  }
0x10c: {  	v56 =	vor.u32 $0x8, v38;
	v39 =	vld.idx.msk [tilespmem:v51+s25+$0x0], $0xffff  }
0x10d: {  	v57 =	vor.u32 $0x9, v38;
	v37 =	vld.idx.msk [tilespmem:v52+s25+$0x0], $0xffff  }
0x10e: {  	v58 =	vor.u32 $0xA, v38;
	v42 =	vld.idx.msk [tilespmem:v53+s25+$0x0], $0xffff;
	v36 =	vmax.f32 v36, $-1.000000000e+00  }
0x10f: {  	v59 =	vor.u32 $0xB, v38;
	v43 =	vld.idx.msk [tilespmem:v54+s25+$0x0], $0xffff;
	v36 =	vmax.f32 v36, v40  }
0x110: {  	v44 =	vld.idx.msk [tilespmem:v55+s25+$0x0], $0xffff;
	v49 =	vor.u32 $0xC, v38;
	v36 =	vmax.f32 v36, v41  }
0x111: {  	v61 =	vor.u32 $0xD, v38;
	v60 =	vld.idx.msk [tilespmem:v56+s25+$0x0], $0xffff;
	v36 =	vmax.f32 v36, v39  }
0x112: {  	v62 =	vor.u32 $0xE, v38;
	v46 =	vld.idx.msk [tilespmem:v57+s25+$0x0], $0xffff;
	v36 =	vmax.f32 v36, v37  }
0x113: {  	v47 =	vld.idx.msk [tilespmem:v58+s25+$0x0], $0xffff;
	v50 =	vor.u32 $0xF, v38;
	v36 =	vmax.f32 v36, v42  }
0x114: {  	v40 =	vld.idx.msk [tilespmem:v59+s25+$0x0], $0xffff;
	v36 =	vmax.f32 v36, v43  }
0x115: {  	v37 =	vld.idx.msk [tilespmem:v49+s25+$0x0], $0xffff;
	v36 =	vmax.f32 v36, v44  }
0x116: {  	v38 =	vld.idx.msk [tilespmem:v61+s25+$0x0], $0xffff;
	v36 =	vmax.f32 v36, v60  }
0x117: {  	s22 =	simm.s32 $0x20;
	v39 =	vld.idx.msk [tilespmem:v62+s25+$0x0], $0xffff;
	v63 =	vmax.f32 v36, v46  }
0x118: {  	s5 =	simm.s32 $0x30;
	v41 =	vmov s22;
	v36 =	vld.idx.msk [tilespmem:v50+s25+$0x0], $0xffff;
	v42 =	vmax.f32 v63, v47  }
.LBB2_6:
0x119: {  	p0 =	sne.s32 s5, $0xF0;
	v41 =	vshll.u32 v41, $0x4;
	v40 =	vmax.f32 v42, v40  }
0x11a: {  	v41 =	vor.u32 v1, v41;
	v37 =	vmax.f32 v40, v37  }
0x11b: {  	v40 =	vor.u32 $0x1, v41;
	v37 =	vmax.f32 v37, v38  }
0x11c: {  	v38 =	vor.u32 $0x2, v41;
	v37 =	vmax.f32 v37, v39  }
0x11d: {  	s20 =	sadd.s32 $0x10, s20;
	v39 =	vor.u32 $0x3, v41;
	v36 =	vmax.f32 v37, v36  }
0x11e: {  	v37 =	vor.u32 $0x4, v41;
	[tilespmem:s20+$0x0] =	vst v36  }
0x11f: {  	v42 =	vor.u32 $0x5, v41;
	v36 =	vld.idx.msk [tilespmem:v41+s25+$0x0], $0xffff  }
0x120: {  	v43 =	vor.u32 $0x6, v41;
	v40 =	vld.idx.msk [tilespmem:v40+s25+$0x0], $0xffff  }
0x121: {  	v44 =	vor.u32 $0x7, v41;
	v38 =	vld.idx.msk [tilespmem:v38+s25+$0x0], $0xffff  }
0x122: {  	v45 =	vor.u32 $0x8, v41;
	v39 =	vld.idx.msk [tilespmem:v39+s25+$0x0], $0xffff  }
0x123: {  	v46 =	vor.u32 $0x9, v41;
	v37 =	vld.idx.msk [tilespmem:v37+s25+$0x0], $0xffff  }
0x124: {  	v47 =	vor.u32 $0xA, v41;
	v42 =	vld.idx.msk [tilespmem:v42+s25+$0x0], $0xffff  }
0x125: {  	v48 =	vor.u32 $0xB, v41;
	v36 =	vmax.f32 v36, $-1.000000000e+00;
	v43 =	vld.idx.msk [tilespmem:v43+s25+$0x0], $0xffff  }
0x126: {  	v49 =	vor.u32 $0xC, v41;
	v36 =	vmax.f32 v36, v40;
	v44 =	vld.idx.msk [tilespmem:v44+s25+$0x0], $0xffff  }
0x127: {  	v36 =	vmax.f32 v36, v38;
	v38 =	vor.u32 $0xD, v41;
	v45 =	vld.idx.msk [tilespmem:v45+s25+$0x0], $0xffff  }
0x128: {  	v36 =	vmax.f32 v36, v39;
	v39 =	vor.u32 $0xE, v41;
	v46 =	vld.idx.msk [tilespmem:v46+s25+$0x0], $0xffff  }
0x129: {  	v41 =	vor.u32 $0xF, v41;
	v36 =	vmax.f32 v36, v37;
	v47 =	vld.idx.msk [tilespmem:v47+s25+$0x0], $0xffff  }
0x12a: {  	v36 =	vmax.f32 v36, v42;
	v40 =	vld.idx.msk [tilespmem:v48+s25+$0x0], $0xffff  }
.Ltmp2:
0x12b: {  	v36 =	vmax.f32 v36, v43;
	v37 =	vld.idx.msk [tilespmem:v49+s25+$0x0], $0xffff;
	(pc) =	sbr.rel @p0 .LBB2_6-.Ltmp2, $4  }
0x12c: {  	v36 =	vmax.f32 v36, v44;
	v38 =	vld.idx.msk [tilespmem:v38+s25+$0x0], $0xffff  }
0x12d: {  	v36 =	vmax.f32 v36, v45;
	v39 =	vld.idx.msk [tilespmem:v39+s25+$0x0], $0xffff  }
0x12e: {  	v42 =	vmax.f32 v36, v46;
	v36 =	vld.idx.msk [tilespmem:v41+s25+$0x0], $0xffff  }
0x12f: {  	v41 =	vmov s5;
	s5 =	sadd.s32 $0x10, s5;
	v42 =	vmax.f32 v42, v47  }
0x130: {  	v20 =	vmax.f32 v20, $-1.000000000e+00  }
0x131: {  	v20 =	vmax.f32 v20, v21  }
0x132: {  	v20 =	vmax.f32 v20, v22  }
0x133: {  	v20 =	vmax.f32 v20, v23  }
0x134: {  	v20 =	vmax.f32 v20, v24  }
0x135: {  	v20 =	vmax.f32 v20, v25  }
0x136: {  	v20 =	vmax.f32 v20, v26  }
0x137: {  	v20 =	vmax.f32 v20, v27  }
0x138: {  	v20 =	vmax.f32 v20, v28  }
0x139: {  	v20 =	vmax.f32 v20, v29  }
0x13a: {  	v20 =	vmax.f32 v20, v30  }
0x13b: {  	v20 =	vmax.f32 v20, v31  }
0x13c: {  	v20 =	vmax.f32 v20, v32  }
0x13d: {  	v20 =	vmax.f32 v20, v33  }
0x13e: {  	v20 =	vmax.f32 v20, v34  }
0x13f: {  	v21 =	vmax.f32 v20, v35  }
0x140: {  	(xrf0) =	vmax.scan.msk.f32 $0xffff, v21;
	_ =	sdelay $0x5  }
0x141: {  	v20, _, _ =	vpop (xrf0)  }
0x142: {  	v23 =	vshll.u32 v41, $0x4;
	v24 =	vmax.f32 v42, v40;
	v22 =	vbroadcast v20, $0xF  }
0x143: {  	v20 =	vor.u32 v1, v23;
	v23 =	vmax.f32 v24, v37  }
0x144: {  	v24 =	vor.u32 $0x1, v20;
	v23 =	vmax.f32 v23, v38;
	vm1 =	veq.f32 v21, v22  }
0x145: {  	v25 =	vor.u32 $0x2, v20;
	v23 =	vmax.f32 v23, v39;
	v26 =	vnsel vm1, $0x80000010, v18  }
0x146: {  	s5 =	sadd.s32 $0x10, s20;
	v27 =	vor.u32 $0x3, v20;
	v23 =	vmax.f32 v23, v36;
	(xrf0) =	vmin.scan.msk.u32 $0xffff, v26  }
0x147: {  	v26 =	vor.u32 $0x4, v20;
	[tilespmem:s5+$0x0] =	vst v23  }
0x148: {  	v63 =	vor.u32 $0x5, v20;
	v23 =	vld.idx.msk [tilespmem:v20+s25+$0x0], $0xffff  }
0x149: {  	v36 =	vor.u32 $0x6, v20;
	v24 =	vld.idx.msk [tilespmem:v24+s25+$0x0], $0xffff  }
0x14a: {  	v37 =	vor.u32 $0x7, v20;
	v25 =	vld.idx.msk [tilespmem:v25+s25+$0x0], $0xffff  }
0x14b: {  	v38 =	vor.u32 $0x8, v20;
	v27 =	vld.idx.msk [tilespmem:v27+s25+$0x0], $0xffff  }
0x14c: {  	v39 =	vor.u32 $0x9, v20;
	v26 =	vld.idx.msk [tilespmem:v26+s25+$0x0], $0xffff;
	v40, _, _ =	vpop (xrf0)  }
0x14d: {  	v41 =	vor.u32 $0xA, v20;
	v28 =	vld.idx.msk [tilespmem:v63+s25+$0x0], $0xffff;
	v23 =	vmax.f32 v23, $-1.000000000e+00;
	(v2sf) =	vpush v40, $0xF  }
0x14e: {  	v42 =	vor.u32 $0xB, v20;
	v29 =	vld.idx.msk [tilespmem:v36+s25+$0x0], $0xffff;
	v23 =	vmax.f32 v23, v24  }
0x14f: {  	v43 =	vor.u32 $0xC, v20;
	v24 =	vld.idx.msk [tilespmem:v37+s25+$0x0], $0xffff;
	v23 =	vmax.f32 v23, v25  }
0x150: {  	v44 =	vor.u32 $0xD, v20;
	v25 =	vld.idx.msk [tilespmem:v38+s25+$0x0], $0xffff;
	v23 =	vmax.f32 v23, v27  }
0x151: {  	v45 =	vor.u32 $0xE, v20;
	v27 =	vld.idx.msk [tilespmem:v39+s25+$0x0], $0xffff;
	v23 =	vmax.f32 v23, v26  }
0x152: {  	v20 =	vor.u32 $0xF, v20;
	v26 =	vld.idx.msk [tilespmem:v41+s25+$0x0], $0xffff;
	v23 =	vmax.f32 v23, v28  }
0x153: {  	v46 =	vld.idx.msk [tilespmem:v42+s25+$0x0], $0xffff;
	v23 =	vmax.f32 v23, v29  }
0x154: {  	v47 =	vld.idx.msk [tilespmem:v43+s25+$0x0], $0xffff;
	v23 =	vmax.f32 v23, v24  }
0x155: {  	v24 =	vld.idx.msk [tilespmem:v44+s25+$0x0], $0xffff;
	v23 =	vmax.f32 v23, v25  }
0x156: {  	v25 =	vld.idx.msk [tilespmem:v45+s25+$0x0], $0xffff;
	v23 =	vmax.f32 v23, v27  }
0x157: {  	v20 =	vld.idx.msk [tilespmem:v20+s25+$0x0], $0xffff;
	v23 =	vmax.f32 v23, v26  }
0x158: {  	v23 =	vmax.f32 v23, v46  }
0x159: {  	v23 =	vmax.f32 v23, v47  }
0x15a: {  	v23 =	vmax.f32 v23, v24  }
0x15b: {  	v23 =	vmax.f32 v23, v25  }
0x15c: {  	s5 =	sadd.s32 $0x10, s5;
	v20 =	vmax.f32 v23, v20;
	s6 =	spop (v2sf)  }
0x15d: {  	[tilespmem:s5+$0x0] =	vst v20;
	s21 =	sshll.u32 s6, $0x4  }
0x15e: {  	v23 =	vld [tilespmem:s21+$0x1000];
	_ =	sdelay $0x4  }
0x15f: {  	vm1 =	veq.f32 v23, v22  }
0x160: {  	v20 =	vnsel vm1, $0x80000010, v18  }
0x161: {  	(xrf0) =	vmin.scan.msk.u32 $0xffff, v20;
	_ =	sdelay $0x5  }
0x162: {  	v20, _, _ =	vpop (xrf0)  }
0x163: {  	(v2sf) =	vpush v20, $0xF;
	_ =	sdelay $0x2  }
0x164: {  	v24 =	vld.idx.msk [tilespmem:v3+s26+$0x0], $0xffff  }
0x165: {  	v20 =	vld.idx.msk [tilespmem:v1+s26+$0x0], $0xffff  }
0x166: {  	v25 =	vld.idx.msk [tilespmem:v4+s26+$0x0], $0xffff  }
0x167: {  	v26 =	vld.idx.msk [tilespmem:v5+s26+$0x0], $0xffff  }
0x168: {  	v27 =	vld.idx.msk [tilespmem:v6+s26+$0x0], $0xffff  }
0x169: {  	v48 =	vld.idx.msk [tilespmem:v7+s26+$0x0], $0xffff  }
0x16a: {  	v49 =	vld.idx.msk [tilespmem:v8+s26+$0x0], $0xffff;
	v20 =	vmax.f32 v20, $-1.000000000e+00  }
0x16b: {  	v50 =	vld.idx.msk [tilespmem:v13+s26+$0x0], $0xffff;
	v20 =	vmax.f32 v20, v24  }
0x16c: {  	v24 =	vld.idx.msk [tilespmem:v9+s26+$0x0], $0xffff;
	v20 =	vmax.f32 v20, v25  }
0x16d: {  	v25 =	vld.idx.msk [tilespmem:v10+s26+$0x0], $0xffff;
	v20 =	vmax.f32 v20, v26  }
0x16e: {  	v26 =	vld.idx.msk [tilespmem:v11+s26+$0x0], $0xffff;
	v20 =	vmax.f32 v20, v27  }
0x16f: {  	v27 =	vld.idx.msk [tilespmem:v12+s26+$0x0], $0xffff;
	v20 =	vmax.f32 v20, v48  }
0x170: {  	v51 =	vld.idx.msk [tilespmem:v14+s26+$0x0], $0xffff;
	v20 =	vmax.f32 v20, v49;
	s22 =	spop (v2sf)  }
0x171: {  	v20 =	vmax.f32 v20, v24;
	v24 =	vld.idx.msk [tilespmem:v15+s26+$0x0], $0xffff;
	s5 =	sadd.s32 s22, s21  }
0x172: {  	v20 =	vmax.f32 v20, v25;
	v25 =	vld.idx.msk [tilespmem:v16+s26+$0x0], $0xffff;
	s5 =	sadd.s32 $0x80000000, s5  }
0x173: {  	v20 =	vmax.f32 v20, v26;
	v26 =	vld.idx.msk [tilespmem:v17+s26+$0x0], $0xffff;
	s7 =	sshll.u32 s5, $0x4  }
0x174: {  	v20 =	vmax.f32 v20, v27;
	v27 =	vld [tilespmem:s7+$0x0]  }
0x175: {  	v20 =	vmax.f32 v20, v50  }
0x176: {  	v20 =	vmax.f32 v20, v51  }
0x177: {  	v20 =	vmax.f32 v20, v24  }
0x178: {  	v20 =	vmax.f32 v20, v25  }
0x179: {  	v20 =	vmax.f32 v20, v26;
	vm1 =	veq.f32 v27, v22  }
0x17a: {  	(xrf0) =	vmax.scan.msk.f32 $0xffff, v20;
	v24 =	vnsel vm1, $0x80000010, v18  }
0x17b: {  	(xrf0) =	vmin.scan.msk.u32 $0xffff, v24;
	_ =	sdelay $0x4  }
0x17c: {  	v24, _, _ =	vpop (xrf0)  }
0x17d: {  	v25, _, _ =	vpop (xrf0)  }
0x17e: {  	(v2sf) =	vpush v25, $0xF;
	_ =	sdelay $0x3  }
0x17f: {  	v24 =	vbroadcast v24, $0xF;
	_ =	sdelay $0x1  }
0x180: {  	vm1 =	veq.f32 v20, v24  }
0x181: {  	v25 =	vnsel vm1, $0x80000010, v18  }
0x182: {  	(xrf0) =	vmin.scan.msk.u32 $0xffff, v25;
	_ =	sdelay $0x5  }
0x183: {  	v25, _, _ =	vpop (xrf0)  }
0x184: {  	s8 =	spop (v2sf);
	(v2sf) =	vpush v25, $0xF  }
0x185: {  	s20 =	simm.s32 $0x0;
	s8 =	sxor.u32 $0x80000000, s8  }
0x186: {  	v25 =	vmov s20;
	s21 =	sadd.s32 s8, s7  }
0x187: {  	v26 =	vmov s8;
	v52 =	vadd.s32 s21, v19  }
0x188: {  	s6 =	sand.u32 $0xF, s22;
	vm1 =	veq.s32 v26, v0;
	v26 =	vnsel vm0, $0x0, v52  }
0x189: {  	p1 =	sne.s32 s6, $0x0;
	v22 =	vadd.f32 $0.0e+00, v22;
	v27 =	vsel vm1, $0xBF800000, v27  }
0x18a: {  	p0 =	slt.s32 s5, $0x1;
	s9 =	sshra.s32 s5, $0x1F;
	s10 =	sadd.s32 s2, s21;
	(xrf0) =	vmax.scan.msk.f32 $0xffff, v27  }
0x18b: {  	p0 =	por !p1, !p0;
	s6 =	sshrl.u32 s9, $0x1C;
	v53 =	vmov s10;
	[tilespmem:v25+s28+$0x0] =	vst.idx.msk $0x1, v22  }
0x18c: {  	p0 =	por !p0, !p0;
	s6 =	sadd.s32 s6, s5;
	s8 =	simm.s32 $0x1;
	[tilespmem:v25+s29+$0x0] =	vst.idx.msk $0x1, v53  }
0x18d: {  	s6 =	sshra.s32 s6, $0x4;
	s8 =	simm.s32 @!p0 $0x0;
	v22 =	vld.idx.msk [tilespmem:v26+s19+$0x0], $0xffff;
	v26 =	vadd.s32 s20, v0  }
0x18e: {  	s6 =	ssub.s32 s6, s8  }
0x18f: {  	s8 =	sshll.u32 s6, $0x4  }
0x190: {  	s5 =	ssub.s32 s5, s8;
	v54, _, _ =	vpop (xrf0)  }
0x191: {  	v55 =	vmov s5;
	v28 =	vbroadcast v54, $0xF  }
0x192: {  	vm1 =	veq.s32 v55, v0;
	[tilespmem:v26+s30+$0x0] =	vst.idx.msk $0xf, v22  }
0x193: {  	v22 =	vsel vm1, v28, v23;
	[tilespmem:s7+$0x0] =	vst v27;
	s21 =	spop (v2sf)  }
0x194: {  	[tilespmem:s8+$0x1000] =	vst v22;
	s5 =	sshll.u32 s21, $0x4  }
0x195: {  	v23 =	vld [tilespmem:s5+$0x12000];
	_ =	sdelay $0x4  }
0x196: {  	vm1 =	veq.f32 v23, v24  }
0x197: {  	(xrf0) =	vmax.scan.msk.f32 $0xffff, v22;
	v22 =	vnsel vm1, $0x80000010, v18  }
0x198: {  	(xrf0) =	vmin.scan.msk.u32 $0xffff, v22;
	_ =	sdelay $0x4  }
0x199: {  	v22, _, _ =	vpop (xrf0)  }
0x19a: {  	v26, _, _ =	vpop (xrf0)  }
0x19b: {  	(v2sf) =	vpush v26, $0xF;
	_ =	sdelay $0xe  }
0x19c: {  	s22 =	spop (v2sf)  }
0x19d: {  	s5 =	sadd.s32 s5, s22  }
0x19e: {  	s5 =	sshll.u32 s5, $0x4  }
0x19f: {  	v26 =	vld [tilespmem:s5+$0x11000];
	_ =	sdelay $0x4  }
0x1a0: {  	vm1 =	veq.f32 v26, v24  }
0x1a1: {  	v27 =	vnsel vm1, $0x80000010, v18  }
0x1a2: {  	(xrf0) =	vmin.scan.msk.u32 $0xffff, v27;
	_ =	sdelay $0x5  }
0x1a3: {  	v27, _, _ =	vpop (xrf0)  }
0x1a4: {  	(v2sf) =	vpush v27, $0xF;
	_ =	sdelay $0xe  }
0x1a5: {  	s8 =	spop (v2sf)  }
0x1a6: {  	s5 =	sadd.s32 s8, s5  }
0x1a7: {  	s9 =	sadd.s32 $0x80000000, s5  }
0x1a8: {  	s5 =	sshll.u32 s9, $0x4  }
0x1a9: {  	v27 =	vld [tilespmem:s5+$0x1100];
	_ =	sdelay $0x4  }
0x1aa: {  	vm1 =	veq.f32 v27, v24  }
0x1ab: {  	v56 =	vnsel vm1, $0x80000010, v18  }
0x1ac: {  	(xrf0) =	vmin.scan.msk.u32 $0xffff, v56;
	_ =	sdelay $0x5  }
0x1ad: {  	v28, _, _ =	vpop (xrf0)  }
0x1ae: {  	(v2sf) =	vpush v28, $0xF;
	_ =	sdelay $0x2  }
0x1af: {  	v57 =	vmov s6;
	v22 =	vbroadcast v22, $0xF  }
0x1b0: {  	vm1 =	veq.s32 v57, v0  }
0x1b1: {  	v21 =	vsel vm1, v22, v21  }
0x1b2: {  	(xrf0) =	vmax.scan.msk.f32 $0xffff, v21;
	_ =	sdelay $0x5  }
0x1b3: {  	v22, _, _ =	vpop (xrf0)  }
0x1b4: {  	v22 =	vbroadcast v22, $0xF;
	_ =	sdelay $0x1  }
0x1b5: {  	vm1 =	veq.f32 v21, v22;
	s10 =	spop (v2sf)  }
0x1b6: {  	v58 =	vnsel vm1, $0x80000010, v18;
	s6 =	sxor.u32 $0x80000000, s10  }
0x1b7: {  	(xrf0) =	vmin.scan.msk.u32 $0xffff, v58;
	v59 =	vmov s6  }
0x1b8: {  	vm1 =	veq.s32 v59, v0  }
0x1b9: {  	s7 =	sand.u32 $0xF, s8;
	v27 =	vsel vm1, $0xBF800000, v27  }
0x1ba: {  	p3 =	sne.s32 s7, $0x0;
	s21 =	sshra.s32 s9, $0x1F;
	p4 =	slt.s32 s9, $0x1;
	(xrf0) =	vmax.scan.msk.f32 $0xffff, v27  }
0x1bb: {  	s7 =	sshrl.u32 s21, $0x1C;
	p0 =	por !p3, !p4  }
0x1bc: {  	s21 =	simm.s32 $0x1;
	s7 =	sadd.s32 s7, s9;
	p0 =	por !p0, !p0  }
0x1bd: {  	s7 =	sshra.s32 s7, $0x4;
	s21 =	simm.s32 @!p0 $0x0;
	v60, _, _ =	vpop (xrf0)  }
0x1be: {  	s7 =	ssub.s32 s7, s21;
	(v2sf) =	vpush v60, $0xF  }
0x1bf: {  	s21 =	sshll.u32 s7, $0x4  }
0x1c0: {  	s8 =	ssub.s32 s9, s21;
	v61, _, _ =	vpop (xrf0)  }
0x1c1: {  	v62 =	vmov s8;
	v28 =	vbroadcast v61, $0xF  }
0x1c2: {  	vm1 =	veq.s32 v62, v0  }
0x1c3: {  	s22 =	sand.u32 $0xF, s7;
	v26 =	vsel vm1, v28, v26  }
0x1c4: {  	p5 =	slt.s32 s7, $0x1;
	p6 =	sne.s32 s22, $0x0;
	(xrf0) =	vmax.scan.msk.f32 $0xffff, v26  }
0x1c5: {  	s9 =	sshrl.u32 s7, $0x1C;
	p0 =	por !p5, !p6  }
0x1c6: {  	s22 =	simm.s32 $0x1;
	s8 =	sadd.s32 s9, s7;
	p0 =	por !p0, !p0  }
0x1c7: {  	s8 =	sshra.s32 s8, $0x4;
	s22 =	simm.s32 @!p0 $0x0  }
0x1c8: {  	v24 =	vadd.f32 $0.0e+00, v24;
	s8 =	ssub.s32 s8, s22;
	s6 =	sadd.s32 s4, s6  }
0x1c9: {  	s22 =	sshll.u32 s8, $0x4;
	s6 =	sadd.s32 s5, s6  }
0x1ca: {  	[tilespmem:v25+s31+$0x0] =	vst.idx.msk $0x1, v24;
	s10 =	ssub.s32 s7, s22;
	v24 =	vmov s6;
	v63, _, _ =	vpop (xrf0)  }
0x1cb: {  	[tilespmem:v25+s0+$0x0] =	vst.idx.msk $0x1, v24;
	v24 =	vmov s10;
	v25 =	vbroadcast v63, $0xF  }
0x1cc: {  	[tilespmem:s5+$0x1100] =	vst v27;
	vm1 =	veq.s32 v24, v0  }
0x1cd: {  	[tilespmem:s21+$0x11000] =	vst v26;
	s21 =	spop (v2sf);
	v23 =	vsel vm1, v25, v23  }
0x1ce: {  	s6 =	sshll.u32 s21, $0x4;
	[tilespmem:s22+$0x12000] =	vst v23  }
0x1cf: {  	(xrf0) =	vmax.scan.msk.f32 $0xffff, v23;
	v23 =	vld [tilespmem:s6+$0x1000];
	_ =	sdelay $0x4  }
0x1d0: {  	vm1 =	veq.f32 v23, v22  }
0x1d1: {  	v25 =	vmov s8;
	v24, _, _ =	vpop (xrf0);
	v26 =	vnsel vm1, $0x80000010, v18  }
0x1d2: {  	s21 =	simm.s32 $0x1;
	s22 =	simm.s32 $0x2;
	v24 =	vbroadcast v24, $0xF;
	vm1 =	veq.s32 v25, v0;
	(xrf0) =	vmin.scan.msk.u32 $0xffff, v26  }
.LBB2_8:
0x1d3: {  	p0 =	sne.s32 s22, $0x67  }
0x1d4: {  	v20 =	vsel vm1, v24, v20;
	s20 =	sadd.s32 $0x4, s20;
	s5 =	smov.u32 s22;
	s22 =	sadd.s32 $0x1, s22  }
0x1d5: {  	(xrf0) =	vmax.scan.msk.f32 $0xffff, v20;
	_ =	sdelay $0x3  }
0x1d6: {  	v24, _, _ =	vpop (xrf0)  }
0x1d7: {  	(v2sf) =	vpush v24, $0xF  }
0x1d8: {  	v24, _, _ =	vpop (xrf0);
	_ =	sdelay $0xd  }
0x1d9: {  	s7 =	spop (v2sf)  }
0x1da: {  	s6 =	sadd.s32 s7, s6;
	s7 =	sand.u32 $0xF, s7  }
0x1db: {  	s8 =	sadd.s32 $0x80000000, s6  }
0x1dc: {  	p2 =	sne.s32 s7, $0x0;
	s6 =	sshll.u32 s8, $0x4;
	p1 =	slt.s32 s8, $0x1  }
0x1dd: {  	s7 =	sshra.s32 s8, $0x1F;
	v26 =	vld [tilespmem:s6+$0x0];
	p1 =	por !p2, !p1  }
0x1de: {  	s9 =	simm.s32 $0x1;
	s7 =	sshrl.u32 s7, $0x1C;
	p1 =	por !p1, !p1  }
0x1df: {  	s7 =	sadd.s32 s7, s8;
	s9 =	simm.s32 @!p1 $0x0  }
0x1e0: {  	s7 =	sshra.s32 s7, $0x4  }
0x1e1: {  	s9 =	ssub.s32 s7, s9  }
0x1e2: {  	s7 =	sshll.u32 s9, $0x4;
	v27 =	vmov s9;
	vm1 =	veq.f32 v26, v22  }
0x1e3: {  	s8 =	ssub.s32 s8, s7;
	v25 =	vnsel vm1, $0x80000010, v18  }
0x1e4: {  	v28 =	vmov s8;
	(xrf0) =	vmin.scan.msk.u32 $0xffff, v25;
	_ =	sdelay $0x5  }
0x1e5: {  	v25, _, _ =	vpop (xrf0)  }
0x1e6: {  	(v2sf) =	vpush v25, $0xF;
	_ =	sdelay $0x4  }
0x1e7: {  	v25 =	vbroadcast v24, $0xF;
	_ =	sdelay $0x1  }
0x1e8: {  	vm1 =	veq.f32 v20, v25  }
0x1e9: {  	v24 =	vnsel vm1, $0x80000010, v18  }
0x1ea: {  	(xrf0) =	vmin.scan.msk.u32 $0xffff, v24;
	_ =	sdelay $0x5  }
0x1eb: {  	s8 =	spop (v2sf);
	v24, _, _ =	vpop (xrf0)  }
0x1ec: {  	s8 =	sxor.u32 $0x80000000, s8;
	(v2sf) =	vpush v24, $0xF  }
0x1ed: {  	v24 =	vmov s21;
	s21 =	smov.u32 s5;
	s9 =	sadd.s32 s8, s6;
	v29 =	vmov s8  }
0x1ee: {  	s5 =	sadd.s32 s2, s9;
	v30 =	vadd.s32 s9, v19;
	vm1 =	veq.s32 v29, v0  }
0x1ef: {  	v29 =	vmov s5;
	v30 =	vnsel vm0, $0x0, v30;
	v26 =	vsel vm1, $0xBF800000, v26  }
0x1f0: {  	v22 =	vadd.f32 $0.0e+00, v22;
	(xrf0) =	vmax.scan.msk.f32 $0xffff, v26;
	_ =	sdelay $0x1  }
0x1f1: {  	[tilespmem:v24+s28+$0x0] =	vst.idx.msk $0x1, v22  }
0x1f2: {  	[tilespmem:v24+s29+$0x0] =	vst.idx.msk $0x1, v29  }
0x1f3: {  	v22 =	vld.idx.msk [tilespmem:v30+s19+$0x0], $0xffff  }
0x1f4: {  	v29 =	vadd.s32 s20, v0  }
0x1f5: {  	v30, _, _ =	vpop (xrf0)  }
0x1f6: {  	v30 =	vbroadcast v30, $0xF  }
0x1f7: {  	vm1 =	veq.s32 v28, v0  }
0x1f8: {  	v23 =	vsel vm1, v30, v23  }
0x1f9: {  	[tilespmem:v29+s30+$0x0] =	vst.idx.msk $0xf, v22;
	(xrf0) =	vmax.scan.msk.f32 $0xffff, v23  }
0x1fa: {  	[tilespmem:s6+$0x0] =	vst v26;
	s5 =	spop (v2sf)  }
0x1fb: {  	[tilespmem:s7+$0x1000] =	vst v23;
	s5 =	sshll.u32 s5, $0x4  }
0x1fc: {  	v23 =	vld [tilespmem:s5+$0x12000];
	_ =	sdelay $0x2  }
0x1fd: {  	v22, _, _ =	vpop (xrf0)  }
0x1fe: {  	v22 =	vbroadcast v22, $0xF  }
0x1ff: {  	vm1 =	veq.s32 v27, v0;
	vm2 =	veq.f32 v23, v25  }
0x200: {  	v21 =	vsel vm1, v22, v21;
	v22 =	vnsel vm2, $0x80000010, v18  }
0x201: {  	(xrf0) =	vmin.scan.msk.u32 $0xffff, v22;
	_ =	sdelay $0x5  }
0x202: {  	v22, _, _ =	vpop (xrf0)  }
0x203: {  	(v2sf) =	vpush v22, $0xF;
	_ =	sdelay $0xe  }
0x204: {  	s6 =	spop (v2sf)  }
0x205: {  	s5 =	sadd.s32 s5, s6  }
0x206: {  	s5 =	sshll.u32 s5, $0x4  }
0x207: {  	v26 =	vld [tilespmem:s5+$0x11000];
	_ =	sdelay $0x4  }
0x208: {  	vm1 =	veq.f32 v26, v25  }
0x209: {  	v22 =	vnsel vm1, $0x80000010, v18  }
0x20a: {  	(xrf0) =	vmin.scan.msk.u32 $0xffff, v22;
	_ =	sdelay $0x5  }
0x20b: {  	v22, _, _ =	vpop (xrf0)  }
0x20c: {  	(v2sf) =	vpush v22, $0xF;
	_ =	sdelay $0xe  }
0x20d: {  	s6 =	spop (v2sf)  }
0x20e: {  	s5 =	sadd.s32 s6, s5;
	s6 =	sand.u32 $0xF, s6  }
0x20f: {  	s5 =	sadd.s32 $0x80000000, s5;
	p1 =	sne.s32 s6, $0x0  }
0x210: {  	v22 =	vadd.f32 $0.0e+00, v25;
	s7 =	sshll.u32 s5, $0x4;
	s6 =	sshra.s32 s5, $0x1F;
	p2 =	slt.s32 s5, $0x1  }
0x211: {  	v27 =	vld [tilespmem:s7+$0x1100];
	s6 =	sshrl.u32 s6, $0x1C;
	p1 =	por !p1, !p2  }
0x212: {  	s8 =	simm.s32 $0x1;
	[tilespmem:v24+s31+$0x0] =	vst.idx.msk $0x1, v22;
	s6 =	sadd.s32 s6, s5;
	p1 =	por !p1, !p1  }
0x213: {  	s6 =	sshra.s32 s6, $0x4;
	s8 =	simm.s32 @!p1 $0x0  }
0x214: {  	s6 =	ssub.s32 s6, s8  }
0x215: {  	s8 =	sshrl.u32 s6, $0x1C;
	s9 =	sand.u32 $0xF, s6  }
0x216: {  	p1 =	slt.s32 s6, $0x1;
	vm1 =	veq.f32 v27, v25;
	s8 =	sadd.s32 s8, s6;
	p2 =	sne.s32 s9, $0x0  }
0x217: {  	v22 =	vnsel vm1, $0x80000010, v18;
	p1 =	por !p1, !p2  }
0x218: {  	s9 =	simm.s32 $0x1;
	p1 =	por !p1, !p1;
	(xrf0) =	vmin.scan.msk.u32 $0xffff, v22  }
0x219: {  	s8 =	sshra.s32 s8, $0x4;
	s9 =	simm.s32 @!p1 $0x0  }
0x21a: {  	s8 =	ssub.s32 s8, s9  }
0x21b: {  	v25 =	vmov s8;
	_ =	sdelay $0x2  }
0x21c: {  	v22, _, _ =	vpop (xrf0)  }
0x21d: {  	(v2sf) =	vpush v22, $0xF;
	_ =	sdelay $0x5  }
0x21e: {  	(xrf0) =	vmax.scan.msk.f32 $0xffff, v21;
	_ =	sdelay $0x5  }
0x21f: {  	v22, _, _ =	vpop (xrf0)  }
0x220: {  	v22 =	vbroadcast v22, $0xF;
	_ =	sdelay $0x1  }
0x221: {  	vm1 =	veq.f32 v21, v22;
	s9 =	spop (v2sf)  }
0x222: {  	v28 =	vnsel vm1, $0x80000010, v18;
	s9 =	sxor.u32 $0x80000000, s9  }
0x223: {  	(xrf0) =	vmin.scan.msk.u32 $0xffff, v28;
	s10 =	sadd.s32 s4, s9;
	v28 =	vmov s9  }
0x224: {  	s9 =	sadd.s32 s7, s10;
	vm1 =	veq.s32 v28, v0  }
0x225: {  	v28 =	vmov s9;
	v27 =	vsel vm1, $0xBF800000, v27  }
0x226: {  	[tilespmem:v24+s0+$0x0] =	vst.idx.msk $0x1, v28;
	(xrf0) =	vmax.scan.msk.f32 $0xffff, v27  }
0x227: {  	[tilespmem:s7+$0x1100] =	vst v27;
	_ =	sdelay $0x1  }
0x228: {  	v24, _, _ =	vpop (xrf0)  }
0x229: {  	(v2sf) =	vpush v24, $0xF  }
0x22a: {  	s7 =	sshll.u32 s6, $0x4  }
0x22b: {  	s5 =	ssub.s32 s5, s7;
	v24, _, _ =	vpop (xrf0)  }
0x22c: {  	v27 =	vmov s5;
	v24 =	vbroadcast v24, $0xF  }
0x22d: {  	vm1 =	veq.s32 v27, v0  }
0x22e: {  	v24 =	vsel vm1, v24, v26  }
0x22f: {  	[tilespmem:s7+$0x11000] =	vst v24;
	(xrf0) =	vmax.scan.msk.f32 $0xffff, v24;
	_ =	sdelay $0x4  }
0x230: {  	s5 =	sshll.u32 s8, $0x4  }
0x231: {  	s6 =	ssub.s32 s6, s5;
	v24, _, _ =	vpop (xrf0)  }
0x232: {  	v26 =	vmov s6;
	v24 =	vbroadcast v24, $0xF  }
0x233: {  	vm1 =	veq.s32 v26, v0  }
0x234: {  	s6 =	spop (v2sf);
	v23 =	vsel vm1, v24, v23  }
0x235: {  	s6 =	sshll.u32 s6, $0x4;
	[tilespmem:s5+$0x12000] =	vst v23;
	(xrf0) =	vmax.scan.msk.f32 $0xffff, v23  }
0x236: {  	v23 =	vld [tilespmem:s6+$0x1000];
	_ =	sdelay $0x2  }
.Ltmp3:
0x237: {  	(pc) =	sbr.rel @p0 .LBB2_8-.Ltmp3, $4  }
0x238: {  	_ = 	snop  }
0x239: {  	vm1 =	veq.f32 v23, v22;
	v24, _, _ =	vpop (xrf0)  }
0x23a: {  	v26 =	vnsel vm1, $0x80000010, v18;
	v24 =	vbroadcast v24, $0xF  }
0x23b: {  	vm1 =	veq.s32 v25, v0;
	(xrf0) =	vmin.scan.msk.u32 $0xffff, v26  }
0x23c: {  	_ =	sdelay $0x4  }
0x23d: {  	v21, _, _ =	vpop (xrf0)  }
0x23e: {  	(v2sf) =	vpush v21, $0xF;
	_ =	sdelay $0xe  }
0x23f: {  	s5 =	spop (v2sf)  }
0x240: {  	s6 =	sadd.s32 s5, s6  }
0x241: {  	s6 =	sadd.s32 $0x80000000, s6  }
0x242: {  	s7 =	sshll.u32 s6, $0x4  }
0x243: {  	v42 =	vld [tilespmem:s7+$0x0];
	_ =	sdelay $0x4  }
0x244: {  	v20 =	vsel vm1, v24, v20;
	vm1 =	veq.f32 v42, v22  }
0x245: {  	(xrf0) =	vmax.scan.msk.f32 $0xffff, v20;
	v43 =	vnsel vm1, $0x80000010, v18  }
0x246: {  	(xrf0) =	vmin.scan.msk.u32 $0xffff, v43;
	_ =	sdelay $0x4  }
0x247: {  	v44, _, _ =	vpop (xrf0)  }
0x248: {  	v25, _, _ =	vpop (xrf0)  }
0x249: {  	(v2sf) =	vpush v25, $0xF;
	_ =	sdelay $0x3  }
0x24a: {  	v24 =	vbroadcast v44, $0xF;
	_ =	sdelay $0x1  }
0x24b: {  	vm1 =	veq.f32 v20, v24  }
0x24c: {  	v20 =	vnsel vm1, $0x80000010, v18  }
0x24d: {  	(xrf0) =	vmin.scan.msk.u32 $0xffff, v20;
	_ =	sdelay $0x5  }
0x24e: {  	v20, _, _ =	vpop (xrf0)  }
0x24f: {  	s8 =	spop (v2sf);
	(v2sf) =	vpush v20, $0xF  }
0x250: {  	s8 =	sxor.u32 $0x80000000, s8  }
0x251: {  	v20 =	vmov s21;
	s9 =	sadd.s32 s8, s7  }
0x252: {  	v45 =	vmov s8;
	v26 =	vadd.s32 s9, v19  }
0x253: {  	s5 =	sand.u32 $0xF, s5;
	vm1 =	veq.s32 v45, v0;
	v46 =	vnsel vm0, $0x0, v26  }
0x254: {  	v47 =	vadd.f32 $0.0e+00, v22;
	p1 =	sne.s32 s5, $0x0;
	v21 =	vsel vm1, $0xBF800000, v42  }
0x255: {  	p0 =	slt.s32 s6, $0x1;
	s10 =	sshra.s32 s6, $0x1F;
	s21 =	sadd.s32 s2, s9;
	(xrf0) =	vmax.scan.msk.f32 $0xffff, v21  }
0x256: {  	s22 =	sadd.s32 $0x4, s20;
	p0 =	por !p1, !p0;
	s5 =	sshrl.u32 s10, $0x1C;
	v48 =	vmov s21;
	[tilespmem:v20+s28+$0x0] =	vst.idx.msk $0x1, v47  }
0x257: {  	p0 =	por !p0, !p0;
	s5 =	sadd.s32 s5, s6;
	s8 =	simm.s32 $0x1;
	[tilespmem:v20+s29+$0x0] =	vst.idx.msk $0x1, v48  }
0x258: {  	v49 =	vadd.s32 s22, v0;
	s5 =	sshra.s32 s5, $0x4;
	s8 =	simm.s32 @!p0 $0x0;
	v22 =	vld.idx.msk [tilespmem:v46+s19+$0x0], $0xffff  }
0x259: {  	s5 =	ssub.s32 s5, s8  }
0x25a: {  	s5 =	sshll.u32 s5, $0x4  }
0x25b: {  	s6 =	ssub.s32 s6, s5;
	v50, _, _ =	vpop (xrf0)  }
0x25c: {  	v27 =	vmov s6;
	v26 =	vbroadcast v50, $0xF  }
0x25d: {  	vm1 =	veq.s32 v27, v0;
	[tilespmem:v49+s30+$0x0] =	vst.idx.msk $0xf, v22  }
0x25e: {  	v51 =	vsel vm1, v26, v23;
	[tilespmem:s7+$0x0] =	vst v21;
	s10 =	spop (v2sf)  }
0x25f: {  	[tilespmem:s5+$0x1000] =	vst v51;
	s20 =	sshll.u32 s10, $0x4  }
0x260: {  	v21 =	vld [tilespmem:s20+$0x12000];
	_ =	sdelay $0x4  }
0x261: {  	vm1 =	veq.f32 v21, v24  }
0x262: {  	(xrf0) =	vmax.scan.msk.f32 $0xffff, v51;
	v52 =	vnsel vm1, $0x80000010, v18  }
0x263: {  	(xrf0) =	vmin.scan.msk.u32 $0xffff, v52;
	_ =	sdelay $0x4  }
0x264: {  	v53, _, _ =	vpop (xrf0)  }
0x265: {  	v22, _, _ =	vpop (xrf0)  }
0x266: {  	(v2sf) =	vpush v22, $0xF;
	_ =	sdelay $0xe  }
0x267: {  	s21 =	spop (v2sf)  }
0x268: {  	s5 =	sadd.s32 s20, s21  }
0x269: {  	s5 =	sshll.u32 s5, $0x4  }
0x26a: {  	v54 =	vld [tilespmem:s5+$0x11000];
	_ =	sdelay $0x4  }
0x26b: {  	vm1 =	veq.f32 v54, v24  }
0x26c: {  	v55 =	vnsel vm1, $0x80000010, v18  }
0x26d: {  	(xrf0) =	vmin.scan.msk.u32 $0xffff, v55;
	_ =	sdelay $0x5  }
0x26e: {  	v23, _, _ =	vpop (xrf0)  }
0x26f: {  	(v2sf) =	vpush v23, $0xF;
	_ =	sdelay $0xe  }
0x270: {  	s22 =	spop (v2sf)  }
0x271: {  	s5 =	sadd.s32 s22, s5  }
0x272: {  	s5 =	sadd.s32 $0x80000000, s5  }
0x273: {  	s7 =	sshll.u32 s5, $0x4  }
0x274: {  	v56 =	vld [tilespmem:s7+$0x1100];
	_ =	sdelay $0x4  }
0x275: {  	vm1 =	veq.f32 v56, v24  }
0x276: {  	v57 =	vnsel vm1, $0x80000010, v18  }
0x277: {  	(xrf0) =	vmin.scan.msk.u32 $0xffff, v57;
	_ =	sdelay $0x5  }
0x278: {  	v25, _, _ =	vpop (xrf0)  }
0x279: {  	(v2sf) =	vpush v25, $0xF;
	_ =	sdelay $0xe  }
0x27a: {  	s9 =	spop (v2sf)  }
0x27b: {  	s8 =	sxor.u32 $0x80000000, s9  }
0x27c: {  	v58 =	vmov s8  }
0x27d: {  	vm1 =	veq.s32 v58, v0  }
0x27e: {  	s6 =	sand.u32 $0xF, s22;
	v23 =	vsel vm1, $0xBF800000, v56  }
0x27f: {  	p3 =	sne.s32 s6, $0x0;
	s10 =	sshra.s32 s5, $0x1F;
	p4 =	slt.s32 s5, $0x1;
	(xrf0) =	vmax.scan.msk.f32 $0xffff, v23  }
0x280: {  	s6 =	sshrl.u32 s10, $0x1C;
	p0 =	por !p3, !p4  }
0x281: {  	s6 =	sadd.s32 s6, s5;
	p0 =	por !p0, !p0;
	s9 =	simm.s32 $0x1  }
0x282: {  	s6 =	sshra.s32 s6, $0x4;
	s9 =	simm.s32 @!p0 $0x0  }
0x283: {  	s6 =	ssub.s32 s6, s9  }
0x284: {  	s9 =	sshll.u32 s6, $0x4  }
0x285: {  	s5 =	ssub.s32 s5, s9;
	v59, _, _ =	vpop (xrf0)  }
0x286: {  	v60 =	vmov s5;
	v25 =	vbroadcast v59, $0xF  }
0x287: {  	vm1 =	veq.s32 v60, v0  }
0x288: {  	s20 =	sand.u32 $0xF, s6;
	v22 =	vsel vm1, v25, v54  }
0x289: {  	p5 =	slt.s32 s6, $0x1;
	p6 =	sne.s32 s20, $0x0;
	(xrf0) =	vmax.scan.msk.f32 $0xffff, v22  }
0x28a: {  	s21 =	sshrl.u32 s6, $0x1C;
	p0 =	por !p5, !p6  }
0x28b: {  	s10 =	simm.s32 $0x1;
	s5 =	sadd.s32 s21, s6;
	p0 =	por !p0, !p0  }
0x28c: {  	s5 =	sshra.s32 s5, $0x4;
	s10 =	simm.s32 @!p0 $0x0  }
0x28d: {  	s5 =	ssub.s32 s5, s10  }
0x28e: {  	s5 =	sshll.u32 s5, $0x4  }
0x28f: {  	s6 =	ssub.s32 s6, s5;
	v61, _, _ =	vpop (xrf0)  }
0x290: {  	v62 =	vmov s6;
	v25 =	vbroadcast v61, $0xF  }
0x291: {  	vm1 =	veq.s32 v62, v0  }
0x292: {  	v24 =	vadd.f32 $0.0e+00, v24;
	s22 =	sadd.s32 s4, s8;
	v21 =	vsel vm1, v25, v21  }
0x293: {  	s6 =	sadd.s32 s7, s22;
	(xrf0) =	vmax.scan.msk.f32 $0xffff, v21  }
0x294: {  	[tilespmem:v20+s31+$0x0] =	vst.idx.msk $0x1, v24;
	v63 =	vmov s6  }
0x295: {  	[tilespmem:v20+s0+$0x0] =	vst.idx.msk $0x1, v63  }
0x296: {  	[tilespmem:s7+$0x1100] =	vst v23  }
0x297: {  	[tilespmem:s9+$0x11000] =	vst v22  }
0x298: {  	[tilespmem:s5+$0x12000] =	vst v21  }
0x299: {  	[hbm4b:s11+s3] =	stream.linear.scatter [tilespmem:s28], [sflag:$0x2], $0x68, $0x38;
	v20, _, _ =	vpop (xrf0);
	[tilespmem:$0x16500] =	vst v63  }
0x29a: {  	_ =	swait.ge [sflag:s18], $0x68  }
0x29b: {  	[sflag:s18] =	ssyncset.done $0x0  }
0x29c: {  	[sflag:s18] =	ssyncadd.s32 $0xFFFFFF98  }
0x29d: {  	[hbm4b:s12+s3] =	stream.linear.scatter [tilespmem:s29], [sflag:$0x2], $0x68, $0x38;
	[tilespmem:$0x16500] =	vst v63  }
0x29e: {  	_ =	swait.ge [sflag:s18], $0x68  }
0x29f: {  	[sflag:s18] =	ssyncset.done $0x0  }
0x2a0: {  	[sflag:s18] =	ssyncadd.s32 $0xFFFFFF98  }
0x2a1: {  	[hbm4b:s13+s3] =	stream.linear.scatter [tilespmem:s30], [sflag:$0x2], $0x1A0, $0x38;
	[tilespmem:$0x16500] =	vst v63  }
0x2a2: {  	_ =	swait.ge [sflag:s18], $0x1A0  }
0x2a3: {  	[sflag:s18] =	ssyncset.done $0x0  }
0x2a4: {  	[sflag:s18] =	ssyncadd.s32 $0xFFFFFE60  }
0x2a5: {  	[hbm4b:s14+s3] =	stream.linear.scatter [tilespmem:s31], [sflag:$0x2], $0x68, $0x38;
	[tilespmem:$0x16500] =	vst v63  }
0x2a6: {  	s1 =	sadd.s32 $0x1, s1;
	_ =	swait.ge [sflag:s18], $0x68  }
0x2a7: {  	p0 =	sne.s32 s1, s16;
	[sflag:s18] =	ssyncset.done $0x0  }
.Ltmp4:
0x2a8: {  	[sflag:s18] =	ssyncadd.s32 $0xFFFFFF98;
	(pc) =	sbr.rel @p0 .LBB2_1-.Ltmp4, $4  }
0x2a9: {  	[hbm4b:s15+s3] =	stream.linear.scatter [tilespmem:s0], [sflag:$0x2], $0x68, $0x38;
	[tilespmem:$0x16500] =	vst v63  }
0x2aa: {  	_ =	swait.ge [sflag:s18], $0x68  }
0x2ab: {  	[sflag:s18] =	ssyncset.done $0x0  }
0x2ac: {  	[sflag:s18] =	ssyncadd.s32 $0xFFFFFF98  }
0x2ad: {  	_ =	sfence.sel $0x180000  }
0x2ae: {  	[bflag:$0x0] =	sbarrier.arrive $0xFFFF  }
0x2af: {  	_ =	strace $0x90000047  }
0x2b0: {  	s0 =	stileid.u32;
	[bflag:$0x2] =	sbarrier.arrive $0xFFFF  }
0x2b1: {  	p0 =	sne.s32 s0, $0x0;
	s0 =	rddreg [dreg:$0x2]  }
0x2b2: {  	s0 =	sadd.s32 @!p0 $0x100000, s0  }
0x2b3: {  	[sflag:s0] =	ssyncadd.tile.s32 @!p0 $0x1;
	_ =	shalt  }
.Lfunc_end2:
_tile_overlayer_lowered:
.L_overlay_start_2:
0x2b4: {  	(tag) =	ssettag $0x2  }
0x2b5: {  	s0 =	rddreg [dreg:$0x0];
	s2 =	stileid.u32  }
0x2b6: {  	s1 =	rddreg [dreg:$0x1];
	p0 =	sne.s32 s2, $0x0  }
0x2b7: {  	s3 =	rddreg [dreg:$0x2];
	[bflag:$0x3] =	sbarrier.arrive $0xFFFF;
	s2 =	simm.s32 @!p0 $0x1C02  }
0x2b8: {  	[timem:s3], [sflag:s2] =	dma.local @!p0 [hbm:s0], s1  }
0x2b9: {  	s0 =	simm.s32 @!p0 $0x2  }
0x2ba: {  	_ =	swait.ge @!p0 [sflag:s0], s1  }
0x2bb: {  	s1 =	ssub.s32 @!p0 $0x0, s1;
	[sflag:s0] =	ssyncset.done @!p0 $0x0  }
0x2bc: {  	[sflag:s0] =	ssyncadd.s32 @!p0 s1  }
0x2bd: {  	[bflag:$0x3] =	sbarrier.arrive $0xFFFF  }
0x2be: {  	_ =	shalt  }

</sc_bundles>
